<compile_context>
chip_gen: v7x
topology: tpu7x:2x2x1
jax: 0.10.2.dev20260603
libtpu: 0.0.44.dev20260713+nightly
codegen_flags: <defaults>
</compile_context>

<pallas_src>
import functools

import jax
import jax.numpy as jnp
from jax import lax
from jax.experimental import pallas as pl
from jax.experimental.pallas import tpu as pltpu
from jax.experimental.pallas import tpu_sc as plsc

NC, NS = 2, 16
NW = NC * NS
CHUNK = 1024
NBUF = 2
TW = 512


def _reformat_kernel(D, V):
    n_full = V // TW
    tail = V - n_full * TW
    per_w = n_full // NW
    extra = n_full - per_w * NW
    n_pairs = (per_w + 1 + NBUF - 1) // NBUF
    mesh = plsc.VectorSubcoreMesh(
        core_axis_name="c", subcore_axis_name="s", num_cores=NC, num_subcores=NS
    )

    @functools.partial(
        pl.kernel,
        mesh=mesh,
        out_type=jax.ShapeDtypeStruct((V * D,), jnp.float32),
        scratch_types=[
            pltpu.VMEM((D, TW), jnp.float32),
            pltpu.VMEM((D, TW), jnp.float32),
            pltpu.VMEM((TW * D,), jnp.float32),
            pltpu.VMEM((TW * D,), jnp.float32),
            pltpu.SemaphoreType.DMA((NBUF,)),
            pltpu.SemaphoreType.DMA((NBUF,)),
        ],
        compiler_params=pltpu.CompilerParams(
            use_tc_tiling_on_sc=True, needs_layout_passes=False
        ),
    )
    def run(tt_hbm, sub_hbm, out_hbm, in0_v, in1_v, outT0_v, outT1_v,
            isem, osem):
        wid = lax.axis_index("s") * NC + lax.axis_index("c")
        lane32 = lax.iota(jnp.int32, 16) * D
        ins = (in0_v, in1_v)
        outs = (outT0_v, outT1_v)

        @pl.when(wid == NW - 1)
        def _():
            pltpu.sync_copy(sub_hbm, outT0_v.at[pl.ds(0, tail * D)])
            pltpu.sync_copy(
                outT0_v.at[pl.ds(0, tail * D)],
                out_hbm.at[pl.ds(n_full * TW * D, tail * D)],
            )

        my_n = per_w + jnp.where(wid < extra, 1, 0)

        def col_of(t):
            return t * NW + wid

        def in_copy(t, b):
            return pltpu.make_async_copy(
                tt_hbm.at[:, pl.ds(col_of(t) * TW, TW)], ins[b], isem.at[b]
            )

        def out_copy(t, b):
            return pltpu.make_async_copy(
                outs[b], out_hbm.at[pl.ds(col_of(t) * TW * D, TW * D)],
                osem.at[b],
            )

        def transpose_block(b):
            def body_g(g, carry):
                j0 = g * 16
                vals = [ins[b][d, pl.ds(j0, 16)] for d in range(D)]
                for d in range(D):
                    plsc.store_scatter(
                        outs[b], [lane32 + (j0 * D + d)], vals[d]
                    )
                return carry

            lax.fori_loop(0, TW // 16, body_g, 0)

        @pl.when(my_n > 0)
        def _():
            in_copy(0, 0).start()

        def pair(p, carry):
            for b in range(NBUF):
                t = p * NBUF + b

                @pl.when(t < my_n)
                def _():
                    @pl.when(t + 1 < my_n)
                    def _():
                        in_copy(t + 1, (b + 1) % NBUF).start()

                    in_copy(t, b).wait()

                    @pl.when(t >= NBUF)
                    def _():
                        out_copy(t - NBUF, b).wait()

                    transpose_block(b)
                    out_copy(t, b).start()

            return carry

        lax.fori_loop(0, n_pairs, pair, 0)
        for b in range(NBUF):
            last = my_n - 1 - ((my_n - 1 - b) % NBUF)
            out_copy(last, b).wait()

    return run


def _gather_kernel(B, D):
    per_w = B // NW
    n_chunks = per_w // CHUNK
    mesh = plsc.VectorSubcoreMesh(
        core_axis_name="c", subcore_axis_name="s", num_cores=NC, num_subcores=NS
    )

    @functools.partial(
        pl.kernel,
        mesh=mesh,
        out_type=jax.ShapeDtypeStruct((B, D), jnp.float32),
        scratch_types=[
            pltpu.VMEM((per_w,), jnp.int32),
            pltpu.VMEM((NBUF, CHUNK, D), jnp.float32),
            pltpu.SemaphoreType.DMA((NBUF,)),
            pltpu.SemaphoreType.DMA((NBUF,)),
        ],
        compiler_params=pltpu.CompilerParams(use_tc_tiling_on_sc=False),
    )
    def run(idx_hbm, table_hbm, out_hbm, idx_v, rows_v, gsem, osem):
        wid = lax.axis_index("s") * NC + lax.axis_index("c")
        base = wid * per_w
        pltpu.sync_copy(idx_hbm.at[pl.ds(base, per_w)], idx_v)

        gathers = [None] * n_chunks
        writes = [None] * n_chunks
        for c in range(n_chunks):
            b = c % NBUF
            if c >= NBUF:
                writes[c - NBUF].wait()
            gathers[c] = pltpu.async_copy(
                table_hbm.at[idx_v.at[pl.ds(c * CHUNK, CHUNK)]],
                rows_v.at[b],
                gsem.at[b],
            )
            if c >= 1:
                pb = (c - 1) % NBUF
                gathers[c - 1].wait()
                writes[c - 1] = pltpu.async_copy(
                    rows_v.at[pb],
                    out_hbm.at[pl.ds(base + (c - 1) * CHUNK, CHUNK)],
                    osem.at[pb],
                )
        last = n_chunks - 1
        lb = last % NBUF
        gathers[last].wait()
        writes[last] = pltpu.async_copy(
            rows_v.at[lb], out_hbm.at[pl.ds(base + last * CHUNK, CHUNK)], osem.at[lb]
        )
        writes[last - 1].wait()
        writes[last].wait()

    return run


def kernel(x, table):
    B = x.size
    V, D = table.shape
    n_full = V // TW
    tail = V - n_full * TW
    idx = x.reshape(B).astype(jnp.int32)
    tt = jnp.transpose(table, (1, 0))
    sub = jnp.reshape(table[n_full * TW :], (tail * D,))
    table_lin = _reformat_kernel(D, V)(tt, sub)
    table_rm = jnp.reshape(table_lin, (V, D))
    out = _gather_kernel(B, D)(idx, table_rm)
    return out.reshape(x.shape + (D,))

# --- scband reference (transcript-rebuilt; emitter-appended) ---
"""Pipeline reference for scband-skip-gram-46694884442574 (READ-ONLY COPY).

The authoritative reference and input builder live on the scoring server;
editing this copy changes nothing except your own understanding.
"""

import jax, jax.numpy as jnp
import numpy as np

VOCAB = 1000000
EMBED = 32

def setup_inputs(seed: int = 0) -> dict:
    key = jax.random.key(seed)
    k1, k2 = jax.random.split(key)
    x = jax.random.randint(k1, (16384, 1, 20), 0, VOCAB, dtype=jnp.int64 if jax.config.jax_enable_x64 else jnp.int32)
    table = jax.random.normal(k2, (VOCAB, EMBED), dtype=jnp.float32)
    return {"x": x, "table": table}

def reference(x, table):
    # SkipGram.forward: nn.Embedding lookup -> table[x]
    # output shape: (batch, 1, #subsequence, embed_dim)
    return jnp.take(table, x, axis=0)

if __name__ == "__main__":
    import jax
    _d = setup_inputs()
    print(jax.jit(kernel)(*tuple(_d.values())))

</pallas_src>

<mosaic_0001>
#map = affine_map<(d0, d1) -> (0, 0)>
#map1 = affine_map<(d0, d1) -> (0)>
module attributes {stable_mosaic.version = 14 : i64} {
  func.func @run(%arg0: i32, %arg1: i32, %arg2: memref<32x1000000xf32, #tpu.memory_space<hbm>>, %arg3: memref<2048xf32, #tpu.memory_space<hbm>>, %arg4: memref<32000000xf32, #tpu.memory_space<hbm>>, %arg5: memref<32x512xf32, #tpu.memory_space<vmem>>, %arg6: memref<32x512xf32, #tpu.memory_space<vmem>>, %arg7: memref<16384xf32, #tpu.memory_space<vmem>>, %arg8: memref<16384xf32, #tpu.memory_space<vmem>>, %arg9: memref<2x!tpu.dma_semaphore, #tpu.memory_space<semaphore_mem>>, %arg10: memref<2x!tpu.dma_semaphore, #tpu.memory_space<semaphore_mem>>) attributes {dimension_semantics = [#tpu.dimension_semantics<core_parallel>, #tpu.dimension_semantics<subcore_parallel>], iteration_bounds = array<i64: 2, 16>, scalar_prefetch = 0 : i64, scratch_operands = 6 : i64, tpu.core_type = #tpu.core_type<sc_vector_subcore>, window_params = [{transform_indices = #map}, {transform_indices = #map1}, {transform_indices = #map1}]} {
    %mul3A = arith.constant 2 : i32
    %mul3A_0 = arith.muli %arg1, %mul3A : i32
    %add3A = arith.addi %mul3A_0, %arg0 : i32
    %iota3A = tpu.iota {dimensions = array<i32: 0>} : vector<16xi32>
    %mul3A_1 = arith.constant 32 : i32
    %mul3A_2 = vector.broadcast %mul3A_1 : i32 to vector<16xi32>
    %mul3A_3 = arith.muli %iota3A, %mul3A_2 : vector<16xi32>
    %eq3A = arith.constant 31 : i32
    %eq3A_4 = arith.cmpi eq, %add3A, %eq3A : i32
    %convert_element_type3A = arith.extui %eq3A_4 : i1 to i32
    %cond3A = arith.constant 0 : i32
    %cond3A_5 = arith.cmpi ne, %convert_element_type3A, %cond3A : i32
    scf.if %cond3A_5 {
      "tpu.region"() ({
        %run_scoped3A = tpu.sem_alloc : memref<!tpu.dma_semaphore, #tpu.memory_space<semaphore_mem>>
        %dma_start3A = arith.constant 0 : i32
        %dma_start3A_84 = tpu.memref_slice %arg7[%dma_start3A] : memref<16384xf32, #tpu.memory_space<vmem>> -> memref<2048xf32, #tpu.memory_space<vmem>>
        %dma_start3A_85 = arith.constant 0 : i32
        %dma_start3A_86 = tpu.memref_slice %arg7[%dma_start3A_85] : memref<16384xf32, #tpu.memory_space<vmem>> -> memref<2048xf32, #tpu.memory_space<vmem>>
        tpu.enqueue_dma source(%arg3 : memref<2048xf32, #tpu.memory_space<hbm>>) target(%dma_start3A_86 : memref<2048xf32, #tpu.memory_space<vmem>>) target_semaphore(%run_scoped3A : memref<!tpu.dma_semaphore, #tpu.memory_space<semaphore_mem>>)
        %dma_wait3A_87 = arith.constant 0 : i32
        %dma_wait3A_88 = tpu.memref_slice %arg7[%dma_wait3A_87] : memref<16384xf32, #tpu.memory_space<vmem>> -> memref<2048xf32, #tpu.memory_space<vmem>>
        %dma_wait3A_89 = arith.constant 0 : i32
        %dma_wait3A_90 = tpu.memref_slice %arg7[%dma_wait3A_89] : memref<16384xf32, #tpu.memory_space<vmem>> -> memref<2048xf32, #tpu.memory_space<vmem>>
        tpu.wait_dma2 semaphore(%run_scoped3A : memref<!tpu.dma_semaphore, #tpu.memory_space<semaphore_mem>>) src(%arg3 : memref<2048xf32, #tpu.memory_space<hbm>>) dst(%dma_wait3A_90 : memref<2048xf32, #tpu.memory_space<vmem>>)
        tpu.yield
      }) : () -> ()
      "tpu.region"() ({
        %run_scoped3A = tpu.sem_alloc : memref<!tpu.dma_semaphore, #tpu.memory_space<semaphore_mem>>
        %dma_start3A = arith.constant 0 : i32
        %dma_start3A_84 = tpu.memref_slice %arg7[%dma_start3A] : memref<16384xf32, #tpu.memory_space<vmem>> -> memref<2048xf32, #tpu.memory_space<vmem>>
        %dma_start3A_85 = arith.constant 31997952 : i32
        %dma_start3A_86 = tpu.memref_slice %arg4[%dma_start3A_85] : memref<32000000xf32, #tpu.memory_space<hbm>> -> memref<2048xf32, #tpu.memory_space<hbm>>
        %dma_start3A_87 = arith.constant 31997952 : i32
        %dma_start3A_88 = tpu.memref_slice %arg4[%dma_start3A_87] : memref<32000000xf32, #tpu.memory_space<hbm>> -> memref<2048xf32, #tpu.memory_space<hbm>>
        %dma_start3A_89 = arith.constant 0 : i32
        %dma_start3A_90 = tpu.memref_slice %arg7[%dma_start3A_89] : memref<16384xf32, #tpu.memory_space<vmem>> -> memref<2048xf32, #tpu.memory_space<vmem>>
        tpu.enqueue_dma source(%dma_start3A_90 : memref<2048xf32, #tpu.memory_space<vmem>>) target(%dma_start3A_88 : memref<2048xf32, #tpu.memory_space<hbm>>) target_semaphore(%run_scoped3A : memref<!tpu.dma_semaphore, #tpu.memory_space<semaphore_mem>>)
        %dma_wait3A_91 = arith.constant 0 : i32
        %dma_wait3A_92 = tpu.memref_slice %arg7[%dma_wait3A_91] : memref<16384xf32, #tpu.memory_space<vmem>> -> memref<2048xf32, #tpu.memory_space<vmem>>
        %dma_wait3A_93 = arith.constant 31997952 : i32
        %dma_wait3A_94 = tpu.memref_slice %arg4[%dma_wait3A_93] : memref<32000000xf32, #tpu.memory_space<hbm>> -> memref<2048xf32, #tpu.memory_space<hbm>>
        %dma_wait3A_95 = arith.constant 31997952 : i32
        %dma_wait3A_96 = tpu.memref_slice %arg4[%dma_wait3A_95] : memref<32000000xf32, #tpu.memory_space<hbm>> -> memref<2048xf32, #tpu.memory_space<hbm>>
        %dma_wait3A_97 = arith.constant 0 : i32
        %dma_wait3A_98 = tpu.memref_slice %arg7[%dma_wait3A_97] : memref<16384xf32, #tpu.memory_space<vmem>> -> memref<2048xf32, #tpu.memory_space<vmem>>
        tpu.wait_dma2 semaphore(%run_scoped3A : memref<!tpu.dma_semaphore, #tpu.memory_space<semaphore_mem>>) src(%dma_wait3A_98 : memref<2048xf32, #tpu.memory_space<vmem>>) dst(%dma_wait3A_96 : memref<2048xf32, #tpu.memory_space<hbm>>)
        tpu.yield
      }) : () -> ()
    } else {
    }
    %lt3A = arith.constant 1 : i32
    %lt3A_6 = arith.cmpi slt, %add3A, %lt3A : i32
    %jit3A = arith.constant 1 : i32
    %jit3A_7 = arith.constant 0 : i32
    %select_n3A = arith.select %lt3A_6, %jit3A, %jit3A_7 : i32
    %add3A_8 = arith.constant 61 : i32
    %add3A_9 = arith.addi %add3A_8, %select_n3A : i32
    %gt3A = arith.constant 0 : i32
    %gt3A_10 = arith.cmpi sgt, %add3A_9, %gt3A : i32
    %convert_element_type3A_11 = arith.extui %gt3A_10 : i1 to i32
    %cond3A_12 = arith.constant 0 : i32
    %cond3A_13 = arith.cmpi ne, %convert_element_type3A_11, %cond3A_12 : i32
    scf.if %cond3A_13 {
      %add3A_84 = arith.constant 0 : i32
      %add3A_85 = arith.addi %add3A_84, %add3A : i32
      %mul3A_86 = arith.constant 512 : i32
      %mul3A_87 = arith.muli %add3A_85, %mul3A_86 : i32
      %dma_start3A = arith.constant 0 : i32
      %dma_start3A_88 = arith.constant 0 : i32
      %dma_start3A_89 = tpu.memref_slice %arg2[%dma_start3A_88, %mul3A_87] : memref<32x1000000xf32, #tpu.memory_space<hbm>> -> memref<32x512xf32, #tpu.memory_space<hbm>>
      %dma_start3A_90 = tpu.memref_slice %arg9[%dma_start3A] : memref<2x!tpu.dma_semaphore, #tpu.memory_space<semaphore_mem>> -> memref<1x!tpu.dma_semaphore, #tpu.memory_space<semaphore_mem>>
      %dma_start3A_91 = tpu.memref_squeeze %dma_start3A_90 : memref<1x!tpu.dma_semaphore, #tpu.memory_space<semaphore_mem>> -> memref<!tpu.dma_semaphore, #tpu.memory_space<semaphore_mem>>
      %dma_start3A_92 = arith.constant 0 : i32
      %dma_start3A_93 = tpu.memref_slice %arg2[%dma_start3A_92, %mul3A_87] : memref<32x1000000xf32, #tpu.memory_space<hbm>> -> memref<32x512xf32, #tpu.memory_space<hbm>>
      tpu.enqueue_dma source(%dma_start3A_93 : memref<32x512xf32, #tpu.memory_space<hbm>>) target(%arg5 : memref<32x512xf32, #tpu.memory_space<vmem>>) target_semaphore(%dma_start3A_91 : memref<!tpu.dma_semaphore, #tpu.memory_space<semaphore_mem>>)
    } else {
    }
    %scan3A = arith.constant 0 : i32
    %scan3A_14 = arith.constant 0 : i32
    %scan3A_15 = arith.constant 31 : i32
    %scan3A_16 = arith.addi %scan3A_14, %scan3A_15 : i32
    %scan3A_17 = arith.constant 1 : i32
    scf.for %scan3A_84 = %scan3A_14 to %scan3A_16 step %scan3A_17  : i32 {
      %mul3A_85 = arith.constant 2 : i32
      %mul3A_86 = arith.muli %scan3A_84, %mul3A_85 : i32
      %add3A_87 = arith.constant 0 : i32
      %add3A_88 = arith.addi %mul3A_86, %add3A_87 : i32
      %lt3A_89 = arith.cmpi slt, %add3A_88, %add3A_9 : i32
      %convert_element_type3A_90 = arith.extui %lt3A_89 : i1 to i32
      %cond3A_91 = arith.constant 0 : i32
      %cond3A_92 = arith.cmpi ne, %convert_element_type3A_90, %cond3A_91 : i32
      scf.if %cond3A_92 {
        %add3A_101 = arith.constant 1 : i32
        %add3A_102 = arith.addi %add3A_88, %add3A_101 : i32
        %lt3A_103 = arith.cmpi slt, %add3A_102, %add3A_9 : i32
        %convert_element_type3A_104 = arith.extui %lt3A_103 : i1 to i32
        %cond3A_105 = arith.constant 0 : i32
        %cond3A_106 = arith.cmpi ne, %convert_element_type3A_104, %cond3A_105 : i32
        scf.if %cond3A_106 {
          %add3A_140 = arith.constant 1 : i32
          %add3A_141 = arith.addi %add3A_88, %add3A_140 : i32
          %mul3A_142 = arith.constant 32 : i32
          %mul3A_143 = arith.muli %add3A_141, %mul3A_142 : i32
          %add3A_144 = arith.addi %mul3A_143, %add3A : i32
          %mul3A_145 = arith.constant 512 : i32
          %mul3A_146 = arith.muli %add3A_144, %mul3A_145 : i32
          %dma_start3A_147 = arith.constant 1 : i32
          %dma_start3A_148 = arith.constant 0 : i32
          %dma_start3A_149 = tpu.memref_slice %arg2[%dma_start3A_148, %mul3A_146] : memref<32x1000000xf32, #tpu.memory_space<hbm>> -> memref<32x512xf32, #tpu.memory_space<hbm>>
          %dma_start3A_150 = tpu.memref_slice %arg9[%dma_start3A_147] : memref<2x!tpu.dma_semaphore, #tpu.memory_space<semaphore_mem>> -> memref<1x!tpu.dma_semaphore, #tpu.memory_space<semaphore_mem>>
          %dma_start3A_151 = tpu.memref_squeeze %dma_start3A_150 : memref<1x!tpu.dma_semaphore, #tpu.memory_space<semaphore_mem>> -> memref<!tpu.dma_semaphore, #tpu.memory_space<semaphore_mem>>
          %dma_start3A_152 = arith.constant 0 : i32
          %dma_start3A_153 = tpu.memref_slice %arg2[%dma_start3A_152, %mul3A_146] : memref<32x1000000xf32, #tpu.memory_space<hbm>> -> memref<32x512xf32, #tpu.memory_space<hbm>>
          tpu.enqueue_dma source(%dma_start3A_153 : memref<32x512xf32, #tpu.memory_space<hbm>>) target(%arg6 : memref<32x512xf32, #tpu.memory_space<vmem>>) target_semaphore(%dma_start3A_151 : memref<!tpu.dma_semaphore, #tpu.memory_space<semaphore_mem>>)
        } else {
        }
        %mul3A_107 = arith.constant 32 : i32
        %mul3A_108 = arith.muli %add3A_88, %mul3A_107 : i32
        %add3A_109 = arith.addi %mul3A_108, %add3A : i32
        %mul3A_110 = arith.constant 512 : i32
        %mul3A_111 = arith.muli %add3A_109, %mul3A_110 : i32
        %dma_wait3A_112 = arith.constant 0 : i32
        %dma_wait3A_113 = arith.constant 0 : i32
        %dma_wait3A_114 = tpu.memref_slice %arg2[%dma_wait3A_113, %mul3A_111] : memref<32x1000000xf32, #tpu.memory_space<hbm>> -> memref<32x512xf32, #tpu.memory_space<hbm>>
        %dma_wait3A_115 = tpu.memref_slice %arg9[%dma_wait3A_112] : memref<2x!tpu.dma_semaphore, #tpu.memory_space<semaphore_mem>> -> memref<1x!tpu.dma_semaphore, #tpu.memory_space<semaphore_mem>>
        %dma_wait3A_116 = tpu.memref_squeeze %dma_wait3A_115 : memref<1x!tpu.dma_semaphore, #tpu.memory_space<semaphore_mem>> -> memref<!tpu.dma_semaphore, #tpu.memory_space<semaphore_mem>>
        %dma_wait3A_117 = arith.constant 0 : i32
        %dma_wait3A_118 = tpu.memref_slice %arg2[%dma_wait3A_117, %mul3A_111] : memref<32x1000000xf32, #tpu.memory_space<hbm>> -> memref<32x512xf32, #tpu.memory_space<hbm>>
        tpu.wait_dma2 semaphore(%dma_wait3A_116 : memref<!tpu.dma_semaphore, #tpu.memory_space<semaphore_mem>>) src(%dma_wait3A_118 : memref<32x512xf32, #tpu.memory_space<hbm>>) dst(%arg5 : memref<32x512xf32, #tpu.memory_space<vmem>>)
        %ge3A = arith.constant 2 : i32
        %ge3A_119 = arith.cmpi sge, %add3A_88, %ge3A : i32
        %convert_element_type3A_120 = arith.extui %ge3A_119 : i1 to i32
        %cond3A_121 = arith.constant 0 : i32
        %cond3A_122 = arith.cmpi ne, %convert_element_type3A_120, %cond3A_121 : i32
        scf.if %cond3A_122 {
          %sub3A_140 = arith.constant 2 : i32
          %sub3A_141 = arith.subi %add3A_88, %sub3A_140 : i32
          %mul3A_142 = arith.constant 32 : i32
          %mul3A_143 = arith.muli %sub3A_141, %mul3A_142 : i32
          %add3A_144 = arith.addi %mul3A_143, %add3A : i32
          %mul3A_145 = arith.constant 512 : i32
          %mul3A_146 = arith.muli %add3A_144, %mul3A_145 : i32
          %mul3A_147 = arith.constant 32 : i32
          %mul3A_148 = arith.muli %mul3A_146, %mul3A_147 : i32
          %dma_wait3A_149 = arith.constant 0 : i32
          %dma_wait3A_150 = tpu.memref_slice %arg4[%mul3A_148] : memref<32000000xf32, #tpu.memory_space<hbm>> -> memref<16384xf32, #tpu.memory_space<hbm>>
          %dma_wait3A_151 = tpu.memref_slice %arg10[%dma_wait3A_149] : memref<2x!tpu.dma_semaphore, #tpu.memory_space<semaphore_mem>> -> memref<1x!tpu.dma_semaphore, #tpu.memory_space<semaphore_mem>>
          %dma_wait3A_152 = tpu.memref_squeeze %dma_wait3A_151 : memref<1x!tpu.dma_semaphore, #tpu.memory_space<semaphore_mem>> -> memref<!tpu.dma_semaphore, #tpu.memory_space<semaphore_mem>>
          %dma_wait3A_153 = tpu.memref_slice %arg4[%mul3A_148] : memref<32000000xf32, #tpu.memory_space<hbm>> -> memref<16384xf32, #tpu.memory_space<hbm>>
          tpu.wait_dma2 semaphore(%dma_wait3A_152 : memref<!tpu.dma_semaphore, #tpu.memory_space<semaphore_mem>>) src(%arg7 : memref<16384xf32, #tpu.memory_space<vmem>>) dst(%dma_wait3A_153 : memref<16384xf32, #tpu.memory_space<hbm>>)
        } else {
        }
        %scan3A_123 = arith.constant 0 : i32
        %scan3A_124 = arith.constant 0 : i32
        %scan3A_125 = arith.constant 32 : i32
        %scan3A_126 = arith.addi %scan3A_124, %scan3A_125 : i32
        %scan3A_127 = arith.constant 1 : i32
        scf.for %scan3A_140 = %scan3A_124 to %scan3A_126 step %scan3A_127  : i32 {
          %mul3A_141 = arith.constant 16 : i32
          %mul3A_142 = arith.muli %scan3A_140, %mul3A_141 : i32
          %get3A = arith.constant 0 : i32
          %get3A_143 = arith.index_cast %get3A : i32 to index
          %get3A_144 = arith.index_cast %mul3A_142 : i32 to index
          %get3A_145 = tpu.vector_load %arg5[%get3A_143, %get3A_144] {strides = array<i32>} : memref<32x512xf32, #tpu.memory_space<vmem>>, vector<16xf32>,
          %get3A_146 = arith.constant 1 : i32
          %get3A_147 = arith.index_cast %get3A_146 : i32 to index
          %get3A_148 = arith.index_cast %mul3A_142 : i32 to index
          %get3A_149 = tpu.vector_load %arg5[%get3A_147, %get3A_148] {strides = array<i32>} : memref<32x512xf32, #tpu.memory_space<vmem>>, vector<16xf32>,
          %get3A_150 = arith.constant 2 : i32
          %get3A_151 = arith.index_cast %get3A_150 : i32 to index
          %get3A_152 = arith.index_cast %mul3A_142 : i32 to index
          %get3A_153 = tpu.vector_load %arg5[%get3A_151, %get3A_152] {strides = array<i32>} : memref<32x512xf32, #tpu.memory_space<vmem>>, vector<16xf32>,
          %get3A_154 = arith.constant 3 : i32
          %get3A_155 = arith.index_cast %get3A_154 : i32 to index
          %get3A_156 = arith.index_cast %mul3A_142 : i32 to index
          %get3A_157 = tpu.vector_load %arg5[%get3A_155, %get3A_156] {strides = array<i32>} : memref<32x512xf32, #tpu.memory_space<vmem>>, vector<16xf32>,
          %get3A_158 = arith.constant 4 : i32
          %get3A_159 = arith.index_cast %get3A_158 : i32 to index
          %get3A_160 = arith.index_cast %mul3A_142 : i32 to index
          %get3A_161 = tpu.vector_load %arg5[%get3A_159, %get3A_160] {strides = array<i32>} : memref<32x512xf32, #tpu.memory_space<vmem>>, vector<16xf32>,
          %get3A_162 = arith.constant 5 : i32
          %get3A_163 = arith.index_cast %get3A_162 : i32 to index
          %get3A_164 = arith.index_cast %mul3A_142 : i32 to index
          %get3A_165 = tpu.vector_load %arg5[%get3A_163, %get3A_164] {strides = array<i32>} : memref<32x512xf32, #tpu.memory_space<vmem>>, vector<16xf32>,
          %get3A_166 = arith.constant 6 : i32
          %get3A_167 = arith.index_cast %get3A_166 : i32 to index
          %get3A_168 = arith.index_cast %mul3A_142 : i32 to index
          %get3A_169 = tpu.vector_load %arg5[%get3A_167, %get3A_168] {strides = array<i32>} : memref<32x512xf32, #tpu.memory_space<vmem>>, vector<16xf32>,
          %get3A_170 = arith.constant 7 : i32
          %get3A_171 = arith.index_cast %get3A_170 : i32 to index
          %get3A_172 = arith.index_cast %mul3A_142 : i32 to index
          %get3A_173 = tpu.vector_load %arg5[%get3A_171, %get3A_172] {strides = array<i32>} : memref<32x512xf32, #tpu.memory_space<vmem>>, vector<16xf32>,
          %get3A_174 = arith.constant 8 : i32
          %get3A_175 = arith.index_cast %get3A_174 : i32 to index
          %get3A_176 = arith.index_cast %mul3A_142 : i32 to index
          %get3A_177 = tpu.vector_load %arg5[%get3A_175, %get3A_176] {strides = array<i32>} : memref<32x512xf32, #tpu.memory_space<vmem>>, vector<16xf32>,
          %get3A_178 = arith.constant 9 : i32
          %get3A_179 = arith.index_cast %get3A_178 : i32 to index
          %get3A_180 = arith.index_cast %mul3A_142 : i32 to index
          %get3A_181 = tpu.vector_load %arg5[%get3A_179, %get3A_180] {strides = array<i32>} : memref<32x512xf32, #tpu.memory_space<vmem>>, vector<16xf32>,
          %get3A_182 = arith.constant 10 : i32
          %get3A_183 = arith.index_cast %get3A_182 : i32 to index
          %get3A_184 = arith.index_cast %mul3A_142 : i32 to index
          %get3A_185 = tpu.vector_load %arg5[%get3A_183, %get3A_184] {strides = array<i32>} : memref<32x512xf32, #tpu.memory_space<vmem>>, vector<16xf32>,
          %get3A_186 = arith.constant 11 : i32
          %get3A_187 = arith.index_cast %get3A_186 : i32 to index
          %get3A_188 = arith.index_cast %mul3A_142 : i32 to index
          %get3A_189 = tpu.vector_load %arg5[%get3A_187, %get3A_188] {strides = array<i32>} : memref<32x512xf32, #tpu.memory_space<vmem>>, vector<16xf32>,
          %get3A_190 = arith.constant 12 : i32
          %get3A_191 = arith.index_cast %get3A_190 : i32 to index
          %get3A_192 = arith.index_cast %mul3A_142 : i32 to index
          %get3A_193 = tpu.vector_load %arg5[%get3A_191, %get3A_192] {strides = array<i32>} : memref<32x512xf32, #tpu.memory_space<vmem>>, vector<16xf32>,
          %get3A_194 = arith.constant 13 : i32
          %get3A_195 = arith.index_cast %get3A_194 : i32 to index
          %get3A_196 = arith.index_cast %mul3A_142 : i32 to index
          %get3A_197 = tpu.vector_load %arg5[%get3A_195, %get3A_196] {strides = array<i32>} : memref<32x512xf32, #tpu.memory_space<vmem>>, vector<16xf32>,
          %get3A_198 = arith.constant 14 : i32
          %get3A_199 = arith.index_cast %get3A_198 : i32 to index
          %get3A_200 = arith.index_cast %mul3A_142 : i32 to index
          %get3A_201 = tpu.vector_load %arg5[%get3A_199, %get3A_200] {strides = array<i32>} : memref<32x512xf32, #tpu.memory_space<vmem>>, vector<16xf32>,
          %get3A_202 = arith.constant 15 : i32
          %get3A_203 = arith.index_cast %get3A_202 : i32 to index
          %get3A_204 = arith.index_cast %mul3A_142 : i32 to index
          %get3A_205 = tpu.vector_load %arg5[%get3A_203, %get3A_204] {strides = array<i32>} : memref<32x512xf32, #tpu.memory_space<vmem>>, vector<16xf32>,
          %get3A_206 = arith.constant 16 : i32
          %get3A_207 = arith.index_cast %get3A_206 : i32 to index
          %get3A_208 = arith.index_cast %mul3A_142 : i32 to index
          %get3A_209 = tpu.vector_load %arg5[%get3A_207, %get3A_208] {strides = array<i32>} : memref<32x512xf32, #tpu.memory_space<vmem>>, vector<16xf32>,
          %get3A_210 = arith.constant 17 : i32
          %get3A_211 = arith.index_cast %get3A_210 : i32 to index
          %get3A_212 = arith.index_cast %mul3A_142 : i32 to index
          %get3A_213 = tpu.vector_load %arg5[%get3A_211, %get3A_212] {strides = array<i32>} : memref<32x512xf32, #tpu.memory_space<vmem>>, vector<16xf32>,
          %get3A_214 = arith.constant 18 : i32
          %get3A_215 = arith.index_cast %get3A_214 : i32 to index
          %get3A_216 = arith.index_cast %mul3A_142 : i32 to index
          %get3A_217 = tpu.vector_load %arg5[%get3A_215, %get3A_216] {strides = array<i32>} : memref<32x512xf32, #tpu.memory_space<vmem>>, vector<16xf32>,
          %get3A_218 = arith.constant 19 : i32
          %get3A_219 = arith.index_cast %get3A_218 : i32 to index
          %get3A_220 = arith.index_cast %mul3A_142 : i32 to index
          %get3A_221 = tpu.vector_load %arg5[%get3A_219, %get3A_220] {strides = array<i32>} : memref<32x512xf32, #tpu.memory_space<vmem>>, vector<16xf32>,
          %get3A_222 = arith.constant 20 : i32
          %get3A_223 = arith.index_cast %get3A_222 : i32 to index
          %get3A_224 = arith.index_cast %mul3A_142 : i32 to index
          %get3A_225 = tpu.vector_load %arg5[%get3A_223, %get3A_224] {strides = array<i32>} : memref<32x512xf32, #tpu.memory_space<vmem>>, vector<16xf32>,
          %get3A_226 = arith.constant 21 : i32
          %get3A_227 = arith.index_cast %get3A_226 : i32 to index
          %get3A_228 = arith.index_cast %mul3A_142 : i32 to index
          %get3A_229 = tpu.vector_load %arg5[%get3A_227, %get3A_228] {strides = array<i32>} : memref<32x512xf32, #tpu.memory_space<vmem>>, vector<16xf32>,
          %get3A_230 = arith.constant 22 : i32
          %get3A_231 = arith.index_cast %get3A_230 : i32 to index
          %get3A_232 = arith.index_cast %mul3A_142 : i32 to index
          %get3A_233 = tpu.vector_load %arg5[%get3A_231, %get3A_232] {strides = array<i32>} : memref<32x512xf32, #tpu.memory_space<vmem>>, vector<16xf32>,
          %get3A_234 = arith.constant 23 : i32
          %get3A_235 = arith.index_cast %get3A_234 : i32 to index
          %get3A_236 = arith.index_cast %mul3A_142 : i32 to index
          %get3A_237 = tpu.vector_load %arg5[%get3A_235, %get3A_236] {strides = array<i32>} : memref<32x512xf32, #tpu.memory_space<vmem>>, vector<16xf32>,
          %get3A_238 = arith.constant 24 : i32
          %get3A_239 = arith.index_cast %get3A_238 : i32 to index
          %get3A_240 = arith.index_cast %mul3A_142 : i32 to index
          %get3A_241 = tpu.vector_load %arg5[%get3A_239, %get3A_240] {strides = array<i32>} : memref<32x512xf32, #tpu.memory_space<vmem>>, vector<16xf32>,
          %get3A_242 = arith.constant 25 : i32
          %get3A_243 = arith.index_cast %get3A_242 : i32 to index
          %get3A_244 = arith.index_cast %mul3A_142 : i32 to index
          %get3A_245 = tpu.vector_load %arg5[%get3A_243, %get3A_244] {strides = array<i32>} : memref<32x512xf32, #tpu.memory_space<vmem>>, vector<16xf32>,
          %get3A_246 = arith.constant 26 : i32
          %get3A_247 = arith.index_cast %get3A_246 : i32 to index
          %get3A_248 = arith.index_cast %mul3A_142 : i32 to index
          %get3A_249 = tpu.vector_load %arg5[%get3A_247, %get3A_248] {strides = array<i32>} : memref<32x512xf32, #tpu.memory_space<vmem>>, vector<16xf32>,
          %get3A_250 = arith.constant 27 : i32
          %get3A_251 = arith.index_cast %get3A_250 : i32 to index
          %get3A_252 = arith.index_cast %mul3A_142 : i32 to index
          %get3A_253 = tpu.vector_load %arg5[%get3A_251, %get3A_252] {strides = array<i32>} : memref<32x512xf32, #tpu.memory_space<vmem>>, vector<16xf32>,
          %get3A_254 = arith.constant 28 : i32
          %get3A_255 = arith.index_cast %get3A_254 : i32 to index
          %get3A_256 = arith.index_cast %mul3A_142 : i32 to index
          %get3A_257 = tpu.vector_load %arg5[%get3A_255, %get3A_256] {strides = array<i32>} : memref<32x512xf32, #tpu.memory_space<vmem>>, vector<16xf32>,
          %get3A_258 = arith.constant 29 : i32
          %get3A_259 = arith.index_cast %get3A_258 : i32 to index
          %get3A_260 = arith.index_cast %mul3A_142 : i32 to index
          %get3A_261 = tpu.vector_load %arg5[%get3A_259, %get3A_260] {strides = array<i32>} : memref<32x512xf32, #tpu.memory_space<vmem>>, vector<16xf32>,
          %get3A_262 = arith.constant 30 : i32
          %get3A_263 = arith.index_cast %get3A_262 : i32 to index
          %get3A_264 = arith.index_cast %mul3A_142 : i32 to index
          %get3A_265 = tpu.vector_load %arg5[%get3A_263, %get3A_264] {strides = array<i32>} : memref<32x512xf32, #tpu.memory_space<vmem>>, vector<16xf32>,
          %get3A_266 = arith.constant 31 : i32
          %get3A_267 = arith.index_cast %get3A_266 : i32 to index
          %get3A_268 = arith.index_cast %mul3A_142 : i32 to index
          %get3A_269 = tpu.vector_load %arg5[%get3A_267, %get3A_268] {strides = array<i32>} : memref<32x512xf32, #tpu.memory_space<vmem>>, vector<16xf32>,
          %mul3A_270 = arith.constant 32 : i32
          %mul3A_271 = arith.muli %mul3A_142, %mul3A_270 : i32
          %add3A_272 = arith.constant 0 : i32
          %add3A_273 = arith.addi %mul3A_271, %add3A_272 : i32
          %add3A_274 = vector.broadcast %add3A_273 : i32 to vector<16xi32>
          %add3A_275 = arith.addi %mul3A_3, %add3A_274 : vector<16xi32>
          tpu.vector_store_idx %arg7[%add3A_275], %get3A_145 : memref<16384xf32, #tpu.memory_space<vmem>>[vector<16xi32>], vector<16xf32>,
          %mul3A_276 = arith.constant 32 : i32
          %mul3A_277 = arith.muli %mul3A_142, %mul3A_276 : i32
          %add3A_278 = arith.constant 1 : i32
          %add3A_279 = arith.addi %mul3A_277, %add3A_278 : i32
          %add3A_280 = vector.broadcast %add3A_279 : i32 to vector<16xi32>
          %add3A_281 = arith.addi %mul3A_3, %add3A_280 : vector<16xi32>
          tpu.vector_store_idx %arg7[%add3A_281], %get3A_149 : memref<16384xf32, #tpu.memory_space<vmem>>[vector<16xi32>], vector<16xf32>,
          %mul3A_282 = arith.constant 32 : i32
          %mul3A_283 = arith.muli %mul3A_142, %mul3A_282 : i32
          %add3A_284 = arith.constant 2 : i32
          %add3A_285 = arith.addi %mul3A_283, %add3A_284 : i32
          %add3A_286 = vector.broadcast %add3A_285 : i32 to vector<16xi32>
          %add3A_287 = arith.addi %mul3A_3, %add3A_286 : vector<16xi32>
          tpu.vector_store_idx %arg7[%add3A_287], %get3A_153 : memref<16384xf32, #tpu.memory_space<vmem>>[vector<16xi32>], vector<16xf32>,
          %mul3A_288 = arith.constant 32 : i32
          %mul3A_289 = arith.muli %mul3A_142, %mul3A_288 : i32
          %add3A_290 = arith.constant 3 : i32
          %add3A_291 = arith.addi %mul3A_289, %add3A_290 : i32
          %add3A_292 = vector.broadcast %add3A_291 : i32 to vector<16xi32>
          %add3A_293 = arith.addi %mul3A_3, %add3A_292 : vector<16xi32>
          tpu.vector_store_idx %arg7[%add3A_293], %get3A_157 : memref<16384xf32, #tpu.memory_space<vmem>>[vector<16xi32>], vector<16xf32>,
          %mul3A_294 = arith.constant 32 : i32
          %mul3A_295 = arith.muli %mul3A_142, %mul3A_294 : i32
          %add3A_296 = arith.constant 4 : i32
          %add3A_297 = arith.addi %mul3A_295, %add3A_296 : i32
          %add3A_298 = vector.broadcast %add3A_297 : i32 to vector<16xi32>
          %add3A_299 = arith.addi %mul3A_3, %add3A_298 : vector<16xi32>
          tpu.vector_store_idx %arg7[%add3A_299], %get3A_161 : memref<16384xf32, #tpu.memory_space<vmem>>[vector<16xi32>], vector<16xf32>,
          %mul3A_300 = arith.constant 32 : i32
          %mul3A_301 = arith.muli %mul3A_142, %mul3A_300 : i32
          %add3A_302 = arith.constant 5 : i32
          %add3A_303 = arith.addi %mul3A_301, %add3A_302 : i32
          %add3A_304 = vector.broadcast %add3A_303 : i32 to vector<16xi32>
          %add3A_305 = arith.addi %mul3A_3, %add3A_304 : vector<16xi32>
          tpu.vector_store_idx %arg7[%add3A_305], %get3A_165 : memref<16384xf32, #tpu.memory_space<vmem>>[vector<16xi32>], vector<16xf32>,
          %mul3A_306 = arith.constant 32 : i32
          %mul3A_307 = arith.muli %mul3A_142, %mul3A_306 : i32
          %add3A_308 = arith.constant 6 : i32
          %add3A_309 = arith.addi %mul3A_307, %add3A_308 : i32
          %add3A_310 = vector.broadcast %add3A_309 : i32 to vector<16xi32>
          %add3A_311 = arith.addi %mul3A_3, %add3A_310 : vector<16xi32>
          tpu.vector_store_idx %arg7[%add3A_311], %get3A_169 : memref<16384xf32, #tpu.memory_space<vmem>>[vector<16xi32>], vector<16xf32>,
          %mul3A_312 = arith.constant 32 : i32
          %mul3A_313 = arith.muli %mul3A_142, %mul3A_312 : i32
          %add3A_314 = arith.constant 7 : i32
          %add3A_315 = arith.addi %mul3A_313, %add3A_314 : i32
          %add3A_316 = vector.broadcast %add3A_315 : i32 to vector<16xi32>
          %add3A_317 = arith.addi %mul3A_3, %add3A_316 : vector<16xi32>
          tpu.vector_store_idx %arg7[%add3A_317], %get3A_173 : memref<16384xf32, #tpu.memory_space<vmem>>[vector<16xi32>], vector<16xf32>,
          %mul3A_318 = arith.constant 32 : i32
          %mul3A_319 = arith.muli %mul3A_142, %mul3A_318 : i32
          %add3A_320 = arith.constant 8 : i32
          %add3A_321 = arith.addi %mul3A_319, %add3A_320 : i32
          %add3A_322 = vector.broadcast %add3A_321 : i32 to vector<16xi32>
          %add3A_323 = arith.addi %mul3A_3, %add3A_322 : vector<16xi32>
          tpu.vector_store_idx %arg7[%add3A_323], %get3A_177 : memref<16384xf32, #tpu.memory_space<vmem>>[vector<16xi32>], vector<16xf32>,
          %mul3A_324 = arith.constant 32 : i32
          %mul3A_325 = arith.muli %mul3A_142, %mul3A_324 : i32
          %add3A_326 = arith.constant 9 : i32
          %add3A_327 = arith.addi %mul3A_325, %add3A_326 : i32
          %add3A_328 = vector.broadcast %add3A_327 : i32 to vector<16xi32>
          %add3A_329 = arith.addi %mul3A_3, %add3A_328 : vector<16xi32>
          tpu.vector_store_idx %arg7[%add3A_329], %get3A_181 : memref<16384xf32, #tpu.memory_space<vmem>>[vector<16xi32>], vector<16xf32>,
          %mul3A_330 = arith.constant 32 : i32
          %mul3A_331 = arith.muli %mul3A_142, %mul3A_330 : i32
          %add3A_332 = arith.constant 10 : i32
          %add3A_333 = arith.addi %mul3A_331, %add3A_332 : i32
          %add3A_334 = vector.broadcast %add3A_333 : i32 to vector<16xi32>
          %add3A_335 = arith.addi %mul3A_3, %add3A_334 : vector<16xi32>
          tpu.vector_store_idx %arg7[%add3A_335], %get3A_185 : memref<16384xf32, #tpu.memory_space<vmem>>[vector<16xi32>], vector<16xf32>,
          %mul3A_336 = arith.constant 32 : i32
          %mul3A_337 = arith.muli %mul3A_142, %mul3A_336 : i32
          %add3A_338 = arith.constant 11 : i32
          %add3A_339 = arith.addi %mul3A_337, %add3A_338 : i32
          %add3A_340 = vector.broadcast %add3A_339 : i32 to vector<16xi32>
          %add3A_341 = arith.addi %mul3A_3, %add3A_340 : vector<16xi32>
          tpu.vector_store_idx %arg7[%add3A_341], %get3A_189 : memref<16384xf32, #tpu.memory_space<vmem>>[vector<16xi32>], vector<16xf32>,
          %mul3A_342 = arith.constant 32 : i32
          %mul3A_343 = arith.muli %mul3A_142, %mul3A_342 : i32
          %add3A_344 = arith.constant 12 : i32
          %add3A_345 = arith.addi %mul3A_343, %add3A_344 : i32
          %add3A_346 = vector.broadcast %add3A_345 : i32 to vector<16xi32>
          %add3A_347 = arith.addi %mul3A_3, %add3A_346 : vector<16xi32>
          tpu.vector_store_idx %arg7[%add3A_347], %get3A_193 : memref<16384xf32, #tpu.memory_space<vmem>>[vector<16xi32>], vector<16xf32>,
          %mul3A_348 = arith.constant 32 : i32
          %mul3A_349 = arith.muli %mul3A_142, %mul3A_348 : i32
          %add3A_350 = arith.constant 13 : i32
          %add3A_351 = arith.addi %mul3A_349, %add3A_350 : i32
          %add3A_352 = vector.broadcast %add3A_351 : i32 to vector<16xi32>
          %add3A_353 = arith.addi %mul3A_3, %add3A_352 : vector<16xi32>
          tpu.vector_store_idx %arg7[%add3A_353], %get3A_197 : memref<16384xf32, #tpu.memory_space<vmem>>[vector<16xi32>], vector<16xf32>,
          %mul3A_354 = arith.constant 32 : i32
          %mul3A_355 = arith.muli %mul3A_142, %mul3A_354 : i32
          %add3A_356 = arith.constant 14 : i32
          %add3A_357 = arith.addi %mul3A_355, %add3A_356 : i32
          %add3A_358 = vector.broadcast %add3A_357 : i32 to vector<16xi32>
          %add3A_359 = arith.addi %mul3A_3, %add3A_358 : vector<16xi32>
          tpu.vector_store_idx %arg7[%add3A_359], %get3A_201 : memref<16384xf32, #tpu.memory_space<vmem>>[vector<16xi32>], vector<16xf32>,
          %mul3A_360 = arith.constant 32 : i32
          %mul3A_361 = arith.muli %mul3A_142, %mul3A_360 : i32
          %add3A_362 = arith.constant 15 : i32
          %add3A_363 = arith.addi %mul3A_361, %add3A_362 : i32
          %add3A_364 = vector.broadcast %add3A_363 : i32 to vector<16xi32>
          %add3A_365 = arith.addi %mul3A_3, %add3A_364 : vector<16xi32>
          tpu.vector_store_idx %arg7[%add3A_365], %get3A_205 : memref<16384xf32, #tpu.memory_space<vmem>>[vector<16xi32>], vector<16xf32>,
          %mul3A_366 = arith.constant 32 : i32
          %mul3A_367 = arith.muli %mul3A_142, %mul3A_366 : i32
          %add3A_368 = arith.constant 16 : i32
          %add3A_369 = arith.addi %mul3A_367, %add3A_368 : i32
          %add3A_370 = vector.broadcast %add3A_369 : i32 to vector<16xi32>
          %add3A_371 = arith.addi %mul3A_3, %add3A_370 : vector<16xi32>
          tpu.vector_store_idx %arg7[%add3A_371], %get3A_209 : memref<16384xf32, #tpu.memory_space<vmem>>[vector<16xi32>], vector<16xf32>,
          %mul3A_372 = arith.constant 32 : i32
          %mul3A_373 = arith.muli %mul3A_142, %mul3A_372 : i32
          %add3A_374 = arith.constant 17 : i32
          %add3A_375 = arith.addi %mul3A_373, %add3A_374 : i32
          %add3A_376 = vector.broadcast %add3A_375 : i32 to vector<16xi32>
          %add3A_377 = arith.addi %mul3A_3, %add3A_376 : vector<16xi32>
          tpu.vector_store_idx %arg7[%add3A_377], %get3A_213 : memref<16384xf32, #tpu.memory_space<vmem>>[vector<16xi32>], vector<16xf32>,
          %mul3A_378 = arith.constant 32 : i32
          %mul3A_379 = arith.muli %mul3A_142, %mul3A_378 : i32
          %add3A_380 = arith.constant 18 : i32
          %add3A_381 = arith.addi %mul3A_379, %add3A_380 : i32
          %add3A_382 = vector.broadcast %add3A_381 : i32 to vector<16xi32>
          %add3A_383 = arith.addi %mul3A_3, %add3A_382 : vector<16xi32>
          tpu.vector_store_idx %arg7[%add3A_383], %get3A_217 : memref<16384xf32, #tpu.memory_space<vmem>>[vector<16xi32>], vector<16xf32>,
          %mul3A_384 = arith.constant 32 : i32
          %mul3A_385 = arith.muli %mul3A_142, %mul3A_384 : i32
          %add3A_386 = arith.constant 19 : i32
          %add3A_387 = arith.addi %mul3A_385, %add3A_386 : i32
          %add3A_388 = vector.broadcast %add3A_387 : i32 to vector<16xi32>
          %add3A_389 = arith.addi %mul3A_3, %add3A_388 : vector<16xi32>
          tpu.vector_store_idx %arg7[%add3A_389], %get3A_221 : memref<16384xf32, #tpu.memory_space<vmem>>[vector<16xi32>], vector<16xf32>,
          %mul3A_390 = arith.constant 32 : i32
          %mul3A_391 = arith.muli %mul3A_142, %mul3A_390 : i32
          %add3A_392 = arith.constant 20 : i32
          %add3A_393 = arith.addi %mul3A_391, %add3A_392 : i32
          %add3A_394 = vector.broadcast %add3A_393 : i32 to vector<16xi32>
          %add3A_395 = arith.addi %mul3A_3, %add3A_394 : vector<16xi32>
          tpu.vector_store_idx %arg7[%add3A_395], %get3A_225 : memref<16384xf32, #tpu.memory_space<vmem>>[vector<16xi32>], vector<16xf32>,
          %mul3A_396 = arith.constant 32 : i32
          %mul3A_397 = arith.muli %mul3A_142, %mul3A_396 : i32
          %add3A_398 = arith.constant 21 : i32
          %add3A_399 = arith.addi %mul3A_397, %add3A_398 : i32
          %add3A_400 = vector.broadcast %add3A_399 : i32 to vector<16xi32>
          %add3A_401 = arith.addi %mul3A_3, %add3A_400 : vector<16xi32>
          tpu.vector_store_idx %arg7[%add3A_401], %get3A_229 : memref<16384xf32, #tpu.memory_space<vmem>>[vector<16xi32>], vector<16xf32>,
          %mul3A_402 = arith.constant 32 : i32
          %mul3A_403 = arith.muli %mul3A_142, %mul3A_402 : i32
          %add3A_404 = arith.constant 22 : i32
          %add3A_405 = arith.addi %mul3A_403, %add3A_404 : i32
          %add3A_406 = vector.broadcast %add3A_405 : i32 to vector<16xi32>
          %add3A_407 = arith.addi %mul3A_3, %add3A_406 : vector<16xi32>
          tpu.vector_store_idx %arg7[%add3A_407], %get3A_233 : memref<16384xf32, #tpu.memory_space<vmem>>[vector<16xi32>], vector<16xf32>,
          %mul3A_408 = arith.constant 32 : i32
          %mul3A_409 = arith.muli %mul3A_142, %mul3A_408 : i32
          %add3A_410 = arith.constant 23 : i32
          %add3A_411 = arith.addi %mul3A_409, %add3A_410 : i32
          %add3A_412 = vector.broadcast %add3A_411 : i32 to vector<16xi32>
          %add3A_413 = arith.addi %mul3A_3, %add3A_412 : vector<16xi32>
          tpu.vector_store_idx %arg7[%add3A_413], %get3A_237 : memref<16384xf32, #tpu.memory_space<vmem>>[vector<16xi32>], vector<16xf32>,
          %mul3A_414 = arith.constant 32 : i32
          %mul3A_415 = arith.muli %mul3A_142, %mul3A_414 : i32
          %add3A_416 = arith.constant 24 : i32
          %add3A_417 = arith.addi %mul3A_415, %add3A_416 : i32
          %add3A_418 = vector.broadcast %add3A_417 : i32 to vector<16xi32>
          %add3A_419 = arith.addi %mul3A_3, %add3A_418 : vector<16xi32>
          tpu.vector_store_idx %arg7[%add3A_419], %get3A_241 : memref<16384xf32, #tpu.memory_space<vmem>>[vector<16xi32>], vector<16xf32>,
          %mul3A_420 = arith.constant 32 : i32
          %mul3A_421 = arith.muli %mul3A_142, %mul3A_420 : i32
          %add3A_422 = arith.constant 25 : i32
          %add3A_423 = arith.addi %mul3A_421, %add3A_422 : i32
          %add3A_424 = vector.broadcast %add3A_423 : i32 to vector<16xi32>
          %add3A_425 = arith.addi %mul3A_3, %add3A_424 : vector<16xi32>
          tpu.vector_store_idx %arg7[%add3A_425], %get3A_245 : memref<16384xf32, #tpu.memory_space<vmem>>[vector<16xi32>], vector<16xf32>,
          %mul3A_426 = arith.constant 32 : i32
          %mul3A_427 = arith.muli %mul3A_142, %mul3A_426 : i32
          %add3A_428 = arith.constant 26 : i32
          %add3A_429 = arith.addi %mul3A_427, %add3A_428 : i32
          %add3A_430 = vector.broadcast %add3A_429 : i32 to vector<16xi32>
          %add3A_431 = arith.addi %mul3A_3, %add3A_430 : vector<16xi32>
          tpu.vector_store_idx %arg7[%add3A_431], %get3A_249 : memref<16384xf32, #tpu.memory_space<vmem>>[vector<16xi32>], vector<16xf32>,
          %mul3A_432 = arith.constant 32 : i32
          %mul3A_433 = arith.muli %mul3A_142, %mul3A_432 : i32
          %add3A_434 = arith.constant 27 : i32
          %add3A_435 = arith.addi %mul3A_433, %add3A_434 : i32
          %add3A_436 = vector.broadcast %add3A_435 : i32 to vector<16xi32>
          %add3A_437 = arith.addi %mul3A_3, %add3A_436 : vector<16xi32>
          tpu.vector_store_idx %arg7[%add3A_437], %get3A_253 : memref<16384xf32, #tpu.memory_space<vmem>>[vector<16xi32>], vector<16xf32>,
          %mul3A_438 = arith.constant 32 : i32
          %mul3A_439 = arith.muli %mul3A_142, %mul3A_438 : i32
          %add3A_440 = arith.constant 28 : i32
          %add3A_441 = arith.addi %mul3A_439, %add3A_440 : i32
          %add3A_442 = vector.broadcast %add3A_441 : i32 to vector<16xi32>
          %add3A_443 = arith.addi %mul3A_3, %add3A_442 : vector<16xi32>
          tpu.vector_store_idx %arg7[%add3A_443], %get3A_257 : memref<16384xf32, #tpu.memory_space<vmem>>[vector<16xi32>], vector<16xf32>,
          %mul3A_444 = arith.constant 32 : i32
          %mul3A_445 = arith.muli %mul3A_142, %mul3A_444 : i32
          %add3A_446 = arith.constant 29 : i32
          %add3A_447 = arith.addi %mul3A_445, %add3A_446 : i32
          %add3A_448 = vector.broadcast %add3A_447 : i32 to vector<16xi32>
          %add3A_449 = arith.addi %mul3A_3, %add3A_448 : vector<16xi32>
          tpu.vector_store_idx %arg7[%add3A_449], %get3A_261 : memref<16384xf32, #tpu.memory_space<vmem>>[vector<16xi32>], vector<16xf32>,
          %mul3A_450 = arith.constant 32 : i32
          %mul3A_451 = arith.muli %mul3A_142, %mul3A_450 : i32
          %add3A_452 = arith.constant 30 : i32
          %add3A_453 = arith.addi %mul3A_451, %add3A_452 : i32
          %add3A_454 = vector.broadcast %add3A_453 : i32 to vector<16xi32>
          %add3A_455 = arith.addi %mul3A_3, %add3A_454 : vector<16xi32>
          tpu.vector_store_idx %arg7[%add3A_455], %get3A_265 : memref<16384xf32, #tpu.memory_space<vmem>>[vector<16xi32>], vector<16xf32>,
          %mul3A_456 = arith.constant 32 : i32
          %mul3A_457 = arith.muli %mul3A_142, %mul3A_456 : i32
          %add3A_458 = arith.constant 31 : i32
          %add3A_459 = arith.addi %mul3A_457, %add3A_458 : i32
          %add3A_460 = vector.broadcast %add3A_459 : i32 to vector<16xi32>
          %add3A_461 = arith.addi %mul3A_3, %add3A_460 : vector<16xi32>
          tpu.vector_store_idx %arg7[%add3A_461], %get3A_269 : memref<16384xf32, #tpu.memory_space<vmem>>[vector<16xi32>], vector<16xf32>,
        }
        %scan3A_128 = arith.constant 32 : i32
        %mul3A_129 = arith.constant 32 : i32
        %mul3A_130 = arith.muli %add3A_88, %mul3A_129 : i32
        %add3A_131 = arith.addi %mul3A_130, %add3A : i32
        %mul3A_132 = arith.constant 512 : i32
        %mul3A_133 = arith.muli %add3A_131, %mul3A_132 : i32
        %mul3A_134 = arith.constant 32 : i32
        %mul3A_135 = arith.muli %mul3A_133, %mul3A_134 : i32
        %dma_start3A = arith.constant 0 : i32
        %dma_start3A_136 = tpu.memref_slice %arg4[%mul3A_135] : memref<32000000xf32, #tpu.memory_space<hbm>> -> memref<16384xf32, #tpu.memory_space<hbm>>
        %dma_start3A_137 = tpu.memref_slice %arg10[%dma_start3A] : memref<2x!tpu.dma_semaphore, #tpu.memory_space<semaphore_mem>> -> memref<1x!tpu.dma_semaphore, #tpu.memory_space<semaphore_mem>>
        %dma_start3A_138 = tpu.memref_squeeze %dma_start3A_137 : memref<1x!tpu.dma_semaphore, #tpu.memory_space<semaphore_mem>> -> memref<!tpu.dma_semaphore, #tpu.memory_space<semaphore_mem>>
        %dma_start3A_139 = tpu.memref_slice %arg4[%mul3A_135] : memref<32000000xf32, #tpu.memory_space<hbm>> -> memref<16384xf32, #tpu.memory_space<hbm>>
        tpu.enqueue_dma source(%arg7 : memref<16384xf32, #tpu.memory_space<vmem>>) target(%dma_start3A_139 : memref<16384xf32, #tpu.memory_space<hbm>>) target_semaphore(%dma_start3A_138 : memref<!tpu.dma_semaphore, #tpu.memory_space<semaphore_mem>>)
      } else {
      }
      %mul3A_93 = arith.constant 2 : i32
      %mul3A_94 = arith.muli %scan3A_84, %mul3A_93 : i32
      %add3A_95 = arith.constant 1 : i32
      %add3A_96 = arith.addi %mul3A_94, %add3A_95 : i32
      %lt3A_97 = arith.cmpi slt, %add3A_96, %add3A_9 : i32
      %convert_element_type3A_98 = arith.extui %lt3A_97 : i1 to i32
      %cond3A_99 = arith.constant 0 : i32
      %cond3A_100 = arith.cmpi ne, %convert_element_type3A_98, %cond3A_99 : i32
      scf.if %cond3A_100 {
        %add3A_101 = arith.constant 1 : i32
        %add3A_102 = arith.addi %add3A_96, %add3A_101 : i32
        %lt3A_103 = arith.cmpi slt, %add3A_102, %add3A_9 : i32
        %convert_element_type3A_104 = arith.extui %lt3A_103 : i1 to i32
        %cond3A_105 = arith.constant 0 : i32
        %cond3A_106 = arith.cmpi ne, %convert_element_type3A_104, %cond3A_105 : i32
        scf.if %cond3A_106 {
          %add3A_140 = arith.constant 1 : i32
          %add3A_141 = arith.addi %add3A_96, %add3A_140 : i32
          %mul3A_142 = arith.constant 32 : i32
          %mul3A_143 = arith.muli %add3A_141, %mul3A_142 : i32
          %add3A_144 = arith.addi %mul3A_143, %add3A : i32
          %mul3A_145 = arith.constant 512 : i32
          %mul3A_146 = arith.muli %add3A_144, %mul3A_145 : i32
          %dma_start3A_147 = arith.constant 0 : i32
          %dma_start3A_148 = arith.constant 0 : i32
          %dma_start3A_149 = tpu.memref_slice %arg2[%dma_start3A_148, %mul3A_146] : memref<32x1000000xf32, #tpu.memory_space<hbm>> -> memref<32x512xf32, #tpu.memory_space<hbm>>
          %dma_start3A_150 = tpu.memref_slice %arg9[%dma_start3A_147] : memref<2x!tpu.dma_semaphore, #tpu.memory_space<semaphore_mem>> -> memref<1x!tpu.dma_semaphore, #tpu.memory_space<semaphore_mem>>
          %dma_start3A_151 = tpu.memref_squeeze %dma_start3A_150 : memref<1x!tpu.dma_semaphore, #tpu.memory_space<semaphore_mem>> -> memref<!tpu.dma_semaphore, #tpu.memory_space<semaphore_mem>>
          %dma_start3A_152 = arith.constant 0 : i32
          %dma_start3A_153 = tpu.memref_slice %arg2[%dma_start3A_152, %mul3A_146] : memref<32x1000000xf32, #tpu.memory_space<hbm>> -> memref<32x512xf32, #tpu.memory_space<hbm>>
          tpu.enqueue_dma source(%dma_start3A_153 : memref<32x512xf32, #tpu.memory_space<hbm>>) target(%arg5 : memref<32x512xf32, #tpu.memory_space<vmem>>) target_semaphore(%dma_start3A_151 : memref<!tpu.dma_semaphore, #tpu.memory_space<semaphore_mem>>)
        } else {
        }
        %mul3A_107 = arith.constant 32 : i32
        %mul3A_108 = arith.muli %add3A_96, %mul3A_107 : i32
        %add3A_109 = arith.addi %mul3A_108, %add3A : i32
        %mul3A_110 = arith.constant 512 : i32
        %mul3A_111 = arith.muli %add3A_109, %mul3A_110 : i32
        %dma_wait3A_112 = arith.constant 1 : i32
        %dma_wait3A_113 = arith.constant 0 : i32
        %dma_wait3A_114 = tpu.memref_slice %arg2[%dma_wait3A_113, %mul3A_111] : memref<32x1000000xf32, #tpu.memory_space<hbm>> -> memref<32x512xf32, #tpu.memory_space<hbm>>
        %dma_wait3A_115 = tpu.memref_slice %arg9[%dma_wait3A_112] : memref<2x!tpu.dma_semaphore, #tpu.memory_space<semaphore_mem>> -> memref<1x!tpu.dma_semaphore, #tpu.memory_space<semaphore_mem>>
        %dma_wait3A_116 = tpu.memref_squeeze %dma_wait3A_115 : memref<1x!tpu.dma_semaphore, #tpu.memory_space<semaphore_mem>> -> memref<!tpu.dma_semaphore, #tpu.memory_space<semaphore_mem>>
        %dma_wait3A_117 = arith.constant 0 : i32
        %dma_wait3A_118 = tpu.memref_slice %arg2[%dma_wait3A_117, %mul3A_111] : memref<32x1000000xf32, #tpu.memory_space<hbm>> -> memref<32x512xf32, #tpu.memory_space<hbm>>
        tpu.wait_dma2 semaphore(%dma_wait3A_116 : memref<!tpu.dma_semaphore, #tpu.memory_space<semaphore_mem>>) src(%dma_wait3A_118 : memref<32x512xf32, #tpu.memory_space<hbm>>) dst(%arg6 : memref<32x512xf32, #tpu.memory_space<vmem>>)
        %ge3A = arith.constant 2 : i32
        %ge3A_119 = arith.cmpi sge, %add3A_96, %ge3A : i32
        %convert_element_type3A_120 = arith.extui %ge3A_119 : i1 to i32
        %cond3A_121 = arith.constant 0 : i32
        %cond3A_122 = arith.cmpi ne, %convert_element_type3A_120, %cond3A_121 : i32
        scf.if %cond3A_122 {
          %sub3A_140 = arith.constant 2 : i32
          %sub3A_141 = arith.subi %add3A_96, %sub3A_140 : i32
          %mul3A_142 = arith.constant 32 : i32
          %mul3A_143 = arith.muli %sub3A_141, %mul3A_142 : i32
          %add3A_144 = arith.addi %mul3A_143, %add3A : i32
          %mul3A_145 = arith.constant 512 : i32
          %mul3A_146 = arith.muli %add3A_144, %mul3A_145 : i32
          %mul3A_147 = arith.constant 32 : i32
          %mul3A_148 = arith.muli %mul3A_146, %mul3A_147 : i32
          %dma_wait3A_149 = arith.constant 1 : i32
          %dma_wait3A_150 = tpu.memref_slice %arg4[%mul3A_148] : memref<32000000xf32, #tpu.memory_space<hbm>> -> memref<16384xf32, #tpu.memory_space<hbm>>
          %dma_wait3A_151 = tpu.memref_slice %arg10[%dma_wait3A_149] : memref<2x!tpu.dma_semaphore, #tpu.memory_space<semaphore_mem>> -> memref<1x!tpu.dma_semaphore, #tpu.memory_space<semaphore_mem>>
          %dma_wait3A_152 = tpu.memref_squeeze %dma_wait3A_151 : memref<1x!tpu.dma_semaphore, #tpu.memory_space<semaphore_mem>> -> memref<!tpu.dma_semaphore, #tpu.memory_space<semaphore_mem>>
          %dma_wait3A_153 = tpu.memref_slice %arg4[%mul3A_148] : memref<32000000xf32, #tpu.memory_space<hbm>> -> memref<16384xf32, #tpu.memory_space<hbm>>
          tpu.wait_dma2 semaphore(%dma_wait3A_152 : memref<!tpu.dma_semaphore, #tpu.memory_space<semaphore_mem>>) src(%arg8 : memref<16384xf32, #tpu.memory_space<vmem>>) dst(%dma_wait3A_153 : memref<16384xf32, #tpu.memory_space<hbm>>)
        } else {
        }
        %scan3A_123 = arith.constant 0 : i32
        %scan3A_124 = arith.constant 0 : i32
        %scan3A_125 = arith.constant 32 : i32
        %scan3A_126 = arith.addi %scan3A_124, %scan3A_125 : i32
        %scan3A_127 = arith.constant 1 : i32
        scf.for %scan3A_140 = %scan3A_124 to %scan3A_126 step %scan3A_127  : i32 {
          %mul3A_141 = arith.constant 16 : i32
          %mul3A_142 = arith.muli %scan3A_140, %mul3A_141 : i32
          %get3A = arith.constant 0 : i32
          %get3A_143 = arith.index_cast %get3A : i32 to index
          %get3A_144 = arith.index_cast %mul3A_142 : i32 to index
          %get3A_145 = tpu.vector_load %arg6[%get3A_143, %get3A_144] {strides = array<i32>} : memref<32x512xf32, #tpu.memory_space<vmem>>, vector<16xf32>,
          %get3A_146 = arith.constant 1 : i32
          %get3A_147 = arith.index_cast %get3A_146 : i32 to index
          %get3A_148 = arith.index_cast %mul3A_142 : i32 to index
          %get3A_149 = tpu.vector_load %arg6[%get3A_147, %get3A_148] {strides = array<i32>} : memref<32x512xf32, #tpu.memory_space<vmem>>, vector<16xf32>,
          %get3A_150 = arith.constant 2 : i32
          %get3A_151 = arith.index_cast %get3A_150 : i32 to index
          %get3A_152 = arith.index_cast %mul3A_142 : i32 to index
          %get3A_153 = tpu.vector_load %arg6[%get3A_151, %get3A_152] {strides = array<i32>} : memref<32x512xf32, #tpu.memory_space<vmem>>, vector<16xf32>,
          %get3A_154 = arith.constant 3 : i32
          %get3A_155 = arith.index_cast %get3A_154 : i32 to index
          %get3A_156 = arith.index_cast %mul3A_142 : i32 to index
          %get3A_157 = tpu.vector_load %arg6[%get3A_155, %get3A_156] {strides = array<i32>} : memref<32x512xf32, #tpu.memory_space<vmem>>, vector<16xf32>,
          %get3A_158 = arith.constant 4 : i32
          %get3A_159 = arith.index_cast %get3A_158 : i32 to index
          %get3A_160 = arith.index_cast %mul3A_142 : i32 to index
          %get3A_161 = tpu.vector_load %arg6[%get3A_159, %get3A_160] {strides = array<i32>} : memref<32x512xf32, #tpu.memory_space<vmem>>, vector<16xf32>,
          %get3A_162 = arith.constant 5 : i32
          %get3A_163 = arith.index_cast %get3A_162 : i32 to index
          %get3A_164 = arith.index_cast %mul3A_142 : i32 to index
          %get3A_165 = tpu.vector_load %arg6[%get3A_163, %get3A_164] {strides = array<i32>} : memref<32x512xf32, #tpu.memory_space<vmem>>, vector<16xf32>,
          %get3A_166 = arith.constant 6 : i32
          %get3A_167 = arith.index_cast %get3A_166 : i32 to index
          %get3A_168 = arith.index_cast %mul3A_142 : i32 to index
          %get3A_169 = tpu.vector_load %arg6[%get3A_167, %get3A_168] {strides = array<i32>} : memref<32x512xf32, #tpu.memory_space<vmem>>, vector<16xf32>,
          %get3A_170 = arith.constant 7 : i32
          %get3A_171 = arith.index_cast %get3A_170 : i32 to index
          %get3A_172 = arith.index_cast %mul3A_142 : i32 to index
          %get3A_173 = tpu.vector_load %arg6[%get3A_171, %get3A_172] {strides = array<i32>} : memref<32x512xf32, #tpu.memory_space<vmem>>, vector<16xf32>,
          %get3A_174 = arith.constant 8 : i32
          %get3A_175 = arith.index_cast %get3A_174 : i32 to index
          %get3A_176 = arith.index_cast %mul3A_142 : i32 to index
          %get3A_177 = tpu.vector_load %arg6[%get3A_175, %get3A_176] {strides = array<i32>} : memref<32x512xf32, #tpu.memory_space<vmem>>, vector<16xf32>,
          %get3A_178 = arith.constant 9 : i32
          %get3A_179 = arith.index_cast %get3A_178 : i32 to index
          %get3A_180 = arith.index_cast %mul3A_142 : i32 to index
          %get3A_181 = tpu.vector_load %arg6[%get3A_179, %get3A_180] {strides = array<i32>} : memref<32x512xf32, #tpu.memory_space<vmem>>, vector<16xf32>,
          %get3A_182 = arith.constant 10 : i32
          %get3A_183 = arith.index_cast %get3A_182 : i32 to index
          %get3A_184 = arith.index_cast %mul3A_142 : i32 to index
          %get3A_185 = tpu.vector_load %arg6[%get3A_183, %get3A_184] {strides = array<i32>} : memref<32x512xf32, #tpu.memory_space<vmem>>, vector<16xf32>,
          %get3A_186 = arith.constant 11 : i32
          %get3A_187 = arith.index_cast %get3A_186 : i32 to index
          %get3A_188 = arith.index_cast %mul3A_142 : i32 to index
          %get3A_189 = tpu.vector_load %arg6[%get3A_187, %get3A_188] {strides = array<i32>} : memref<32x512xf32, #tpu.memory_space<vmem>>, vector<16xf32>,
          %get3A_190 = arith.constant 12 : i32
          %get3A_191 = arith.index_cast %get3A_190 : i32 to index
          %get3A_192 = arith.index_cast %mul3A_142 : i32 to index
          %get3A_193 = tpu.vector_load %arg6[%get3A_191, %get3A_192] {strides = array<i32>} : memref<32x512xf32, #tpu.memory_space<vmem>>, vector<16xf32>,
          %get3A_194 = arith.constant 13 : i32
          %get3A_195 = arith.index_cast %get3A_194 : i32 to index
          %get3A_196 = arith.index_cast %mul3A_142 : i32 to index
          %get3A_197 = tpu.vector_load %arg6[%get3A_195, %get3A_196] {strides = array<i32>} : memref<32x512xf32, #tpu.memory_space<vmem>>, vector<16xf32>,
          %get3A_198 = arith.constant 14 : i32
          %get3A_199 = arith.index_cast %get3A_198 : i32 to index
          %get3A_200 = arith.index_cast %mul3A_142 : i32 to index
          %get3A_201 = tpu.vector_load %arg6[%get3A_199, %get3A_200] {strides = array<i32>} : memref<32x512xf32, #tpu.memory_space<vmem>>, vector<16xf32>,
          %get3A_202 = arith.constant 15 : i32
          %get3A_203 = arith.index_cast %get3A_202 : i32 to index
          %get3A_204 = arith.index_cast %mul3A_142 : i32 to index
          %get3A_205 = tpu.vector_load %arg6[%get3A_203, %get3A_204] {strides = array<i32>} : memref<32x512xf32, #tpu.memory_space<vmem>>, vector<16xf32>,
          %get3A_206 = arith.constant 16 : i32
          %get3A_207 = arith.index_cast %get3A_206 : i32 to index
          %get3A_208 = arith.index_cast %mul3A_142 : i32 to index
          %get3A_209 = tpu.vector_load %arg6[%get3A_207, %get3A_208] {strides = array<i32>} : memref<32x512xf32, #tpu.memory_space<vmem>>, vector<16xf32>,
          %get3A_210 = arith.constant 17 : i32
          %get3A_211 = arith.index_cast %get3A_210 : i32 to index
          %get3A_212 = arith.index_cast %mul3A_142 : i32 to index
          %get3A_213 = tpu.vector_load %arg6[%get3A_211, %get3A_212] {strides = array<i32>} : memref<32x512xf32, #tpu.memory_space<vmem>>, vector<16xf32>,
          %get3A_214 = arith.constant 18 : i32
          %get3A_215 = arith.index_cast %get3A_214 : i32 to index
          %get3A_216 = arith.index_cast %mul3A_142 : i32 to index
          %get3A_217 = tpu.vector_load %arg6[%get3A_215, %get3A_216] {strides = array<i32>} : memref<32x512xf32, #tpu.memory_space<vmem>>, vector<16xf32>,
          %get3A_218 = arith.constant 19 : i32
          %get3A_219 = arith.index_cast %get3A_218 : i32 to index
          %get3A_220 = arith.index_cast %mul3A_142 : i32 to index
          %get3A_221 = tpu.vector_load %arg6[%get3A_219, %get3A_220] {strides = array<i32>} : memref<32x512xf32, #tpu.memory_space<vmem>>, vector<16xf32>,
          %get3A_222 = arith.constant 20 : i32
          %get3A_223 = arith.index_cast %get3A_222 : i32 to index
          %get3A_224 = arith.index_cast %mul3A_142 : i32 to index
          %get3A_225 = tpu.vector_load %arg6[%get3A_223, %get3A_224] {strides = array<i32>} : memref<32x512xf32, #tpu.memory_space<vmem>>, vector<16xf32>,
          %get3A_226 = arith.constant 21 : i32
          %get3A_227 = arith.index_cast %get3A_226 : i32 to index
          %get3A_228 = arith.index_cast %mul3A_142 : i32 to index
          %get3A_229 = tpu.vector_load %arg6[%get3A_227, %get3A_228] {strides = array<i32>} : memref<32x512xf32, #tpu.memory_space<vmem>>, vector<16xf32>,
          %get3A_230 = arith.constant 22 : i32
          %get3A_231 = arith.index_cast %get3A_230 : i32 to index
          %get3A_232 = arith.index_cast %mul3A_142 : i32 to index
          %get3A_233 = tpu.vector_load %arg6[%get3A_231, %get3A_232] {strides = array<i32>} : memref<32x512xf32, #tpu.memory_space<vmem>>, vector<16xf32>,
          %get3A_234 = arith.constant 23 : i32
          %get3A_235 = arith.index_cast %get3A_234 : i32 to index
          %get3A_236 = arith.index_cast %mul3A_142 : i32 to index
          %get3A_237 = tpu.vector_load %arg6[%get3A_235, %get3A_236] {strides = array<i32>} : memref<32x512xf32, #tpu.memory_space<vmem>>, vector<16xf32>,
          %get3A_238 = arith.constant 24 : i32
          %get3A_239 = arith.index_cast %get3A_238 : i32 to index
          %get3A_240 = arith.index_cast %mul3A_142 : i32 to index
          %get3A_241 = tpu.vector_load %arg6[%get3A_239, %get3A_240] {strides = array<i32>} : memref<32x512xf32, #tpu.memory_space<vmem>>, vector<16xf32>,
          %get3A_242 = arith.constant 25 : i32
          %get3A_243 = arith.index_cast %get3A_242 : i32 to index
          %get3A_244 = arith.index_cast %mul3A_142 : i32 to index
          %get3A_245 = tpu.vector_load %arg6[%get3A_243, %get3A_244] {strides = array<i32>} : memref<32x512xf32, #tpu.memory_space<vmem>>, vector<16xf32>,
          %get3A_246 = arith.constant 26 : i32
          %get3A_247 = arith.index_cast %get3A_246 : i32 to index
          %get3A_248 = arith.index_cast %mul3A_142 : i32 to index
          %get3A_249 = tpu.vector_load %arg6[%get3A_247, %get3A_248] {strides = array<i32>} : memref<32x512xf32, #tpu.memory_space<vmem>>, vector<16xf32>,
          %get3A_250 = arith.constant 27 : i32
          %get3A_251 = arith.index_cast %get3A_250 : i32 to index
          %get3A_252 = arith.index_cast %mul3A_142 : i32 to index
          %get3A_253 = tpu.vector_load %arg6[%get3A_251, %get3A_252] {strides = array<i32>} : memref<32x512xf32, #tpu.memory_space<vmem>>, vector<16xf32>,
          %get3A_254 = arith.constant 28 : i32
          %get3A_255 = arith.index_cast %get3A_254 : i32 to index
          %get3A_256 = arith.index_cast %mul3A_142 : i32 to index
          %get3A_257 = tpu.vector_load %arg6[%get3A_255, %get3A_256] {strides = array<i32>} : memref<32x512xf32, #tpu.memory_space<vmem>>, vector<16xf32>,
          %get3A_258 = arith.constant 29 : i32
          %get3A_259 = arith.index_cast %get3A_258 : i32 to index
          %get3A_260 = arith.index_cast %mul3A_142 : i32 to index
          %get3A_261 = tpu.vector_load %arg6[%get3A_259, %get3A_260] {strides = array<i32>} : memref<32x512xf32, #tpu.memory_space<vmem>>, vector<16xf32>,
          %get3A_262 = arith.constant 30 : i32
          %get3A_263 = arith.index_cast %get3A_262 : i32 to index
          %get3A_264 = arith.index_cast %mul3A_142 : i32 to index
          %get3A_265 = tpu.vector_load %arg6[%get3A_263, %get3A_264] {strides = array<i32>} : memref<32x512xf32, #tpu.memory_space<vmem>>, vector<16xf32>,
          %get3A_266 = arith.constant 31 : i32
          %get3A_267 = arith.index_cast %get3A_266 : i32 to index
          %get3A_268 = arith.index_cast %mul3A_142 : i32 to index
          %get3A_269 = tpu.vector_load %arg6[%get3A_267, %get3A_268] {strides = array<i32>} : memref<32x512xf32, #tpu.memory_space<vmem>>, vector<16xf32>,
          %mul3A_270 = arith.constant 32 : i32
          %mul3A_271 = arith.muli %mul3A_142, %mul3A_270 : i32
          %add3A_272 = arith.constant 0 : i32
          %add3A_273 = arith.addi %mul3A_271, %add3A_272 : i32
          %add3A_274 = vector.broadcast %add3A_273 : i32 to vector<16xi32>
          %add3A_275 = arith.addi %mul3A_3, %add3A_274 : vector<16xi32>
          tpu.vector_store_idx %arg8[%add3A_275], %get3A_145 : memref<16384xf32, #tpu.memory_space<vmem>>[vector<16xi32>], vector<16xf32>,
          %mul3A_276 = arith.constant 32 : i32
          %mul3A_277 = arith.muli %mul3A_142, %mul3A_276 : i32
          %add3A_278 = arith.constant 1 : i32
          %add3A_279 = arith.addi %mul3A_277, %add3A_278 : i32
          %add3A_280 = vector.broadcast %add3A_279 : i32 to vector<16xi32>
          %add3A_281 = arith.addi %mul3A_3, %add3A_280 : vector<16xi32>
          tpu.vector_store_idx %arg8[%add3A_281], %get3A_149 : memref<16384xf32, #tpu.memory_space<vmem>>[vector<16xi32>], vector<16xf32>,
          %mul3A_282 = arith.constant 32 : i32
          %mul3A_283 = arith.muli %mul3A_142, %mul3A_282 : i32
          %add3A_284 = arith.constant 2 : i32
          %add3A_285 = arith.addi %mul3A_283, %add3A_284 : i32
          %add3A_286 = vector.broadcast %add3A_285 : i32 to vector<16xi32>
          %add3A_287 = arith.addi %mul3A_3, %add3A_286 : vector<16xi32>
          tpu.vector_store_idx %arg8[%add3A_287], %get3A_153 : memref<16384xf32, #tpu.memory_space<vmem>>[vector<16xi32>], vector<16xf32>,
          %mul3A_288 = arith.constant 32 : i32
          %mul3A_289 = arith.muli %mul3A_142, %mul3A_288 : i32
          %add3A_290 = arith.constant 3 : i32
          %add3A_291 = arith.addi %mul3A_289, %add3A_290 : i32
          %add3A_292 = vector.broadcast %add3A_291 : i32 to vector<16xi32>
          %add3A_293 = arith.addi %mul3A_3, %add3A_292 : vector<16xi32>
          tpu.vector_store_idx %arg8[%add3A_293], %get3A_157 : memref<16384xf32, #tpu.memory_space<vmem>>[vector<16xi32>], vector<16xf32>,
          %mul3A_294 = arith.constant 32 : i32
          %mul3A_295 = arith.muli %mul3A_142, %mul3A_294 : i32
          %add3A_296 = arith.constant 4 : i32
          %add3A_297 = arith.addi %mul3A_295, %add3A_296 : i32
          %add3A_298 = vector.broadcast %add3A_297 : i32 to vector<16xi32>
          %add3A_299 = arith.addi %mul3A_3, %add3A_298 : vector<16xi32>
          tpu.vector_store_idx %arg8[%add3A_299], %get3A_161 : memref<16384xf32, #tpu.memory_space<vmem>>[vector<16xi32>], vector<16xf32>,
          %mul3A_300 = arith.constant 32 : i32
          %mul3A_301 = arith.muli %mul3A_142, %mul3A_300 : i32
          %add3A_302 = arith.constant 5 : i32
          %add3A_303 = arith.addi %mul3A_301, %add3A_302 : i32
          %add3A_304 = vector.broadcast %add3A_303 : i32 to vector<16xi32>
          %add3A_305 = arith.addi %mul3A_3, %add3A_304 : vector<16xi32>
          tpu.vector_store_idx %arg8[%add3A_305], %get3A_165 : memref<16384xf32, #tpu.memory_space<vmem>>[vector<16xi32>], vector<16xf32>,
          %mul3A_306 = arith.constant 32 : i32
          %mul3A_307 = arith.muli %mul3A_142, %mul3A_306 : i32
          %add3A_308 = arith.constant 6 : i32
          %add3A_309 = arith.addi %mul3A_307, %add3A_308 : i32
          %add3A_310 = vector.broadcast %add3A_309 : i32 to vector<16xi32>
          %add3A_311 = arith.addi %mul3A_3, %add3A_310 : vector<16xi32>
          tpu.vector_store_idx %arg8[%add3A_311], %get3A_169 : memref<16384xf32, #tpu.memory_space<vmem>>[vector<16xi32>], vector<16xf32>,
          %mul3A_312 = arith.constant 32 : i32
          %mul3A_313 = arith.muli %mul3A_142, %mul3A_312 : i32
          %add3A_314 = arith.constant 7 : i32
          %add3A_315 = arith.addi %mul3A_313, %add3A_314 : i32
          %add3A_316 = vector.broadcast %add3A_315 : i32 to vector<16xi32>
          %add3A_317 = arith.addi %mul3A_3, %add3A_316 : vector<16xi32>
          tpu.vector_store_idx %arg8[%add3A_317], %get3A_173 : memref<16384xf32, #tpu.memory_space<vmem>>[vector<16xi32>], vector<16xf32>,
          %mul3A_318 = arith.constant 32 : i32
          %mul3A_319 = arith.muli %mul3A_142, %mul3A_318 : i32
          %add3A_320 = arith.constant 8 : i32
          %add3A_321 = arith.addi %mul3A_319, %add3A_320 : i32
          %add3A_322 = vector.broadcast %add3A_321 : i32 to vector<16xi32>
          %add3A_323 = arith.addi %mul3A_3, %add3A_322 : vector<16xi32>
          tpu.vector_store_idx %arg8[%add3A_323], %get3A_177 : memref<16384xf32, #tpu.memory_space<vmem>>[vector<16xi32>], vector<16xf32>,
          %mul3A_324 = arith.constant 32 : i32
          %mul3A_325 = arith.muli %mul3A_142, %mul3A_324 : i32
          %add3A_326 = arith.constant 9 : i32
          %add3A_327 = arith.addi %mul3A_325, %add3A_326 : i32
          %add3A_328 = vector.broadcast %add3A_327 : i32 to vector<16xi32>
          %add3A_329 = arith.addi %mul3A_3, %add3A_328 : vector<16xi32>
          tpu.vector_store_idx %arg8[%add3A_329], %get3A_181 : memref<16384xf32, #tpu.memory_space<vmem>>[vector<16xi32>], vector<16xf32>,
          %mul3A_330 = arith.constant 32 : i32
          %mul3A_331 = arith.muli %mul3A_142, %mul3A_330 : i32
          %add3A_332 = arith.constant 10 : i32
          %add3A_333 = arith.addi %mul3A_331, %add3A_332 : i32
          %add3A_334 = vector.broadcast %add3A_333 : i32 to vector<16xi32>
          %add3A_335 = arith.addi %mul3A_3, %add3A_334 : vector<16xi32>
          tpu.vector_store_idx %arg8[%add3A_335], %get3A_185 : memref<16384xf32, #tpu.memory_space<vmem>>[vector<16xi32>], vector<16xf32>,
          %mul3A_336 = arith.constant 32 : i32
          %mul3A_337 = arith.muli %mul3A_142, %mul3A_336 : i32
          %add3A_338 = arith.constant 11 : i32
          %add3A_339 = arith.addi %mul3A_337, %add3A_338 : i32
          %add3A_340 = vector.broadcast %add3A_339 : i32 to vector<16xi32>
          %add3A_341 = arith.addi %mul3A_3, %add3A_340 : vector<16xi32>
          tpu.vector_store_idx %arg8[%add3A_341], %get3A_189 : memref<16384xf32, #tpu.memory_space<vmem>>[vector<16xi32>], vector<16xf32>,
          %mul3A_342 = arith.constant 32 : i32
          %mul3A_343 = arith.muli %mul3A_142, %mul3A_342 : i32
          %add3A_344 = arith.constant 12 : i32
          %add3A_345 = arith.addi %mul3A_343, %add3A_344 : i32
          %add3A_346 = vector.broadcast %add3A_345 : i32 to vector<16xi32>
          %add3A_347 = arith.addi %mul3A_3, %add3A_346 : vector<16xi32>
          tpu.vector_store_idx %arg8[%add3A_347], %get3A_193 : memref<16384xf32, #tpu.memory_space<vmem>>[vector<16xi32>], vector<16xf32>,
          %mul3A_348 = arith.constant 32 : i32
          %mul3A_349 = arith.muli %mul3A_142, %mul3A_348 : i32
          %add3A_350 = arith.constant 13 : i32
          %add3A_351 = arith.addi %mul3A_349, %add3A_350 : i32
          %add3A_352 = vector.broadcast %add3A_351 : i32 to vector<16xi32>
          %add3A_353 = arith.addi %mul3A_3, %add3A_352 : vector<16xi32>
          tpu.vector_store_idx %arg8[%add3A_353], %get3A_197 : memref<16384xf32, #tpu.memory_space<vmem>>[vector<16xi32>], vector<16xf32>,
          %mul3A_354 = arith.constant 32 : i32
          %mul3A_355 = arith.muli %mul3A_142, %mul3A_354 : i32
          %add3A_356 = arith.constant 14 : i32
          %add3A_357 = arith.addi %mul3A_355, %add3A_356 : i32
          %add3A_358 = vector.broadcast %add3A_357 : i32 to vector<16xi32>
          %add3A_359 = arith.addi %mul3A_3, %add3A_358 : vector<16xi32>
          tpu.vector_store_idx %arg8[%add3A_359], %get3A_201 : memref<16384xf32, #tpu.memory_space<vmem>>[vector<16xi32>], vector<16xf32>,
          %mul3A_360 = arith.constant 32 : i32
          %mul3A_361 = arith.muli %mul3A_142, %mul3A_360 : i32
          %add3A_362 = arith.constant 15 : i32
          %add3A_363 = arith.addi %mul3A_361, %add3A_362 : i32
          %add3A_364 = vector.broadcast %add3A_363 : i32 to vector<16xi32>
          %add3A_365 = arith.addi %mul3A_3, %add3A_364 : vector<16xi32>
          tpu.vector_store_idx %arg8[%add3A_365], %get3A_205 : memref<16384xf32, #tpu.memory_space<vmem>>[vector<16xi32>], vector<16xf32>,
          %mul3A_366 = arith.constant 32 : i32
          %mul3A_367 = arith.muli %mul3A_142, %mul3A_366 : i32
          %add3A_368 = arith.constant 16 : i32
          %add3A_369 = arith.addi %mul3A_367, %add3A_368 : i32
          %add3A_370 = vector.broadcast %add3A_369 : i32 to vector<16xi32>
          %add3A_371 = arith.addi %mul3A_3, %add3A_370 : vector<16xi32>
          tpu.vector_store_idx %arg8[%add3A_371], %get3A_209 : memref<16384xf32, #tpu.memory_space<vmem>>[vector<16xi32>], vector<16xf32>,
          %mul3A_372 = arith.constant 32 : i32
          %mul3A_373 = arith.muli %mul3A_142, %mul3A_372 : i32
          %add3A_374 = arith.constant 17 : i32
          %add3A_375 = arith.addi %mul3A_373, %add3A_374 : i32
          %add3A_376 = vector.broadcast %add3A_375 : i32 to vector<16xi32>
          %add3A_377 = arith.addi %mul3A_3, %add3A_376 : vector<16xi32>
          tpu.vector_store_idx %arg8[%add3A_377], %get3A_213 : memref<16384xf32, #tpu.memory_space<vmem>>[vector<16xi32>], vector<16xf32>,
          %mul3A_378 = arith.constant 32 : i32
          %mul3A_379 = arith.muli %mul3A_142, %mul3A_378 : i32
          %add3A_380 = arith.constant 18 : i32
          %add3A_381 = arith.addi %mul3A_379, %add3A_380 : i32
          %add3A_382 = vector.broadcast %add3A_381 : i32 to vector<16xi32>
          %add3A_383 = arith.addi %mul3A_3, %add3A_382 : vector<16xi32>
          tpu.vector_store_idx %arg8[%add3A_383], %get3A_217 : memref<16384xf32, #tpu.memory_space<vmem>>[vector<16xi32>], vector<16xf32>,
          %mul3A_384 = arith.constant 32 : i32
          %mul3A_385 = arith.muli %mul3A_142, %mul3A_384 : i32
          %add3A_386 = arith.constant 19 : i32
          %add3A_387 = arith.addi %mul3A_385, %add3A_386 : i32
          %add3A_388 = vector.broadcast %add3A_387 : i32 to vector<16xi32>
          %add3A_389 = arith.addi %mul3A_3, %add3A_388 : vector<16xi32>
          tpu.vector_store_idx %arg8[%add3A_389], %get3A_221 : memref<16384xf32, #tpu.memory_space<vmem>>[vector<16xi32>], vector<16xf32>,
          %mul3A_390 = arith.constant 32 : i32
          %mul3A_391 = arith.muli %mul3A_142, %mul3A_390 : i32
          %add3A_392 = arith.constant 20 : i32
          %add3A_393 = arith.addi %mul3A_391, %add3A_392 : i32
          %add3A_394 = vector.broadcast %add3A_393 : i32 to vector<16xi32>
          %add3A_395 = arith.addi %mul3A_3, %add3A_394 : vector<16xi32>
          tpu.vector_store_idx %arg8[%add3A_395], %get3A_225 : memref<16384xf32, #tpu.memory_space<vmem>>[vector<16xi32>], vector<16xf32>,
          %mul3A_396 = arith.constant 32 : i32
          %mul3A_397 = arith.muli %mul3A_142, %mul3A_396 : i32
          %add3A_398 = arith.constant 21 : i32
          %add3A_399 = arith.addi %mul3A_397, %add3A_398 : i32
          %add3A_400 = vector.broadcast %add3A_399 : i32 to vector<16xi32>
          %add3A_401 = arith.addi %mul3A_3, %add3A_400 : vector<16xi32>
          tpu.vector_store_idx %arg8[%add3A_401], %get3A_229 : memref<16384xf32, #tpu.memory_space<vmem>>[vector<16xi32>], vector<16xf32>,
          %mul3A_402 = arith.constant 32 : i32
          %mul3A_403 = arith.muli %mul3A_142, %mul3A_402 : i32
          %add3A_404 = arith.constant 22 : i32
          %add3A_405 = arith.addi %mul3A_403, %add3A_404 : i32
          %add3A_406 = vector.broadcast %add3A_405 : i32 to vector<16xi32>
          %add3A_407 = arith.addi %mul3A_3, %add3A_406 : vector<16xi32>
          tpu.vector_store_idx %arg8[%add3A_407], %get3A_233 : memref<16384xf32, #tpu.memory_space<vmem>>[vector<16xi32>], vector<16xf32>,
          %mul3A_408 = arith.constant 32 : i32
          %mul3A_409 = arith.muli %mul3A_142, %mul3A_408 : i32
          %add3A_410 = arith.constant 23 : i32
          %add3A_411 = arith.addi %mul3A_409, %add3A_410 : i32
          %add3A_412 = vector.broadcast %add3A_411 : i32 to vector<16xi32>
          %add3A_413 = arith.addi %mul3A_3, %add3A_412 : vector<16xi32>
          tpu.vector_store_idx %arg8[%add3A_413], %get3A_237 : memref<16384xf32, #tpu.memory_space<vmem>>[vector<16xi32>], vector<16xf32>,
          %mul3A_414 = arith.constant 32 : i32
          %mul3A_415 = arith.muli %mul3A_142, %mul3A_414 : i32
          %add3A_416 = arith.constant 24 : i32
          %add3A_417 = arith.addi %mul3A_415, %add3A_416 : i32
          %add3A_418 = vector.broadcast %add3A_417 : i32 to vector<16xi32>
          %add3A_419 = arith.addi %mul3A_3, %add3A_418 : vector<16xi32>
          tpu.vector_store_idx %arg8[%add3A_419], %get3A_241 : memref<16384xf32, #tpu.memory_space<vmem>>[vector<16xi32>], vector<16xf32>,
          %mul3A_420 = arith.constant 32 : i32
          %mul3A_421 = arith.muli %mul3A_142, %mul3A_420 : i32
          %add3A_422 = arith.constant 25 : i32
          %add3A_423 = arith.addi %mul3A_421, %add3A_422 : i32
          %add3A_424 = vector.broadcast %add3A_423 : i32 to vector<16xi32>
          %add3A_425 = arith.addi %mul3A_3, %add3A_424 : vector<16xi32>
          tpu.vector_store_idx %arg8[%add3A_425], %get3A_245 : memref<16384xf32, #tpu.memory_space<vmem>>[vector<16xi32>], vector<16xf32>,
          %mul3A_426 = arith.constant 32 : i32
          %mul3A_427 = arith.muli %mul3A_142, %mul3A_426 : i32
          %add3A_428 = arith.constant 26 : i32
          %add3A_429 = arith.addi %mul3A_427, %add3A_428 : i32
          %add3A_430 = vector.broadcast %add3A_429 : i32 to vector<16xi32>
          %add3A_431 = arith.addi %mul3A_3, %add3A_430 : vector<16xi32>
          tpu.vector_store_idx %arg8[%add3A_431], %get3A_249 : memref<16384xf32, #tpu.memory_space<vmem>>[vector<16xi32>], vector<16xf32>,
          %mul3A_432 = arith.constant 32 : i32
          %mul3A_433 = arith.muli %mul3A_142, %mul3A_432 : i32
          %add3A_434 = arith.constant 27 : i32
          %add3A_435 = arith.addi %mul3A_433, %add3A_434 : i32
          %add3A_436 = vector.broadcast %add3A_435 : i32 to vector<16xi32>
          %add3A_437 = arith.addi %mul3A_3, %add3A_436 : vector<16xi32>
          tpu.vector_store_idx %arg8[%add3A_437], %get3A_253 : memref<16384xf32, #tpu.memory_space<vmem>>[vector<16xi32>], vector<16xf32>,
          %mul3A_438 = arith.constant 32 : i32
          %mul3A_439 = arith.muli %mul3A_142, %mul3A_438 : i32
          %add3A_440 = arith.constant 28 : i32
          %add3A_441 = arith.addi %mul3A_439, %add3A_440 : i32
          %add3A_442 = vector.broadcast %add3A_441 : i32 to vector<16xi32>
          %add3A_443 = arith.addi %mul3A_3, %add3A_442 : vector<16xi32>
          tpu.vector_store_idx %arg8[%add3A_443], %get3A_257 : memref<16384xf32, #tpu.memory_space<vmem>>[vector<16xi32>], vector<16xf32>,
          %mul3A_444 = arith.constant 32 : i32
          %mul3A_445 = arith.muli %mul3A_142, %mul3A_444 : i32
          %add3A_446 = arith.constant 29 : i32
          %add3A_447 = arith.addi %mul3A_445, %add3A_446 : i32
          %add3A_448 = vector.broadcast %add3A_447 : i32 to vector<16xi32>
          %add3A_449 = arith.addi %mul3A_3, %add3A_448 : vector<16xi32>
          tpu.vector_store_idx %arg8[%add3A_449], %get3A_261 : memref<16384xf32, #tpu.memory_space<vmem>>[vector<16xi32>], vector<16xf32>,
          %mul3A_450 = arith.constant 32 : i32
          %mul3A_451 = arith.muli %mul3A_142, %mul3A_450 : i32
          %add3A_452 = arith.constant 30 : i32
          %add3A_453 = arith.addi %mul3A_451, %add3A_452 : i32
          %add3A_454 = vector.broadcast %add3A_453 : i32 to vector<16xi32>
          %add3A_455 = arith.addi %mul3A_3, %add3A_454 : vector<16xi32>
          tpu.vector_store_idx %arg8[%add3A_455], %get3A_265 : memref<16384xf32, #tpu.memory_space<vmem>>[vector<16xi32>], vector<16xf32>,
          %mul3A_456 = arith.constant 32 : i32
          %mul3A_457 = arith.muli %mul3A_142, %mul3A_456 : i32
          %add3A_458 = arith.constant 31 : i32
          %add3A_459 = arith.addi %mul3A_457, %add3A_458 : i32
          %add3A_460 = vector.broadcast %add3A_459 : i32 to vector<16xi32>
          %add3A_461 = arith.addi %mul3A_3, %add3A_460 : vector<16xi32>
          tpu.vector_store_idx %arg8[%add3A_461], %get3A_269 : memref<16384xf32, #tpu.memory_space<vmem>>[vector<16xi32>], vector<16xf32>,
        }
        %scan3A_128 = arith.constant 32 : i32
        %mul3A_129 = arith.constant 32 : i32
        %mul3A_130 = arith.muli %add3A_96, %mul3A_129 : i32
        %add3A_131 = arith.addi %mul3A_130, %add3A : i32
        %mul3A_132 = arith.constant 512 : i32
        %mul3A_133 = arith.muli %add3A_131, %mul3A_132 : i32
        %mul3A_134 = arith.constant 32 : i32
        %mul3A_135 = arith.muli %mul3A_133, %mul3A_134 : i32
        %dma_start3A = arith.constant 1 : i32
        %dma_start3A_136 = tpu.memref_slice %arg4[%mul3A_135] : memref<32000000xf32, #tpu.memory_space<hbm>> -> memref<16384xf32, #tpu.memory_space<hbm>>
        %dma_start3A_137 = tpu.memref_slice %arg10[%dma_start3A] : memref<2x!tpu.dma_semaphore, #tpu.memory_space<semaphore_mem>> -> memref<1x!tpu.dma_semaphore, #tpu.memory_space<semaphore_mem>>
        %dma_start3A_138 = tpu.memref_squeeze %dma_start3A_137 : memref<1x!tpu.dma_semaphore, #tpu.memory_space<semaphore_mem>> -> memref<!tpu.dma_semaphore, #tpu.memory_space<semaphore_mem>>
        %dma_start3A_139 = tpu.memref_slice %arg4[%mul3A_135] : memref<32000000xf32, #tpu.memory_space<hbm>> -> memref<16384xf32, #tpu.memory_space<hbm>>
        tpu.enqueue_dma source(%arg8 : memref<16384xf32, #tpu.memory_space<vmem>>) target(%dma_start3A_139 : memref<16384xf32, #tpu.memory_space<hbm>>) target_semaphore(%dma_start3A_138 : memref<!tpu.dma_semaphore, #tpu.memory_space<semaphore_mem>>)
      } else {
      }
    }
    %scan3A_18 = arith.constant 31 : i32
    %sub3A = arith.constant 1 : i32
    %sub3A_19 = arith.subi %add3A_9, %sub3A : i32
    %sub3A_20 = arith.constant 1 : i32
    %sub3A_21 = arith.subi %add3A_9, %sub3A_20 : i32
    %sub3A_22 = arith.constant 0 : i32
    %sub3A_23 = arith.subi %sub3A_21, %sub3A_22 : i32
    %jit3A_24 = arith.constant 2 : i32
    %eq3A_25 = arith.constant 0 : i32
    %eq3A_26 = arith.cmpi eq, %jit3A_24, %eq3A_25 : i32
    %jit3A_27 = arith.constant 1 : i32
    %select_n3A_28 = arith.select %eq3A_26, %jit3A_27, %jit3A_24 : i32
    %rem3A = arith.remsi %sub3A_23, %select_n3A_28 : i32
    %ne3A = arith.constant 0 : i32
    %ne3A_29 = arith.cmpi ne, %rem3A, %ne3A : i32
    %lt3A_30 = arith.constant 0 : i32
    %lt3A_31 = arith.cmpi slt, %rem3A, %lt3A_30 : i32
    %lt3A_32 = arith.constant 0 : i32
    %lt3A_33 = arith.cmpi slt, %select_n3A_28, %lt3A_32 : i32
    %ne3A_34 = arith.xori %lt3A_31, %lt3A_33 : i1
    %and3A = arith.andi %ne3A_34, %ne3A_29 : i1
    %add3A_35 = arith.addi %rem3A, %select_n3A_28 : i32
    %select_n3A_36 = arith.select %and3A, %add3A_35, %rem3A : i32
    %sub3A_37 = arith.subi %sub3A_19, %select_n3A_36 : i32
    %mul3A_38 = arith.constant 32 : i32
    %mul3A_39 = arith.muli %sub3A_37, %mul3A_38 : i32
    %add3A_40 = arith.addi %mul3A_39, %add3A : i32
    %mul3A_41 = arith.constant 512 : i32
    %mul3A_42 = arith.muli %add3A_40, %mul3A_41 : i32
    %mul3A_43 = arith.constant 32 : i32
    %mul3A_44 = arith.muli %mul3A_42, %mul3A_43 : i32
    %dma_wait3A = arith.constant 0 : i32
    %dma_wait3A_45 = tpu.memref_slice %arg4[%mul3A_44] : memref<32000000xf32, #tpu.memory_space<hbm>> -> memref<16384xf32, #tpu.memory_space<hbm>>
    %dma_wait3A_46 = tpu.memref_slice %arg10[%dma_wait3A] : memref<2x!tpu.dma_semaphore, #tpu.memory_space<semaphore_mem>> -> memref<1x!tpu.dma_semaphore, #tpu.memory_space<semaphore_mem>>
    %dma_wait3A_47 = tpu.memref_squeeze %dma_wait3A_46 : memref<1x!tpu.dma_semaphore, #tpu.memory_space<semaphore_mem>> -> memref<!tpu.dma_semaphore, #tpu.memory_space<semaphore_mem>>
    %dma_wait3A_48 = tpu.memref_slice %arg4[%mul3A_44] : memref<32000000xf32, #tpu.memory_space<hbm>> -> memref<16384xf32, #tpu.memory_space<hbm>>
    tpu.wait_dma2 semaphore(%dma_wait3A_47 : memref<!tpu.dma_semaphore, #tpu.memory_space<semaphore_mem>>) src(%arg7 : memref<16384xf32, #tpu.memory_space<vmem>>) dst(%dma_wait3A_48 : memref<16384xf32, #tpu.memory_space<hbm>>)
    %sub3A_49 = arith.constant 1 : i32
    %sub3A_50 = arith.subi %add3A_9, %sub3A_49 : i32
    %sub3A_51 = arith.constant 1 : i32
    %sub3A_52 = arith.subi %add3A_9, %sub3A_51 : i32
    %sub3A_53 = arith.constant 1 : i32
    %sub3A_54 = arith.subi %sub3A_52, %sub3A_53 : i32
    %jit3A_55 = arith.constant 2 : i32
    %eq3A_56 = arith.constant 0 : i32
    %eq3A_57 = arith.cmpi eq, %jit3A_55, %eq3A_56 : i32
    %jit3A_58 = arith.constant 1 : i32
    %select_n3A_59 = arith.select %eq3A_57, %jit3A_58, %jit3A_55 : i32
    %rem3A_60 = arith.remsi %sub3A_54, %select_n3A_59 : i32
    %ne3A_61 = arith.constant 0 : i32
    %ne3A_62 = arith.cmpi ne, %rem3A_60, %ne3A_61 : i32
    %lt3A_63 = arith.constant 0 : i32
    %lt3A_64 = arith.cmpi slt, %rem3A_60, %lt3A_63 : i32
    %lt3A_65 = arith.constant 0 : i32
    %lt3A_66 = arith.cmpi slt, %select_n3A_59, %lt3A_65 : i32
    %ne3A_67 = arith.xori %lt3A_64, %lt3A_66 : i1
    %and3A_68 = arith.andi %ne3A_67, %ne3A_62 : i1
    %add3A_69 = arith.addi %rem3A_60, %select_n3A_59 : i32
    %select_n3A_70 = arith.select %and3A_68, %add3A_69, %rem3A_60 : i32
    %sub3A_71 = arith.subi %sub3A_50, %select_n3A_70 : i32
    %mul3A_72 = arith.constant 32 : i32
    %mul3A_73 = arith.muli %sub3A_71, %mul3A_72 : i32
    %add3A_74 = arith.addi %mul3A_73, %add3A : i32
    %mul3A_75 = arith.constant 512 : i32
    %mul3A_76 = arith.muli %add3A_74, %mul3A_75 : i32
    %mul3A_77 = arith.constant 32 : i32
    %mul3A_78 = arith.muli %mul3A_76, %mul3A_77 : i32
    %dma_wait3A_79 = arith.constant 1 : i32
    %dma_wait3A_80 = tpu.memref_slice %arg4[%mul3A_78] : memref<32000000xf32, #tpu.memory_space<hbm>> -> memref<16384xf32, #tpu.memory_space<hbm>>
    %dma_wait3A_81 = tpu.memref_slice %arg10[%dma_wait3A_79] : memref<2x!tpu.dma_semaphore, #tpu.memory_space<semaphore_mem>> -> memref<1x!tpu.dma_semaphore, #tpu.memory_space<semaphore_mem>>
    %dma_wait3A_82 = tpu.memref_squeeze %dma_wait3A_81 : memref<1x!tpu.dma_semaphore, #tpu.memory_space<semaphore_mem>> -> memref<!tpu.dma_semaphore, #tpu.memory_space<semaphore_mem>>
    %dma_wait3A_83 = tpu.memref_slice %arg4[%mul3A_78] : memref<32000000xf32, #tpu.memory_space<hbm>> -> memref<16384xf32, #tpu.memory_space<hbm>>
    tpu.wait_dma2 semaphore(%dma_wait3A_82 : memref<!tpu.dma_semaphore, #tpu.memory_space<semaphore_mem>>) src(%arg8 : memref<16384xf32, #tpu.memory_space<vmem>>) dst(%dma_wait3A_83 : memref<16384xf32, #tpu.memory_space<hbm>>)
    return
  }
}

#map = affine_map<(d0, d1) -> (0)>
#map1 = affine_map<(d0, d1) -> (0, 0)>
module attributes {stable_mosaic.version = 14 : i64} {
  func.func @run(%arg0: i32, %arg1: i32, %arg2: memref<327680xi32, #tpu.memory_space<hbm>>, %arg3: memref<1000000x32xf32, #tpu.memory_space<hbm>>, %arg4: memref<327680x32xf32, #tpu.memory_space<hbm>>, %arg5: memref<10240xi32, #tpu.memory_space<vmem>>, %arg6: memref<2x1024x32xf32, #tpu.memory_space<vmem>>, %arg7: memref<2x!tpu.dma_semaphore, #tpu.memory_space<semaphore_mem>>, %arg8: memref<2x!tpu.dma_semaphore, #tpu.memory_space<semaphore_mem>>) attributes {dimension_semantics = [#tpu.dimension_semantics<core_parallel>, #tpu.dimension_semantics<subcore_parallel>], iteration_bounds = array<i64: 2, 16>, scalar_prefetch = 0 : i64, scratch_operands = 4 : i64, tpu.core_type = #tpu.core_type<sc_vector_subcore>, window_params = [{transform_indices = #map}, {transform_indices = #map1}, {transform_indices = #map1}]} {
    %mul3A = arith.constant 2 : i32
    %mul3A_0 = arith.muli %arg1, %mul3A : i32
    %add3A = arith.addi %mul3A_0, %arg0 : i32
    %mul3A_1 = arith.constant 10240 : i32
    %mul3A_2 = arith.muli %add3A, %mul3A_1 : i32
    "tpu.region"() ({
      %run_scoped3A = tpu.sem_alloc : memref<!tpu.dma_semaphore, #tpu.memory_space<semaphore_mem>>
      %dma_start3A_601 = tpu.memref_slice %arg2[%mul3A_2] : memref<327680xi32, #tpu.memory_space<hbm>> -> memref<10240xi32, #tpu.memory_space<hbm>>
      %dma_start3A_602 = tpu.memref_slice %arg2[%mul3A_2] : memref<327680xi32, #tpu.memory_space<hbm>> -> memref<10240xi32, #tpu.memory_space<hbm>>
      tpu.enqueue_dma source(%dma_start3A_602 : memref<10240xi32, #tpu.memory_space<hbm>>) target(%arg5 : memref<10240xi32, #tpu.memory_space<vmem>>) target_semaphore(%run_scoped3A : memref<!tpu.dma_semaphore, #tpu.memory_space<semaphore_mem>>)
      %dma_wait3A_603 = tpu.memref_slice %arg2[%mul3A_2] : memref<327680xi32, #tpu.memory_space<hbm>> -> memref<10240xi32, #tpu.memory_space<hbm>>
      %dma_wait3A_604 = tpu.memref_slice %arg2[%mul3A_2] : memref<327680xi32, #tpu.memory_space<hbm>> -> memref<10240xi32, #tpu.memory_space<hbm>>
      tpu.wait_dma2 semaphore(%run_scoped3A : memref<!tpu.dma_semaphore, #tpu.memory_space<semaphore_mem>>) src(%dma_wait3A_604 : memref<10240xi32, #tpu.memory_space<hbm>>) dst(%arg5 : memref<10240xi32, #tpu.memory_space<vmem>>)
      tpu.yield
    }) : () -> ()
    %dma_start3A = arith.constant 0 : i32
    %dma_start3A_3 = arith.constant 0 : i32
    %dma_start3A_4 = arith.constant 0 : i32
    %dma_start3A_5 = arith.constant 0 : i32
    %dma_start3A_6 = tpu.memref_slice %arg6[%dma_start3A, %dma_start3A_4, %dma_start3A_5] : memref<2x1024x32xf32, #tpu.memory_space<vmem>> -> memref<1x1024x32xf32, #tpu.memory_space<vmem>>
    %dma_start3A_7 = tpu.memref_squeeze %dma_start3A_6 : memref<1x1024x32xf32, #tpu.memory_space<vmem>> -> memref<1024x32xf32, #tpu.memory_space<vmem>>
    %dma_start3A_8 = arith.constant 0 : i32
    %dma_start3A_9 = tpu.memref_slice %arg5[%dma_start3A_8] : memref<10240xi32, #tpu.memory_space<vmem>> -> memref<1024xi32, #tpu.memory_space<vmem>>
    %dma_start3A_10 = arith.constant 0 : i32
    %dma_start3A_11 = arith.constant 0 : i32
    %dma_start3A_12 = tpu.memref_slice %arg3[%dma_start3A_10, %dma_start3A_11] : memref<1000000x32xf32, #tpu.memory_space<hbm>> -> memref<1000000x32xf32, #tpu.memory_space<hbm>>
    %dma_start3A_13 = tpu.memref_slice %arg7[%dma_start3A_3] : memref<2x!tpu.dma_semaphore, #tpu.memory_space<semaphore_mem>> -> memref<1x!tpu.dma_semaphore, #tpu.memory_space<semaphore_mem>>
    %dma_start3A_14 = tpu.memref_squeeze %dma_start3A_13 : memref<1x!tpu.dma_semaphore, #tpu.memory_space<semaphore_mem>> -> memref<!tpu.dma_semaphore, #tpu.memory_space<semaphore_mem>>
    tpu.enqueue_indirect_dma source(%dma_start3A_12 : memref<1000000x32xf32, #tpu.memory_space<hbm>>) target(%dma_start3A_7 : memref<1024x32xf32, #tpu.memory_space<vmem>>) offsets(%dma_start3A_9 : memref<1024xi32, #tpu.memory_space<vmem>>) semaphore(%dma_start3A_14 : memref<!tpu.dma_semaphore, #tpu.memory_space<semaphore_mem>>)
    %dma_start3A_15 = arith.constant 1 : i32
    %dma_start3A_16 = arith.constant 1 : i32
    %dma_start3A_17 = arith.constant 0 : i32
    %dma_start3A_18 = arith.constant 0 : i32
    %dma_start3A_19 = tpu.memref_slice %arg6[%dma_start3A_15, %dma_start3A_17, %dma_start3A_18] : memref<2x1024x32xf32, #tpu.memory_space<vmem>> -> memref<1x1024x32xf32, #tpu.memory_space<vmem>>
    %dma_start3A_20 = tpu.memref_squeeze %dma_start3A_19 : memref<1x1024x32xf32, #tpu.memory_space<vmem>> -> memref<1024x32xf32, #tpu.memory_space<vmem>>
    %dma_start3A_21 = arith.constant 1024 : i32
    %dma_start3A_22 = tpu.memref_slice %arg5[%dma_start3A_21] : memref<10240xi32, #tpu.memory_space<vmem>> -> memref<1024xi32, #tpu.memory_space<vmem>>
    %dma_start3A_23 = arith.constant 0 : i32
    %dma_start3A_24 = arith.constant 0 : i32
    %dma_start3A_25 = tpu.memref_slice %arg3[%dma_start3A_23, %dma_start3A_24] : memref<1000000x32xf32, #tpu.memory_space<hbm>> -> memref<1000000x32xf32, #tpu.memory_space<hbm>>
    %dma_start3A_26 = tpu.memref_slice %arg7[%dma_start3A_16] : memref<2x!tpu.dma_semaphore, #tpu.memory_space<semaphore_mem>> -> memref<1x!tpu.dma_semaphore, #tpu.memory_space<semaphore_mem>>
    %dma_start3A_27 = tpu.memref_squeeze %dma_start3A_26 : memref<1x!tpu.dma_semaphore, #tpu.memory_space<semaphore_mem>> -> memref<!tpu.dma_semaphore, #tpu.memory_space<semaphore_mem>>
    tpu.enqueue_indirect_dma source(%dma_start3A_25 : memref<1000000x32xf32, #tpu.memory_space<hbm>>) target(%dma_start3A_20 : memref<1024x32xf32, #tpu.memory_space<vmem>>) offsets(%dma_start3A_22 : memref<1024xi32, #tpu.memory_space<vmem>>) semaphore(%dma_start3A_27 : memref<!tpu.dma_semaphore, #tpu.memory_space<semaphore_mem>>)
    %dma_wait3A = arith.constant 0 : i32
    %dma_wait3A_28 = arith.constant 0 : i32
    %dma_wait3A_29 = arith.constant 0 : i32
    %dma_wait3A_30 = arith.constant 0 : i32
    %dma_wait3A_31 = tpu.memref_slice %arg6[%dma_wait3A, %dma_wait3A_29, %dma_wait3A_30] : memref<2x1024x32xf32, #tpu.memory_space<vmem>> -> memref<1x1024x32xf32, #tpu.memory_space<vmem>>
    %dma_wait3A_32 = tpu.memref_squeeze %dma_wait3A_31 : memref<1x1024x32xf32, #tpu.memory_space<vmem>> -> memref<1024x32xf32, #tpu.memory_space<vmem>>
    %dma_wait3A_33 = arith.constant 0 : i32
    %dma_wait3A_34 = tpu.memref_slice %arg5[%dma_wait3A_33] : memref<10240xi32, #tpu.memory_space<vmem>> -> memref<1024xi32, #tpu.memory_space<vmem>>
    %dma_wait3A_35 = arith.constant 0 : i32
    %dma_wait3A_36 = arith.constant 0 : i32
    %dma_wait3A_37 = tpu.memref_slice %arg3[%dma_wait3A_35, %dma_wait3A_36] : memref<1000000x32xf32, #tpu.memory_space<hbm>> -> memref<1000000x32xf32, #tpu.memory_space<hbm>>
    %dma_wait3A_38 = tpu.memref_slice %arg7[%dma_wait3A_28] : memref<2x!tpu.dma_semaphore, #tpu.memory_space<semaphore_mem>> -> memref<1x!tpu.dma_semaphore, #tpu.memory_space<semaphore_mem>>
    %dma_wait3A_39 = tpu.memref_squeeze %dma_wait3A_38 : memref<1x!tpu.dma_semaphore, #tpu.memory_space<semaphore_mem>> -> memref<!tpu.dma_semaphore, #tpu.memory_space<semaphore_mem>>
    tpu.wait_indirect_dma semaphore(%dma_wait3A_39 : memref<!tpu.dma_semaphore, #tpu.memory_space<semaphore_mem>>) src(%dma_wait3A_37 : memref<1000000x32xf32, #tpu.memory_space<hbm>>) dst(%dma_wait3A_32 : memref<1024x32xf32, #tpu.memory_space<vmem>>)
    %add3A_40 = arith.constant 0 : i32
    %add3A_41 = arith.addi %mul3A_2, %add3A_40 : i32
    %dma_start3A_42 = arith.constant 0 : i32
    %dma_start3A_43 = arith.constant 0 : i32
    %dma_start3A_44 = arith.constant 0 : i32
    %dma_start3A_45 = arith.constant 0 : i32
    %dma_start3A_46 = tpu.memref_slice %arg6[%dma_start3A_42, %dma_start3A_44, %dma_start3A_45] : memref<2x1024x32xf32, #tpu.memory_space<vmem>> -> memref<1x1024x32xf32, #tpu.memory_space<vmem>>
    %dma_start3A_47 = tpu.memref_squeeze %dma_start3A_46 : memref<1x1024x32xf32, #tpu.memory_space<vmem>> -> memref<1024x32xf32, #tpu.memory_space<vmem>>
    %dma_start3A_48 = arith.constant 0 : i32
    %dma_start3A_49 = tpu.memref_slice %arg4[%add3A_41, %dma_start3A_48] : memref<327680x32xf32, #tpu.memory_space<hbm>> -> memref<1024x32xf32, #tpu.memory_space<hbm>>
    %dma_start3A_50 = tpu.memref_slice %arg8[%dma_start3A_43] : memref<2x!tpu.dma_semaphore, #tpu.memory_space<semaphore_mem>> -> memref<1x!tpu.dma_semaphore, #tpu.memory_space<semaphore_mem>>
    %dma_start3A_51 = tpu.memref_squeeze %dma_start3A_50 : memref<1x!tpu.dma_semaphore, #tpu.memory_space<semaphore_mem>> -> memref<!tpu.dma_semaphore, #tpu.memory_space<semaphore_mem>>
    %dma_start3A_52 = arith.constant 0 : i32
    %dma_start3A_53 = tpu.memref_slice %arg4[%add3A_41, %dma_start3A_52] : memref<327680x32xf32, #tpu.memory_space<hbm>> -> memref<1024x32xf32, #tpu.memory_space<hbm>>
    %dma_start3A_54 = arith.constant 0 : i32
    %dma_start3A_55 = arith.constant 0 : i32
    %dma_start3A_56 = tpu.memref_slice %arg6[%dma_start3A_42, %dma_start3A_54, %dma_start3A_55] : memref<2x1024x32xf32, #tpu.memory_space<vmem>> -> memref<1x1024x32xf32, #tpu.memory_space<vmem>>
    %dma_start3A_57 = tpu.memref_squeeze %dma_start3A_56 : memref<1x1024x32xf32, #tpu.memory_space<vmem>> -> memref<1024x32xf32, #tpu.memory_space<vmem>>
    tpu.enqueue_dma source(%dma_start3A_57 : memref<1024x32xf32, #tpu.memory_space<vmem>>) target(%dma_start3A_53 : memref<1024x32xf32, #tpu.memory_space<hbm>>) target_semaphore(%dma_start3A_51 : memref<!tpu.dma_semaphore, #tpu.memory_space<semaphore_mem>>)
    %dma_wait3A_58 = arith.constant 0 : i32
    %dma_wait3A_59 = arith.constant 0 : i32
    %dma_wait3A_60 = arith.constant 0 : i32
    %dma_wait3A_61 = arith.constant 0 : i32
    %dma_wait3A_62 = tpu.memref_slice %arg6[%dma_wait3A_58, %dma_wait3A_60, %dma_wait3A_61] : memref<2x1024x32xf32, #tpu.memory_space<vmem>> -> memref<1x1024x32xf32, #tpu.memory_space<vmem>>
    %dma_wait3A_63 = tpu.memref_squeeze %dma_wait3A_62 : memref<1x1024x32xf32, #tpu.memory_space<vmem>> -> memref<1024x32xf32, #tpu.memory_space<vmem>>
    %dma_wait3A_64 = arith.constant 0 : i32
    %dma_wait3A_65 = tpu.memref_slice %arg4[%add3A_41, %dma_wait3A_64] : memref<327680x32xf32, #tpu.memory_space<hbm>> -> memref<1024x32xf32, #tpu.memory_space<hbm>>
    %dma_wait3A_66 = tpu.memref_slice %arg8[%dma_wait3A_59] : memref<2x!tpu.dma_semaphore, #tpu.memory_space<semaphore_mem>> -> memref<1x!tpu.dma_semaphore, #tpu.memory_space<semaphore_mem>>
    %dma_wait3A_67 = tpu.memref_squeeze %dma_wait3A_66 : memref<1x!tpu.dma_semaphore, #tpu.memory_space<semaphore_mem>> -> memref<!tpu.dma_semaphore, #tpu.memory_space<semaphore_mem>>
    %dma_wait3A_68 = arith.constant 0 : i32
    %dma_wait3A_69 = tpu.memref_slice %arg4[%add3A_41, %dma_wait3A_68] : memref<327680x32xf32, #tpu.memory_space<hbm>> -> memref<1024x32xf32, #tpu.memory_space<hbm>>
    %dma_wait3A_70 = arith.constant 0 : i32
    %dma_wait3A_71 = arith.constant 0 : i32
    %dma_wait3A_72 = tpu.memref_slice %arg6[%dma_wait3A_58, %dma_wait3A_70, %dma_wait3A_71] : memref<2x1024x32xf32, #tpu.memory_space<vmem>> -> memref<1x1024x32xf32, #tpu.memory_space<vmem>>
    %dma_wait3A_73 = tpu.memref_squeeze %dma_wait3A_72 : memref<1x1024x32xf32, #tpu.memory_space<vmem>> -> memref<1024x32xf32, #tpu.memory_space<vmem>>
    tpu.wait_dma2 semaphore(%dma_wait3A_67 : memref<!tpu.dma_semaphore, #tpu.memory_space<semaphore_mem>>) src(%dma_wait3A_73 : memref<1024x32xf32, #tpu.memory_space<vmem>>) dst(%dma_wait3A_69 : memref<1024x32xf32, #tpu.memory_space<hbm>>)
    %dma_start3A_74 = arith.constant 0 : i32
    %dma_start3A_75 = arith.constant 0 : i32
    %dma_start3A_76 = arith.constant 0 : i32
    %dma_start3A_77 = arith.constant 0 : i32
    %dma_start3A_78 = tpu.memref_slice %arg6[%dma_start3A_74, %dma_start3A_76, %dma_start3A_77] : memref<2x1024x32xf32, #tpu.memory_space<vmem>> -> memref<1x1024x32xf32, #tpu.memory_space<vmem>>
    %dma_start3A_79 = tpu.memref_squeeze %dma_start3A_78 : memref<1x1024x32xf32, #tpu.memory_space<vmem>> -> memref<1024x32xf32, #tpu.memory_space<vmem>>
    %dma_start3A_80 = arith.constant 2048 : i32
    %dma_start3A_81 = tpu.memref_slice %arg5[%dma_start3A_80] : memref<10240xi32, #tpu.memory_space<vmem>> -> memref<1024xi32, #tpu.memory_space<vmem>>
    %dma_start3A_82 = arith.constant 0 : i32
    %dma_start3A_83 = arith.constant 0 : i32
    %dma_start3A_84 = tpu.memref_slice %arg3[%dma_start3A_82, %dma_start3A_83] : memref<1000000x32xf32, #tpu.memory_space<hbm>> -> memref<1000000x32xf32, #tpu.memory_space<hbm>>
    %dma_start3A_85 = tpu.memref_slice %arg7[%dma_start3A_75] : memref<2x!tpu.dma_semaphore, #tpu.memory_space<semaphore_mem>> -> memref<1x!tpu.dma_semaphore, #tpu.memory_space<semaphore_mem>>
    %dma_start3A_86 = tpu.memref_squeeze %dma_start3A_85 : memref<1x!tpu.dma_semaphore, #tpu.memory_space<semaphore_mem>> -> memref<!tpu.dma_semaphore, #tpu.memory_space<semaphore_mem>>
    tpu.enqueue_indirect_dma source(%dma_start3A_84 : memref<1000000x32xf32, #tpu.memory_space<hbm>>) target(%dma_start3A_79 : memref<1024x32xf32, #tpu.memory_space<vmem>>) offsets(%dma_start3A_81 : memref<1024xi32, #tpu.memory_space<vmem>>) semaphore(%dma_start3A_86 : memref<!tpu.dma_semaphore, #tpu.memory_space<semaphore_mem>>)
    %dma_wait3A_87 = arith.constant 1 : i32
    %dma_wait3A_88 = arith.constant 1 : i32
    %dma_wait3A_89 = arith.constant 0 : i32
    %dma_wait3A_90 = arith.constant 0 : i32
    %dma_wait3A_91 = tpu.memref_slice %arg6[%dma_wait3A_87, %dma_wait3A_89, %dma_wait3A_90] : memref<2x1024x32xf32, #tpu.memory_space<vmem>> -> memref<1x1024x32xf32, #tpu.memory_space<vmem>>
    %dma_wait3A_92 = tpu.memref_squeeze %dma_wait3A_91 : memref<1x1024x32xf32, #tpu.memory_space<vmem>> -> memref<1024x32xf32, #tpu.memory_space<vmem>>
    %dma_wait3A_93 = arith.constant 1024 : i32
    %dma_wait3A_94 = tpu.memref_slice %arg5[%dma_wait3A_93] : memref<10240xi32, #tpu.memory_space<vmem>> -> memref<1024xi32, #tpu.memory_space<vmem>>
    %dma_wait3A_95 = arith.constant 0 : i32
    %dma_wait3A_96 = arith.constant 0 : i32
    %dma_wait3A_97 = tpu.memref_slice %arg3[%dma_wait3A_95, %dma_wait3A_96] : memref<1000000x32xf32, #tpu.memory_space<hbm>> -> memref<1000000x32xf32, #tpu.memory_space<hbm>>
    %dma_wait3A_98 = tpu.memref_slice %arg7[%dma_wait3A_88] : memref<2x!tpu.dma_semaphore, #tpu.memory_space<semaphore_mem>> -> memref<1x!tpu.dma_semaphore, #tpu.memory_space<semaphore_mem>>
    %dma_wait3A_99 = tpu.memref_squeeze %dma_wait3A_98 : memref<1x!tpu.dma_semaphore, #tpu.memory_space<semaphore_mem>> -> memref<!tpu.dma_semaphore, #tpu.memory_space<semaphore_mem>>
    tpu.wait_indirect_dma semaphore(%dma_wait3A_99 : memref<!tpu.dma_semaphore, #tpu.memory_space<semaphore_mem>>) src(%dma_wait3A_97 : memref<1000000x32xf32, #tpu.memory_space<hbm>>) dst(%dma_wait3A_92 : memref<1024x32xf32, #tpu.memory_space<vmem>>)
    %add3A_100 = arith.constant 1024 : i32
    %add3A_101 = arith.addi %mul3A_2, %add3A_100 : i32
    %dma_start3A_102 = arith.constant 1 : i32
    %dma_start3A_103 = arith.constant 1 : i32
    %dma_start3A_104 = arith.constant 0 : i32
    %dma_start3A_105 = arith.constant 0 : i32
    %dma_start3A_106 = tpu.memref_slice %arg6[%dma_start3A_102, %dma_start3A_104, %dma_start3A_105] : memref<2x1024x32xf32, #tpu.memory_space<vmem>> -> memref<1x1024x32xf32, #tpu.memory_space<vmem>>
    %dma_start3A_107 = tpu.memref_squeeze %dma_start3A_106 : memref<1x1024x32xf32, #tpu.memory_space<vmem>> -> memref<1024x32xf32, #tpu.memory_space<vmem>>
    %dma_start3A_108 = arith.constant 0 : i32
    %dma_start3A_109 = tpu.memref_slice %arg4[%add3A_101, %dma_start3A_108] : memref<327680x32xf32, #tpu.memory_space<hbm>> -> memref<1024x32xf32, #tpu.memory_space<hbm>>
    %dma_start3A_110 = tpu.memref_slice %arg8[%dma_start3A_103] : memref<2x!tpu.dma_semaphore, #tpu.memory_space<semaphore_mem>> -> memref<1x!tpu.dma_semaphore, #tpu.memory_space<semaphore_mem>>
    %dma_start3A_111 = tpu.memref_squeeze %dma_start3A_110 : memref<1x!tpu.dma_semaphore, #tpu.memory_space<semaphore_mem>> -> memref<!tpu.dma_semaphore, #tpu.memory_space<semaphore_mem>>
    %dma_start3A_112 = arith.constant 0 : i32
    %dma_start3A_113 = tpu.memref_slice %arg4[%add3A_101, %dma_start3A_112] : memref<327680x32xf32, #tpu.memory_space<hbm>> -> memref<1024x32xf32, #tpu.memory_space<hbm>>
    %dma_start3A_114 = arith.constant 0 : i32
    %dma_start3A_115 = arith.constant 0 : i32
    %dma_start3A_116 = tpu.memref_slice %arg6[%dma_start3A_102, %dma_start3A_114, %dma_start3A_115] : memref<2x1024x32xf32, #tpu.memory_space<vmem>> -> memref<1x1024x32xf32, #tpu.memory_space<vmem>>
    %dma_start3A_117 = tpu.memref_squeeze %dma_start3A_116 : memref<1x1024x32xf32, #tpu.memory_space<vmem>> -> memref<1024x32xf32, #tpu.memory_space<vmem>>
    tpu.enqueue_dma source(%dma_start3A_117 : memref<1024x32xf32, #tpu.memory_space<vmem>>) target(%dma_start3A_113 : memref<1024x32xf32, #tpu.memory_space<hbm>>) target_semaphore(%dma_start3A_111 : memref<!tpu.dma_semaphore, #tpu.memory_space<semaphore_mem>>)
    %dma_wait3A_118 = arith.constant 1 : i32
    %dma_wait3A_119 = arith.constant 1 : i32
    %dma_wait3A_120 = arith.constant 0 : i32
    %dma_wait3A_121 = arith.constant 0 : i32
    %dma_wait3A_122 = tpu.memref_slice %arg6[%dma_wait3A_118, %dma_wait3A_120, %dma_wait3A_121] : memref<2x1024x32xf32, #tpu.memory_space<vmem>> -> memref<1x1024x32xf32, #tpu.memory_space<vmem>>
    %dma_wait3A_123 = tpu.memref_squeeze %dma_wait3A_122 : memref<1x1024x32xf32, #tpu.memory_space<vmem>> -> memref<1024x32xf32, #tpu.memory_space<vmem>>
    %dma_wait3A_124 = arith.constant 0 : i32
    %dma_wait3A_125 = tpu.memref_slice %arg4[%add3A_101, %dma_wait3A_124] : memref<327680x32xf32, #tpu.memory_space<hbm>> -> memref<1024x32xf32, #tpu.memory_space<hbm>>
    %dma_wait3A_126 = tpu.memref_slice %arg8[%dma_wait3A_119] : memref<2x!tpu.dma_semaphore, #tpu.memory_space<semaphore_mem>> -> memref<1x!tpu.dma_semaphore, #tpu.memory_space<semaphore_mem>>
    %dma_wait3A_127 = tpu.memref_squeeze %dma_wait3A_126 : memref<1x!tpu.dma_semaphore, #tpu.memory_space<semaphore_mem>> -> memref<!tpu.dma_semaphore, #tpu.memory_space<semaphore_mem>>
    %dma_wait3A_128 = arith.constant 0 : i32
    %dma_wait3A_129 = tpu.memref_slice %arg4[%add3A_101, %dma_wait3A_128] : memref<327680x32xf32, #tpu.memory_space<hbm>> -> memref<1024x32xf32, #tpu.memory_space<hbm>>
    %dma_wait3A_130 = arith.constant 0 : i32
    %dma_wait3A_131 = arith.constant 0 : i32
    %dma_wait3A_132 = tpu.memref_slice %arg6[%dma_wait3A_118, %dma_wait3A_130, %dma_wait3A_131] : memref<2x1024x32xf32, #tpu.memory_space<vmem>> -> memref<1x1024x32xf32, #tpu.memory_space<vmem>>
    %dma_wait3A_133 = tpu.memref_squeeze %dma_wait3A_132 : memref<1x1024x32xf32, #tpu.memory_space<vmem>> -> memref<1024x32xf32, #tpu.memory_space<vmem>>
    tpu.wait_dma2 semaphore(%dma_wait3A_127 : memref<!tpu.dma_semaphore, #tpu.memory_space<semaphore_mem>>) src(%dma_wait3A_133 : memref<1024x32xf32, #tpu.memory_space<vmem>>) dst(%dma_wait3A_129 : memref<1024x32xf32, #tpu.memory_space<hbm>>)
    %dma_start3A_134 = arith.constant 1 : i32
    %dma_start3A_135 = arith.constant 1 : i32
    %dma_start3A_136 = arith.constant 0 : i32
    %dma_start3A_137 = arith.constant 0 : i32
    %dma_start3A_138 = tpu.memref_slice %arg6[%dma_start3A_134, %dma_start3A_136, %dma_start3A_137] : memref<2x1024x32xf32, #tpu.memory_space<vmem>> -> memref<1x1024x32xf32, #tpu.memory_space<vmem>>
    %dma_start3A_139 = tpu.memref_squeeze %dma_start3A_138 : memref<1x1024x32xf32, #tpu.memory_space<vmem>> -> memref<1024x32xf32, #tpu.memory_space<vmem>>
    %dma_start3A_140 = arith.constant 3072 : i32
    %dma_start3A_141 = tpu.memref_slice %arg5[%dma_start3A_140] : memref<10240xi32, #tpu.memory_space<vmem>> -> memref<1024xi32, #tpu.memory_space<vmem>>
    %dma_start3A_142 = arith.constant 0 : i32
    %dma_start3A_143 = arith.constant 0 : i32
    %dma_start3A_144 = tpu.memref_slice %arg3[%dma_start3A_142, %dma_start3A_143] : memref<1000000x32xf32, #tpu.memory_space<hbm>> -> memref<1000000x32xf32, #tpu.memory_space<hbm>>
    %dma_start3A_145 = tpu.memref_slice %arg7[%dma_start3A_135] : memref<2x!tpu.dma_semaphore, #tpu.memory_space<semaphore_mem>> -> memref<1x!tpu.dma_semaphore, #tpu.memory_space<semaphore_mem>>
    %dma_start3A_146 = tpu.memref_squeeze %dma_start3A_145 : memref<1x!tpu.dma_semaphore, #tpu.memory_space<semaphore_mem>> -> memref<!tpu.dma_semaphore, #tpu.memory_space<semaphore_mem>>
    tpu.enqueue_indirect_dma source(%dma_start3A_144 : memref<1000000x32xf32, #tpu.memory_space<hbm>>) target(%dma_start3A_139 : memref<1024x32xf32, #tpu.memory_space<vmem>>) offsets(%dma_start3A_141 : memref<1024xi32, #tpu.memory_space<vmem>>) semaphore(%dma_start3A_146 : memref<!tpu.dma_semaphore, #tpu.memory_space<semaphore_mem>>)
    %dma_wait3A_147 = arith.constant 0 : i32
    %dma_wait3A_148 = arith.constant 0 : i32
    %dma_wait3A_149 = arith.constant 0 : i32
    %dma_wait3A_150 = arith.constant 0 : i32
    %dma_wait3A_151 = tpu.memref_slice %arg6[%dma_wait3A_147, %dma_wait3A_149, %dma_wait3A_150] : memref<2x1024x32xf32, #tpu.memory_space<vmem>> -> memref<1x1024x32xf32, #tpu.memory_space<vmem>>
    %dma_wait3A_152 = tpu.memref_squeeze %dma_wait3A_151 : memref<1x1024x32xf32, #tpu.memory_space<vmem>> -> memref<1024x32xf32, #tpu.memory_space<vmem>>
    %dma_wait3A_153 = arith.constant 2048 : i32
    %dma_wait3A_154 = tpu.memref_slice %arg5[%dma_wait3A_153] : memref<10240xi32, #tpu.memory_space<vmem>> -> memref<1024xi32, #tpu.memory_space<vmem>>
    %dma_wait3A_155 = arith.constant 0 : i32
    %dma_wait3A_156 = arith.constant 0 : i32
    %dma_wait3A_157 = tpu.memref_slice %arg3[%dma_wait3A_155, %dma_wait3A_156] : memref<1000000x32xf32, #tpu.memory_space<hbm>> -> memref<1000000x32xf32, #tpu.memory_space<hbm>>
    %dma_wait3A_158 = tpu.memref_slice %arg7[%dma_wait3A_148] : memref<2x!tpu.dma_semaphore, #tpu.memory_space<semaphore_mem>> -> memref<1x!tpu.dma_semaphore, #tpu.memory_space<semaphore_mem>>
    %dma_wait3A_159 = tpu.memref_squeeze %dma_wait3A_158 : memref<1x!tpu.dma_semaphore, #tpu.memory_space<semaphore_mem>> -> memref<!tpu.dma_semaphore, #tpu.memory_space<semaphore_mem>>
    tpu.wait_indirect_dma semaphore(%dma_wait3A_159 : memref<!tpu.dma_semaphore, #tpu.memory_space<semaphore_mem>>) src(%dma_wait3A_157 : memref<1000000x32xf32, #tpu.memory_space<hbm>>) dst(%dma_wait3A_152 : memref<1024x32xf32, #tpu.memory_space<vmem>>)
    %add3A_160 = arith.constant 2048 : i32
    %add3A_161 = arith.addi %mul3A_2, %add3A_160 : i32
    %dma_start3A_162 = arith.constant 0 : i32
    %dma_start3A_163 = arith.constant 0 : i32
    %dma_start3A_164 = arith.constant 0 : i32
    %dma_start3A_165 = arith.constant 0 : i32
    %dma_start3A_166 = tpu.memref_slice %arg6[%dma_start3A_162, %dma_start3A_164, %dma_start3A_165] : memref<2x1024x32xf32, #tpu.memory_space<vmem>> -> memref<1x1024x32xf32, #tpu.memory_space<vmem>>
    %dma_start3A_167 = tpu.memref_squeeze %dma_start3A_166 : memref<1x1024x32xf32, #tpu.memory_space<vmem>> -> memref<1024x32xf32, #tpu.memory_space<vmem>>
    %dma_start3A_168 = arith.constant 0 : i32
    %dma_start3A_169 = tpu.memref_slice %arg4[%add3A_161, %dma_start3A_168] : memref<327680x32xf32, #tpu.memory_space<hbm>> -> memref<1024x32xf32, #tpu.memory_space<hbm>>
    %dma_start3A_170 = tpu.memref_slice %arg8[%dma_start3A_163] : memref<2x!tpu.dma_semaphore, #tpu.memory_space<semaphore_mem>> -> memref<1x!tpu.dma_semaphore, #tpu.memory_space<semaphore_mem>>
    %dma_start3A_171 = tpu.memref_squeeze %dma_start3A_170 : memref<1x!tpu.dma_semaphore, #tpu.memory_space<semaphore_mem>> -> memref<!tpu.dma_semaphore, #tpu.memory_space<semaphore_mem>>
    %dma_start3A_172 = arith.constant 0 : i32
    %dma_start3A_173 = tpu.memref_slice %arg4[%add3A_161, %dma_start3A_172] : memref<327680x32xf32, #tpu.memory_space<hbm>> -> memref<1024x32xf32, #tpu.memory_space<hbm>>
    %dma_start3A_174 = arith.constant 0 : i32
    %dma_start3A_175 = arith.constant 0 : i32
    %dma_start3A_176 = tpu.memref_slice %arg6[%dma_start3A_162, %dma_start3A_174, %dma_start3A_175] : memref<2x1024x32xf32, #tpu.memory_space<vmem>> -> memref<1x1024x32xf32, #tpu.memory_space<vmem>>
    %dma_start3A_177 = tpu.memref_squeeze %dma_start3A_176 : memref<1x1024x32xf32, #tpu.memory_space<vmem>> -> memref<1024x32xf32, #tpu.memory_space<vmem>>
    tpu.enqueue_dma source(%dma_start3A_177 : memref<1024x32xf32, #tpu.memory_space<vmem>>) target(%dma_start3A_173 : memref<1024x32xf32, #tpu.memory_space<hbm>>) target_semaphore(%dma_start3A_171 : memref<!tpu.dma_semaphore, #tpu.memory_space<semaphore_mem>>)
    %dma_wait3A_178 = arith.constant 0 : i32
    %dma_wait3A_179 = arith.constant 0 : i32
    %dma_wait3A_180 = arith.constant 0 : i32
    %dma_wait3A_181 = arith.constant 0 : i32
    %dma_wait3A_182 = tpu.memref_slice %arg6[%dma_wait3A_178, %dma_wait3A_180, %dma_wait3A_181] : memref<2x1024x32xf32, #tpu.memory_space<vmem>> -> memref<1x1024x32xf32, #tpu.memory_space<vmem>>
    %dma_wait3A_183 = tpu.memref_squeeze %dma_wait3A_182 : memref<1x1024x32xf32, #tpu.memory_space<vmem>> -> memref<1024x32xf32, #tpu.memory_space<vmem>>
    %dma_wait3A_184 = arith.constant 0 : i32
    %dma_wait3A_185 = tpu.memref_slice %arg4[%add3A_161, %dma_wait3A_184] : memref<327680x32xf32, #tpu.memory_space<hbm>> -> memref<1024x32xf32, #tpu.memory_space<hbm>>
    %dma_wait3A_186 = tpu.memref_slice %arg8[%dma_wait3A_179] : memref<2x!tpu.dma_semaphore, #tpu.memory_space<semaphore_mem>> -> memref<1x!tpu.dma_semaphore, #tpu.memory_space<semaphore_mem>>
    %dma_wait3A_187 = tpu.memref_squeeze %dma_wait3A_186 : memref<1x!tpu.dma_semaphore, #tpu.memory_space<semaphore_mem>> -> memref<!tpu.dma_semaphore, #tpu.memory_space<semaphore_mem>>
    %dma_wait3A_188 = arith.constant 0 : i32
    %dma_wait3A_189 = tpu.memref_slice %arg4[%add3A_161, %dma_wait3A_188] : memref<327680x32xf32, #tpu.memory_space<hbm>> -> memref<1024x32xf32, #tpu.memory_space<hbm>>
    %dma_wait3A_190 = arith.constant 0 : i32
    %dma_wait3A_191 = arith.constant 0 : i32
    %dma_wait3A_192 = tpu.memref_slice %arg6[%dma_wait3A_178, %dma_wait3A_190, %dma_wait3A_191] : memref<2x1024x32xf32, #tpu.memory_space<vmem>> -> memref<1x1024x32xf32, #tpu.memory_space<vmem>>
    %dma_wait3A_193 = tpu.memref_squeeze %dma_wait3A_192 : memref<1x1024x32xf32, #tpu.memory_space<vmem>> -> memref<1024x32xf32, #tpu.memory_space<vmem>>
    tpu.wait_dma2 semaphore(%dma_wait3A_187 : memref<!tpu.dma_semaphore, #tpu.memory_space<semaphore_mem>>) src(%dma_wait3A_193 : memref<1024x32xf32, #tpu.memory_space<vmem>>) dst(%dma_wait3A_189 : memref<1024x32xf32, #tpu.memory_space<hbm>>)
    %dma_start3A_194 = arith.constant 0 : i32
    %dma_start3A_195 = arith.constant 0 : i32
    %dma_start3A_196 = arith.constant 0 : i32
    %dma_start3A_197 = arith.constant 0 : i32
    %dma_start3A_198 = tpu.memref_slice %arg6[%dma_start3A_194, %dma_start3A_196, %dma_start3A_197] : memref<2x1024x32xf32, #tpu.memory_space<vmem>> -> memref<1x1024x32xf32, #tpu.memory_space<vmem>>
    %dma_start3A_199 = tpu.memref_squeeze %dma_start3A_198 : memref<1x1024x32xf32, #tpu.memory_space<vmem>> -> memref<1024x32xf32, #tpu.memory_space<vmem>>
    %dma_start3A_200 = arith.constant 4096 : i32
    %dma_start3A_201 = tpu.memref_slice %arg5[%dma_start3A_200] : memref<10240xi32, #tpu.memory_space<vmem>> -> memref<1024xi32, #tpu.memory_space<vmem>>
    %dma_start3A_202 = arith.constant 0 : i32
    %dma_start3A_203 = arith.constant 0 : i32
    %dma_start3A_204 = tpu.memref_slice %arg3[%dma_start3A_202, %dma_start3A_203] : memref<1000000x32xf32, #tpu.memory_space<hbm>> -> memref<1000000x32xf32, #tpu.memory_space<hbm>>
    %dma_start3A_205 = tpu.memref_slice %arg7[%dma_start3A_195] : memref<2x!tpu.dma_semaphore, #tpu.memory_space<semaphore_mem>> -> memref<1x!tpu.dma_semaphore, #tpu.memory_space<semaphore_mem>>
    %dma_start3A_206 = tpu.memref_squeeze %dma_start3A_205 : memref<1x!tpu.dma_semaphore, #tpu.memory_space<semaphore_mem>> -> memref<!tpu.dma_semaphore, #tpu.memory_space<semaphore_mem>>
    tpu.enqueue_indirect_dma source(%dma_start3A_204 : memref<1000000x32xf32, #tpu.memory_space<hbm>>) target(%dma_start3A_199 : memref<1024x32xf32, #tpu.memory_space<vmem>>) offsets(%dma_start3A_201 : memref<1024xi32, #tpu.memory_space<vmem>>) semaphore(%dma_start3A_206 : memref<!tpu.dma_semaphore, #tpu.memory_space<semaphore_mem>>)
    %dma_wait3A_207 = arith.constant 1 : i32
    %dma_wait3A_208 = arith.constant 1 : i32
    %dma_wait3A_209 = arith.constant 0 : i32
    %dma_wait3A_210 = arith.constant 0 : i32
    %dma_wait3A_211 = tpu.memref_slice %arg6[%dma_wait3A_207, %dma_wait3A_209, %dma_wait3A_210] : memref<2x1024x32xf32, #tpu.memory_space<vmem>> -> memref<1x1024x32xf32, #tpu.memory_space<vmem>>
    %dma_wait3A_212 = tpu.memref_squeeze %dma_wait3A_211 : memref<1x1024x32xf32, #tpu.memory_space<vmem>> -> memref<1024x32xf32, #tpu.memory_space<vmem>>
    %dma_wait3A_213 = arith.constant 3072 : i32
    %dma_wait3A_214 = tpu.memref_slice %arg5[%dma_wait3A_213] : memref<10240xi32, #tpu.memory_space<vmem>> -> memref<1024xi32, #tpu.memory_space<vmem>>
    %dma_wait3A_215 = arith.constant 0 : i32
    %dma_wait3A_216 = arith.constant 0 : i32
    %dma_wait3A_217 = tpu.memref_slice %arg3[%dma_wait3A_215, %dma_wait3A_216] : memref<1000000x32xf32, #tpu.memory_space<hbm>> -> memref<1000000x32xf32, #tpu.memory_space<hbm>>
    %dma_wait3A_218 = tpu.memref_slice %arg7[%dma_wait3A_208] : memref<2x!tpu.dma_semaphore, #tpu.memory_space<semaphore_mem>> -> memref<1x!tpu.dma_semaphore, #tpu.memory_space<semaphore_mem>>
    %dma_wait3A_219 = tpu.memref_squeeze %dma_wait3A_218 : memref<1x!tpu.dma_semaphore, #tpu.memory_space<semaphore_mem>> -> memref<!tpu.dma_semaphore, #tpu.memory_space<semaphore_mem>>
    tpu.wait_indirect_dma semaphore(%dma_wait3A_219 : memref<!tpu.dma_semaphore, #tpu.memory_space<semaphore_mem>>) src(%dma_wait3A_217 : memref<1000000x32xf32, #tpu.memory_space<hbm>>) dst(%dma_wait3A_212 : memref<1024x32xf32, #tpu.memory_space<vmem>>)
    %add3A_220 = arith.constant 3072 : i32
    %add3A_221 = arith.addi %mul3A_2, %add3A_220 : i32
    %dma_start3A_222 = arith.constant 1 : i32
    %dma_start3A_223 = arith.constant 1 : i32
    %dma_start3A_224 = arith.constant 0 : i32
    %dma_start3A_225 = arith.constant 0 : i32
    %dma_start3A_226 = tpu.memref_slice %arg6[%dma_start3A_222, %dma_start3A_224, %dma_start3A_225] : memref<2x1024x32xf32, #tpu.memory_space<vmem>> -> memref<1x1024x32xf32, #tpu.memory_space<vmem>>
    %dma_start3A_227 = tpu.memref_squeeze %dma_start3A_226 : memref<1x1024x32xf32, #tpu.memory_space<vmem>> -> memref<1024x32xf32, #tpu.memory_space<vmem>>
    %dma_start3A_228 = arith.constant 0 : i32
    %dma_start3A_229 = tpu.memref_slice %arg4[%add3A_221, %dma_start3A_228] : memref<327680x32xf32, #tpu.memory_space<hbm>> -> memref<1024x32xf32, #tpu.memory_space<hbm>>
    %dma_start3A_230 = tpu.memref_slice %arg8[%dma_start3A_223] : memref<2x!tpu.dma_semaphore, #tpu.memory_space<semaphore_mem>> -> memref<1x!tpu.dma_semaphore, #tpu.memory_space<semaphore_mem>>
    %dma_start3A_231 = tpu.memref_squeeze %dma_start3A_230 : memref<1x!tpu.dma_semaphore, #tpu.memory_space<semaphore_mem>> -> memref<!tpu.dma_semaphore, #tpu.memory_space<semaphore_mem>>
    %dma_start3A_232 = arith.constant 0 : i32
    %dma_start3A_233 = tpu.memref_slice %arg4[%add3A_221, %dma_start3A_232] : memref<327680x32xf32, #tpu.memory_space<hbm>> -> memref<1024x32xf32, #tpu.memory_space<hbm>>
    %dma_start3A_234 = arith.constant 0 : i32
    %dma_start3A_235 = arith.constant 0 : i32
    %dma_start3A_236 = tpu.memref_slice %arg6[%dma_start3A_222, %dma_start3A_234, %dma_start3A_235] : memref<2x1024x32xf32, #tpu.memory_space<vmem>> -> memref<1x1024x32xf32, #tpu.memory_space<vmem>>
    %dma_start3A_237 = tpu.memref_squeeze %dma_start3A_236 : memref<1x1024x32xf32, #tpu.memory_space<vmem>> -> memref<1024x32xf32, #tpu.memory_space<vmem>>
    tpu.enqueue_dma source(%dma_start3A_237 : memref<1024x32xf32, #tpu.memory_space<vmem>>) target(%dma_start3A_233 : memref<1024x32xf32, #tpu.memory_space<hbm>>) target_semaphore(%dma_start3A_231 : memref<!tpu.dma_semaphore, #tpu.memory_space<semaphore_mem>>)
    %dma_wait3A_238 = arith.constant 1 : i32
    %dma_wait3A_239 = arith.constant 1 : i32
    %dma_wait3A_240 = arith.constant 0 : i32
    %dma_wait3A_241 = arith.constant 0 : i32
    %dma_wait3A_242 = tpu.memref_slice %arg6[%dma_wait3A_238, %dma_wait3A_240, %dma_wait3A_241] : memref<2x1024x32xf32, #tpu.memory_space<vmem>> -> memref<1x1024x32xf32, #tpu.memory_space<vmem>>
    %dma_wait3A_243 = tpu.memref_squeeze %dma_wait3A_242 : memref<1x1024x32xf32, #tpu.memory_space<vmem>> -> memref<1024x32xf32, #tpu.memory_space<vmem>>
    %dma_wait3A_244 = arith.constant 0 : i32
    %dma_wait3A_245 = tpu.memref_slice %arg4[%add3A_221, %dma_wait3A_244] : memref<327680x32xf32, #tpu.memory_space<hbm>> -> memref<1024x32xf32, #tpu.memory_space<hbm>>
    %dma_wait3A_246 = tpu.memref_slice %arg8[%dma_wait3A_239] : memref<2x!tpu.dma_semaphore, #tpu.memory_space<semaphore_mem>> -> memref<1x!tpu.dma_semaphore, #tpu.memory_space<semaphore_mem>>
    %dma_wait3A_247 = tpu.memref_squeeze %dma_wait3A_246 : memref<1x!tpu.dma_semaphore, #tpu.memory_space<semaphore_mem>> -> memref<!tpu.dma_semaphore, #tpu.memory_space<semaphore_mem>>
    %dma_wait3A_248 = arith.constant 0 : i32
    %dma_wait3A_249 = tpu.memref_slice %arg4[%add3A_221, %dma_wait3A_248] : memref<327680x32xf32, #tpu.memory_space<hbm>> -> memref<1024x32xf32, #tpu.memory_space<hbm>>
    %dma_wait3A_250 = arith.constant 0 : i32
    %dma_wait3A_251 = arith.constant 0 : i32
    %dma_wait3A_252 = tpu.memref_slice %arg6[%dma_wait3A_238, %dma_wait3A_250, %dma_wait3A_251] : memref<2x1024x32xf32, #tpu.memory_space<vmem>> -> memref<1x1024x32xf32, #tpu.memory_space<vmem>>
    %dma_wait3A_253 = tpu.memref_squeeze %dma_wait3A_252 : memref<1x1024x32xf32, #tpu.memory_space<vmem>> -> memref<1024x32xf32, #tpu.memory_space<vmem>>
    tpu.wait_dma2 semaphore(%dma_wait3A_247 : memref<!tpu.dma_semaphore, #tpu.memory_space<semaphore_mem>>) src(%dma_wait3A_253 : memref<1024x32xf32, #tpu.memory_space<vmem>>) dst(%dma_wait3A_249 : memref<1024x32xf32, #tpu.memory_space<hbm>>)
    %dma_start3A_254 = arith.constant 1 : i32
    %dma_start3A_255 = arith.constant 1 : i32
    %dma_start3A_256 = arith.constant 0 : i32
    %dma_start3A_257 = arith.constant 0 : i32
    %dma_start3A_258 = tpu.memref_slice %arg6[%dma_start3A_254, %dma_start3A_256, %dma_start3A_257] : memref<2x1024x32xf32, #tpu.memory_space<vmem>> -> memref<1x1024x32xf32, #tpu.memory_space<vmem>>
    %dma_start3A_259 = tpu.memref_squeeze %dma_start3A_258 : memref<1x1024x32xf32, #tpu.memory_space<vmem>> -> memref<1024x32xf32, #tpu.memory_space<vmem>>
    %dma_start3A_260 = arith.constant 5120 : i32
    %dma_start3A_261 = tpu.memref_slice %arg5[%dma_start3A_260] : memref<10240xi32, #tpu.memory_space<vmem>> -> memref<1024xi32, #tpu.memory_space<vmem>>
    %dma_start3A_262 = arith.constant 0 : i32
    %dma_start3A_263 = arith.constant 0 : i32
    %dma_start3A_264 = tpu.memref_slice %arg3[%dma_start3A_262, %dma_start3A_263] : memref<1000000x32xf32, #tpu.memory_space<hbm>> -> memref<1000000x32xf32, #tpu.memory_space<hbm>>
    %dma_start3A_265 = tpu.memref_slice %arg7[%dma_start3A_255] : memref<2x!tpu.dma_semaphore, #tpu.memory_space<semaphore_mem>> -> memref<1x!tpu.dma_semaphore, #tpu.memory_space<semaphore_mem>>
    %dma_start3A_266 = tpu.memref_squeeze %dma_start3A_265 : memref<1x!tpu.dma_semaphore, #tpu.memory_space<semaphore_mem>> -> memref<!tpu.dma_semaphore, #tpu.memory_space<semaphore_mem>>
    tpu.enqueue_indirect_dma source(%dma_start3A_264 : memref<1000000x32xf32, #tpu.memory_space<hbm>>) target(%dma_start3A_259 : memref<1024x32xf32, #tpu.memory_space<vmem>>) offsets(%dma_start3A_261 : memref<1024xi32, #tpu.memory_space<vmem>>) semaphore(%dma_start3A_266 : memref<!tpu.dma_semaphore, #tpu.memory_space<semaphore_mem>>)
    %dma_wait3A_267 = arith.constant 0 : i32
    %dma_wait3A_268 = arith.constant 0 : i32
    %dma_wait3A_269 = arith.constant 0 : i32
    %dma_wait3A_270 = arith.constant 0 : i32
    %dma_wait3A_271 = tpu.memref_slice %arg6[%dma_wait3A_267, %dma_wait3A_269, %dma_wait3A_270] : memref<2x1024x32xf32, #tpu.memory_space<vmem>> -> memref<1x1024x32xf32, #tpu.memory_space<vmem>>
    %dma_wait3A_272 = tpu.memref_squeeze %dma_wait3A_271 : memref<1x1024x32xf32, #tpu.memory_space<vmem>> -> memref<1024x32xf32, #tpu.memory_space<vmem>>
    %dma_wait3A_273 = arith.constant 4096 : i32
    %dma_wait3A_274 = tpu.memref_slice %arg5[%dma_wait3A_273] : memref<10240xi32, #tpu.memory_space<vmem>> -> memref<1024xi32, #tpu.memory_space<vmem>>
    %dma_wait3A_275 = arith.constant 0 : i32
    %dma_wait3A_276 = arith.constant 0 : i32
    %dma_wait3A_277 = tpu.memref_slice %arg3[%dma_wait3A_275, %dma_wait3A_276] : memref<1000000x32xf32, #tpu.memory_space<hbm>> -> memref<1000000x32xf32, #tpu.memory_space<hbm>>
    %dma_wait3A_278 = tpu.memref_slice %arg7[%dma_wait3A_268] : memref<2x!tpu.dma_semaphore, #tpu.memory_space<semaphore_mem>> -> memref<1x!tpu.dma_semaphore, #tpu.memory_space<semaphore_mem>>
    %dma_wait3A_279 = tpu.memref_squeeze %dma_wait3A_278 : memref<1x!tpu.dma_semaphore, #tpu.memory_space<semaphore_mem>> -> memref<!tpu.dma_semaphore, #tpu.memory_space<semaphore_mem>>
    tpu.wait_indirect_dma semaphore(%dma_wait3A_279 : memref<!tpu.dma_semaphore, #tpu.memory_space<semaphore_mem>>) src(%dma_wait3A_277 : memref<1000000x32xf32, #tpu.memory_space<hbm>>) dst(%dma_wait3A_272 : memref<1024x32xf32, #tpu.memory_space<vmem>>)
    %add3A_280 = arith.constant 4096 : i32
    %add3A_281 = arith.addi %mul3A_2, %add3A_280 : i32
    %dma_start3A_282 = arith.constant 0 : i32
    %dma_start3A_283 = arith.constant 0 : i32
    %dma_start3A_284 = arith.constant 0 : i32
    %dma_start3A_285 = arith.constant 0 : i32
    %dma_start3A_286 = tpu.memref_slice %arg6[%dma_start3A_282, %dma_start3A_284, %dma_start3A_285] : memref<2x1024x32xf32, #tpu.memory_space<vmem>> -> memref<1x1024x32xf32, #tpu.memory_space<vmem>>
    %dma_start3A_287 = tpu.memref_squeeze %dma_start3A_286 : memref<1x1024x32xf32, #tpu.memory_space<vmem>> -> memref<1024x32xf32, #tpu.memory_space<vmem>>
    %dma_start3A_288 = arith.constant 0 : i32
    %dma_start3A_289 = tpu.memref_slice %arg4[%add3A_281, %dma_start3A_288] : memref<327680x32xf32, #tpu.memory_space<hbm>> -> memref<1024x32xf32, #tpu.memory_space<hbm>>
    %dma_start3A_290 = tpu.memref_slice %arg8[%dma_start3A_283] : memref<2x!tpu.dma_semaphore, #tpu.memory_space<semaphore_mem>> -> memref<1x!tpu.dma_semaphore, #tpu.memory_space<semaphore_mem>>
    %dma_start3A_291 = tpu.memref_squeeze %dma_start3A_290 : memref<1x!tpu.dma_semaphore, #tpu.memory_space<semaphore_mem>> -> memref<!tpu.dma_semaphore, #tpu.memory_space<semaphore_mem>>
    %dma_start3A_292 = arith.constant 0 : i32
    %dma_start3A_293 = tpu.memref_slice %arg4[%add3A_281, %dma_start3A_292] : memref<327680x32xf32, #tpu.memory_space<hbm>> -> memref<1024x32xf32, #tpu.memory_space<hbm>>
    %dma_start3A_294 = arith.constant 0 : i32
    %dma_start3A_295 = arith.constant 0 : i32
    %dma_start3A_296 = tpu.memref_slice %arg6[%dma_start3A_282, %dma_start3A_294, %dma_start3A_295] : memref<2x1024x32xf32, #tpu.memory_space<vmem>> -> memref<1x1024x32xf32, #tpu.memory_space<vmem>>
    %dma_start3A_297 = tpu.memref_squeeze %dma_start3A_296 : memref<1x1024x32xf32, #tpu.memory_space<vmem>> -> memref<1024x32xf32, #tpu.memory_space<vmem>>
    tpu.enqueue_dma source(%dma_start3A_297 : memref<1024x32xf32, #tpu.memory_space<vmem>>) target(%dma_start3A_293 : memref<1024x32xf32, #tpu.memory_space<hbm>>) target_semaphore(%dma_start3A_291 : memref<!tpu.dma_semaphore, #tpu.memory_space<semaphore_mem>>)
    %dma_wait3A_298 = arith.constant 0 : i32
    %dma_wait3A_299 = arith.constant 0 : i32
    %dma_wait3A_300 = arith.constant 0 : i32
    %dma_wait3A_301 = arith.constant 0 : i32
    %dma_wait3A_302 = tpu.memref_slice %arg6[%dma_wait3A_298, %dma_wait3A_300, %dma_wait3A_301] : memref<2x1024x32xf32, #tpu.memory_space<vmem>> -> memref<1x1024x32xf32, #tpu.memory_space<vmem>>
    %dma_wait3A_303 = tpu.memref_squeeze %dma_wait3A_302 : memref<1x1024x32xf32, #tpu.memory_space<vmem>> -> memref<1024x32xf32, #tpu.memory_space<vmem>>
    %dma_wait3A_304 = arith.constant 0 : i32
    %dma_wait3A_305 = tpu.memref_slice %arg4[%add3A_281, %dma_wait3A_304] : memref<327680x32xf32, #tpu.memory_space<hbm>> -> memref<1024x32xf32, #tpu.memory_space<hbm>>
    %dma_wait3A_306 = tpu.memref_slice %arg8[%dma_wait3A_299] : memref<2x!tpu.dma_semaphore, #tpu.memory_space<semaphore_mem>> -> memref<1x!tpu.dma_semaphore, #tpu.memory_space<semaphore_mem>>
    %dma_wait3A_307 = tpu.memref_squeeze %dma_wait3A_306 : memref<1x!tpu.dma_semaphore, #tpu.memory_space<semaphore_mem>> -> memref<!tpu.dma_semaphore, #tpu.memory_space<semaphore_mem>>
    %dma_wait3A_308 = arith.constant 0 : i32
    %dma_wait3A_309 = tpu.memref_slice %arg4[%add3A_281, %dma_wait3A_308] : memref<327680x32xf32, #tpu.memory_space<hbm>> -> memref<1024x32xf32, #tpu.memory_space<hbm>>
    %dma_wait3A_310 = arith.constant 0 : i32
    %dma_wait3A_311 = arith.constant 0 : i32
    %dma_wait3A_312 = tpu.memref_slice %arg6[%dma_wait3A_298, %dma_wait3A_310, %dma_wait3A_311] : memref<2x1024x32xf32, #tpu.memory_space<vmem>> -> memref<1x1024x32xf32, #tpu.memory_space<vmem>>
    %dma_wait3A_313 = tpu.memref_squeeze %dma_wait3A_312 : memref<1x1024x32xf32, #tpu.memory_space<vmem>> -> memref<1024x32xf32, #tpu.memory_space<vmem>>
    tpu.wait_dma2 semaphore(%dma_wait3A_307 : memref<!tpu.dma_semaphore, #tpu.memory_space<semaphore_mem>>) src(%dma_wait3A_313 : memref<1024x32xf32, #tpu.memory_space<vmem>>) dst(%dma_wait3A_309 : memref<1024x32xf32, #tpu.memory_space<hbm>>)
    %dma_start3A_314 = arith.constant 0 : i32
    %dma_start3A_315 = arith.constant 0 : i32
    %dma_start3A_316 = arith.constant 0 : i32
    %dma_start3A_317 = arith.constant 0 : i32
    %dma_start3A_318 = tpu.memref_slice %arg6[%dma_start3A_314, %dma_start3A_316, %dma_start3A_317] : memref<2x1024x32xf32, #tpu.memory_space<vmem>> -> memref<1x1024x32xf32, #tpu.memory_space<vmem>>
    %dma_start3A_319 = tpu.memref_squeeze %dma_start3A_318 : memref<1x1024x32xf32, #tpu.memory_space<vmem>> -> memref<1024x32xf32, #tpu.memory_space<vmem>>
    %dma_start3A_320 = arith.constant 6144 : i32
    %dma_start3A_321 = tpu.memref_slice %arg5[%dma_start3A_320] : memref<10240xi32, #tpu.memory_space<vmem>> -> memref<1024xi32, #tpu.memory_space<vmem>>
    %dma_start3A_322 = arith.constant 0 : i32
    %dma_start3A_323 = arith.constant 0 : i32
    %dma_start3A_324 = tpu.memref_slice %arg3[%dma_start3A_322, %dma_start3A_323] : memref<1000000x32xf32, #tpu.memory_space<hbm>> -> memref<1000000x32xf32, #tpu.memory_space<hbm>>
    %dma_start3A_325 = tpu.memref_slice %arg7[%dma_start3A_315] : memref<2x!tpu.dma_semaphore, #tpu.memory_space<semaphore_mem>> -> memref<1x!tpu.dma_semaphore, #tpu.memory_space<semaphore_mem>>
    %dma_start3A_326 = tpu.memref_squeeze %dma_start3A_325 : memref<1x!tpu.dma_semaphore, #tpu.memory_space<semaphore_mem>> -> memref<!tpu.dma_semaphore, #tpu.memory_space<semaphore_mem>>
    tpu.enqueue_indirect_dma source(%dma_start3A_324 : memref<1000000x32xf32, #tpu.memory_space<hbm>>) target(%dma_start3A_319 : memref<1024x32xf32, #tpu.memory_space<vmem>>) offsets(%dma_start3A_321 : memref<1024xi32, #tpu.memory_space<vmem>>) semaphore(%dma_start3A_326 : memref<!tpu.dma_semaphore, #tpu.memory_space<semaphore_mem>>)
    %dma_wait3A_327 = arith.constant 1 : i32
    %dma_wait3A_328 = arith.constant 1 : i32
    %dma_wait3A_329 = arith.constant 0 : i32
    %dma_wait3A_330 = arith.constant 0 : i32
    %dma_wait3A_331 = tpu.memref_slice %arg6[%dma_wait3A_327, %dma_wait3A_329, %dma_wait3A_330] : memref<2x1024x32xf32, #tpu.memory_space<vmem>> -> memref<1x1024x32xf32, #tpu.memory_space<vmem>>
    %dma_wait3A_332 = tpu.memref_squeeze %dma_wait3A_331 : memref<1x1024x32xf32, #tpu.memory_space<vmem>> -> memref<1024x32xf32, #tpu.memory_space<vmem>>
    %dma_wait3A_333 = arith.constant 5120 : i32
    %dma_wait3A_334 = tpu.memref_slice %arg5[%dma_wait3A_333] : memref<10240xi32, #tpu.memory_space<vmem>> -> memref<1024xi32, #tpu.memory_space<vmem>>
    %dma_wait3A_335 = arith.constant 0 : i32
    %dma_wait3A_336 = arith.constant 0 : i32
    %dma_wait3A_337 = tpu.memref_slice %arg3[%dma_wait3A_335, %dma_wait3A_336] : memref<1000000x32xf32, #tpu.memory_space<hbm>> -> memref<1000000x32xf32, #tpu.memory_space<hbm>>
    %dma_wait3A_338 = tpu.memref_slice %arg7[%dma_wait3A_328] : memref<2x!tpu.dma_semaphore, #tpu.memory_space<semaphore_mem>> -> memref<1x!tpu.dma_semaphore, #tpu.memory_space<semaphore_mem>>
    %dma_wait3A_339 = tpu.memref_squeeze %dma_wait3A_338 : memref<1x!tpu.dma_semaphore, #tpu.memory_space<semaphore_mem>> -> memref<!tpu.dma_semaphore, #tpu.memory_space<semaphore_mem>>
    tpu.wait_indirect_dma semaphore(%dma_wait3A_339 : memref<!tpu.dma_semaphore, #tpu.memory_space<semaphore_mem>>) src(%dma_wait3A_337 : memref<1000000x32xf32, #tpu.memory_space<hbm>>) dst(%dma_wait3A_332 : memref<1024x32xf32, #tpu.memory_space<vmem>>)
    %add3A_340 = arith.constant 5120 : i32
    %add3A_341 = arith.addi %mul3A_2, %add3A_340 : i32
    %dma_start3A_342 = arith.constant 1 : i32
    %dma_start3A_343 = arith.constant 1 : i32
    %dma_start3A_344 = arith.constant 0 : i32
    %dma_start3A_345 = arith.constant 0 : i32
    %dma_start3A_346 = tpu.memref_slice %arg6[%dma_start3A_342, %dma_start3A_344, %dma_start3A_345] : memref<2x1024x32xf32, #tpu.memory_space<vmem>> -> memref<1x1024x32xf32, #tpu.memory_space<vmem>>
    %dma_start3A_347 = tpu.memref_squeeze %dma_start3A_346 : memref<1x1024x32xf32, #tpu.memory_space<vmem>> -> memref<1024x32xf32, #tpu.memory_space<vmem>>
    %dma_start3A_348 = arith.constant 0 : i32
    %dma_start3A_349 = tpu.memref_slice %arg4[%add3A_341, %dma_start3A_348] : memref<327680x32xf32, #tpu.memory_space<hbm>> -> memref<1024x32xf32, #tpu.memory_space<hbm>>
    %dma_start3A_350 = tpu.memref_slice %arg8[%dma_start3A_343] : memref<2x!tpu.dma_semaphore, #tpu.memory_space<semaphore_mem>> -> memref<1x!tpu.dma_semaphore, #tpu.memory_space<semaphore_mem>>
    %dma_start3A_351 = tpu.memref_squeeze %dma_start3A_350 : memref<1x!tpu.dma_semaphore, #tpu.memory_space<semaphore_mem>> -> memref<!tpu.dma_semaphore, #tpu.memory_space<semaphore_mem>>
    %dma_start3A_352 = arith.constant 0 : i32
    %dma_start3A_353 = tpu.memref_slice %arg4[%add3A_341, %dma_start3A_352] : memref<327680x32xf32, #tpu.memory_space<hbm>> -> memref<1024x32xf32, #tpu.memory_space<hbm>>
    %dma_start3A_354 = arith.constant 0 : i32
    %dma_start3A_355 = arith.constant 0 : i32
    %dma_start3A_356 = tpu.memref_slice %arg6[%dma_start3A_342, %dma_start3A_354, %dma_start3A_355] : memref<2x1024x32xf32, #tpu.memory_space<vmem>> -> memref<1x1024x32xf32, #tpu.memory_space<vmem>>
    %dma_start3A_357 = tpu.memref_squeeze %dma_start3A_356 : memref<1x1024x32xf32, #tpu.memory_space<vmem>> -> memref<1024x32xf32, #tpu.memory_space<vmem>>
    tpu.enqueue_dma source(%dma_start3A_357 : memref<1024x32xf32, #tpu.memory_space<vmem>>) target(%dma_start3A_353 : memref<1024x32xf32, #tpu.memory_space<hbm>>) target_semaphore(%dma_start3A_351 : memref<!tpu.dma_semaphore, #tpu.memory_space<semaphore_mem>>)
    %dma_wait3A_358 = arith.constant 1 : i32
    %dma_wait3A_359 = arith.constant 1 : i32
    %dma_wait3A_360 = arith.constant 0 : i32
    %dma_wait3A_361 = arith.constant 0 : i32
    %dma_wait3A_362 = tpu.memref_slice %arg6[%dma_wait3A_358, %dma_wait3A_360, %dma_wait3A_361] : memref<2x1024x32xf32, #tpu.memory_space<vmem>> -> memref<1x1024x32xf32, #tpu.memory_space<vmem>>
    %dma_wait3A_363 = tpu.memref_squeeze %dma_wait3A_362 : memref<1x1024x32xf32, #tpu.memory_space<vmem>> -> memref<1024x32xf32, #tpu.memory_space<vmem>>
    %dma_wait3A_364 = arith.constant 0 : i32
    %dma_wait3A_365 = tpu.memref_slice %arg4[%add3A_341, %dma_wait3A_364] : memref<327680x32xf32, #tpu.memory_space<hbm>> -> memref<1024x32xf32, #tpu.memory_space<hbm>>
    %dma_wait3A_366 = tpu.memref_slice %arg8[%dma_wait3A_359] : memref<2x!tpu.dma_semaphore, #tpu.memory_space<semaphore_mem>> -> memref<1x!tpu.dma_semaphore, #tpu.memory_space<semaphore_mem>>
    %dma_wait3A_367 = tpu.memref_squeeze %dma_wait3A_366 : memref<1x!tpu.dma_semaphore, #tpu.memory_space<semaphore_mem>> -> memref<!tpu.dma_semaphore, #tpu.memory_space<semaphore_mem>>
    %dma_wait3A_368 = arith.constant 0 : i32
    %dma_wait3A_369 = tpu.memref_slice %arg4[%add3A_341, %dma_wait3A_368] : memref<327680x32xf32, #tpu.memory_space<hbm>> -> memref<1024x32xf32, #tpu.memory_space<hbm>>
    %dma_wait3A_370 = arith.constant 0 : i32
    %dma_wait3A_371 = arith.constant 0 : i32
    %dma_wait3A_372 = tpu.memref_slice %arg6[%dma_wait3A_358, %dma_wait3A_370, %dma_wait3A_371] : memref<2x1024x32xf32, #tpu.memory_space<vmem>> -> memref<1x1024x32xf32, #tpu.memory_space<vmem>>
    %dma_wait3A_373 = tpu.memref_squeeze %dma_wait3A_372 : memref<1x1024x32xf32, #tpu.memory_space<vmem>> -> memref<1024x32xf32, #tpu.memory_space<vmem>>
    tpu.wait_dma2 semaphore(%dma_wait3A_367 : memref<!tpu.dma_semaphore, #tpu.memory_space<semaphore_mem>>) src(%dma_wait3A_373 : memref<1024x32xf32, #tpu.memory_space<vmem>>) dst(%dma_wait3A_369 : memref<1024x32xf32, #tpu.memory_space<hbm>>)
    %dma_start3A_374 = arith.constant 1 : i32
    %dma_start3A_375 = arith.constant 1 : i32
    %dma_start3A_376 = arith.constant 0 : i32
    %dma_start3A_377 = arith.constant 0 : i32
    %dma_start3A_378 = tpu.memref_slice %arg6[%dma_start3A_374, %dma_start3A_376, %dma_start3A_377] : memref<2x1024x32xf32, #tpu.memory_space<vmem>> -> memref<1x1024x32xf32, #tpu.memory_space<vmem>>
    %dma_start3A_379 = tpu.memref_squeeze %dma_start3A_378 : memref<1x1024x32xf32, #tpu.memory_space<vmem>> -> memref<1024x32xf32, #tpu.memory_space<vmem>>
    %dma_start3A_380 = arith.constant 7168 : i32
    %dma_start3A_381 = tpu.memref_slice %arg5[%dma_start3A_380] : memref<10240xi32, #tpu.memory_space<vmem>> -> memref<1024xi32, #tpu.memory_space<vmem>>
    %dma_start3A_382 = arith.constant 0 : i32
    %dma_start3A_383 = arith.constant 0 : i32
    %dma_start3A_384 = tpu.memref_slice %arg3[%dma_start3A_382, %dma_start3A_383] : memref<1000000x32xf32, #tpu.memory_space<hbm>> -> memref<1000000x32xf32, #tpu.memory_space<hbm>>
    %dma_start3A_385 = tpu.memref_slice %arg7[%dma_start3A_375] : memref<2x!tpu.dma_semaphore, #tpu.memory_space<semaphore_mem>> -> memref<1x!tpu.dma_semaphore, #tpu.memory_space<semaphore_mem>>
    %dma_start3A_386 = tpu.memref_squeeze %dma_start3A_385 : memref<1x!tpu.dma_semaphore, #tpu.memory_space<semaphore_mem>> -> memref<!tpu.dma_semaphore, #tpu.memory_space<semaphore_mem>>
    tpu.enqueue_indirect_dma source(%dma_start3A_384 : memref<1000000x32xf32, #tpu.memory_space<hbm>>) target(%dma_start3A_379 : memref<1024x32xf32, #tpu.memory_space<vmem>>) offsets(%dma_start3A_381 : memref<1024xi32, #tpu.memory_space<vmem>>) semaphore(%dma_start3A_386 : memref<!tpu.dma_semaphore, #tpu.memory_space<semaphore_mem>>)
    %dma_wait3A_387 = arith.constant 0 : i32
    %dma_wait3A_388 = arith.constant 0 : i32
    %dma_wait3A_389 = arith.constant 0 : i32
    %dma_wait3A_390 = arith.constant 0 : i32
    %dma_wait3A_391 = tpu.memref_slice %arg6[%dma_wait3A_387, %dma_wait3A_389, %dma_wait3A_390] : memref<2x1024x32xf32, #tpu.memory_space<vmem>> -> memref<1x1024x32xf32, #tpu.memory_space<vmem>>
    %dma_wait3A_392 = tpu.memref_squeeze %dma_wait3A_391 : memref<1x1024x32xf32, #tpu.memory_space<vmem>> -> memref<1024x32xf32, #tpu.memory_space<vmem>>
    %dma_wait3A_393 = arith.constant 6144 : i32
    %dma_wait3A_394 = tpu.memref_slice %arg5[%dma_wait3A_393] : memref<10240xi32, #tpu.memory_space<vmem>> -> memref<1024xi32, #tpu.memory_space<vmem>>
    %dma_wait3A_395 = arith.constant 0 : i32
    %dma_wait3A_396 = arith.constant 0 : i32
    %dma_wait3A_397 = tpu.memref_slice %arg3[%dma_wait3A_395, %dma_wait3A_396] : memref<1000000x32xf32, #tpu.memory_space<hbm>> -> memref<1000000x32xf32, #tpu.memory_space<hbm>>
    %dma_wait3A_398 = tpu.memref_slice %arg7[%dma_wait3A_388] : memref<2x!tpu.dma_semaphore, #tpu.memory_space<semaphore_mem>> -> memref<1x!tpu.dma_semaphore, #tpu.memory_space<semaphore_mem>>
    %dma_wait3A_399 = tpu.memref_squeeze %dma_wait3A_398 : memref<1x!tpu.dma_semaphore, #tpu.memory_space<semaphore_mem>> -> memref<!tpu.dma_semaphore, #tpu.memory_space<semaphore_mem>>
    tpu.wait_indirect_dma semaphore(%dma_wait3A_399 : memref<!tpu.dma_semaphore, #tpu.memory_space<semaphore_mem>>) src(%dma_wait3A_397 : memref<1000000x32xf32, #tpu.memory_space<hbm>>) dst(%dma_wait3A_392 : memref<1024x32xf32, #tpu.memory_space<vmem>>)
    %add3A_400 = arith.constant 6144 : i32
    %add3A_401 = arith.addi %mul3A_2, %add3A_400 : i32
    %dma_start3A_402 = arith.constant 0 : i32
    %dma_start3A_403 = arith.constant 0 : i32
    %dma_start3A_404 = arith.constant 0 : i32
    %dma_start3A_405 = arith.constant 0 : i32
    %dma_start3A_406 = tpu.memref_slice %arg6[%dma_start3A_402, %dma_start3A_404, %dma_start3A_405] : memref<2x1024x32xf32, #tpu.memory_space<vmem>> -> memref<1x1024x32xf32, #tpu.memory_space<vmem>>
    %dma_start3A_407 = tpu.memref_squeeze %dma_start3A_406 : memref<1x1024x32xf32, #tpu.memory_space<vmem>> -> memref<1024x32xf32, #tpu.memory_space<vmem>>
    %dma_start3A_408 = arith.constant 0 : i32
    %dma_start3A_409 = tpu.memref_slice %arg4[%add3A_401, %dma_start3A_408] : memref<327680x32xf32, #tpu.memory_space<hbm>> -> memref<1024x32xf32, #tpu.memory_space<hbm>>
    %dma_start3A_410 = tpu.memref_slice %arg8[%dma_start3A_403] : memref<2x!tpu.dma_semaphore, #tpu.memory_space<semaphore_mem>> -> memref<1x!tpu.dma_semaphore, #tpu.memory_space<semaphore_mem>>
    %dma_start3A_411 = tpu.memref_squeeze %dma_start3A_410 : memref<1x!tpu.dma_semaphore, #tpu.memory_space<semaphore_mem>> -> memref<!tpu.dma_semaphore, #tpu.memory_space<semaphore_mem>>
    %dma_start3A_412 = arith.constant 0 : i32
    %dma_start3A_413 = tpu.memref_slice %arg4[%add3A_401, %dma_start3A_412] : memref<327680x32xf32, #tpu.memory_space<hbm>> -> memref<1024x32xf32, #tpu.memory_space<hbm>>
    %dma_start3A_414 = arith.constant 0 : i32
    %dma_start3A_415 = arith.constant 0 : i32
    %dma_start3A_416 = tpu.memref_slice %arg6[%dma_start3A_402, %dma_start3A_414, %dma_start3A_415] : memref<2x1024x32xf32, #tpu.memory_space<vmem>> -> memref<1x1024x32xf32, #tpu.memory_space<vmem>>
    %dma_start3A_417 = tpu.memref_squeeze %dma_start3A_416 : memref<1x1024x32xf32, #tpu.memory_space<vmem>> -> memref<1024x32xf32, #tpu.memory_space<vmem>>
    tpu.enqueue_dma source(%dma_start3A_417 : memref<1024x32xf32, #tpu.memory_space<vmem>>) target(%dma_start3A_413 : memref<1024x32xf32, #tpu.memory_space<hbm>>) target_semaphore(%dma_start3A_411 : memref<!tpu.dma_semaphore, #tpu.memory_space<semaphore_mem>>)
    %dma_wait3A_418 = arith.constant 0 : i32
    %dma_wait3A_419 = arith.constant 0 : i32
    %dma_wait3A_420 = arith.constant 0 : i32
    %dma_wait3A_421 = arith.constant 0 : i32
    %dma_wait3A_422 = tpu.memref_slice %arg6[%dma_wait3A_418, %dma_wait3A_420, %dma_wait3A_421] : memref<2x1024x32xf32, #tpu.memory_space<vmem>> -> memref<1x1024x32xf32, #tpu.memory_space<vmem>>
    %dma_wait3A_423 = tpu.memref_squeeze %dma_wait3A_422 : memref<1x1024x32xf32, #tpu.memory_space<vmem>> -> memref<1024x32xf32, #tpu.memory_space<vmem>>
    %dma_wait3A_424 = arith.constant 0 : i32
    %dma_wait3A_425 = tpu.memref_slice %arg4[%add3A_401, %dma_wait3A_424] : memref<327680x32xf32, #tpu.memory_space<hbm>> -> memref<1024x32xf32, #tpu.memory_space<hbm>>
    %dma_wait3A_426 = tpu.memref_slice %arg8[%dma_wait3A_419] : memref<2x!tpu.dma_semaphore, #tpu.memory_space<semaphore_mem>> -> memref<1x!tpu.dma_semaphore, #tpu.memory_space<semaphore_mem>>
    %dma_wait3A_427 = tpu.memref_squeeze %dma_wait3A_426 : memref<1x!tpu.dma_semaphore, #tpu.memory_space<semaphore_mem>> -> memref<!tpu.dma_semaphore, #tpu.memory_space<semaphore_mem>>
    %dma_wait3A_428 = arith.constant 0 : i32
    %dma_wait3A_429 = tpu.memref_slice %arg4[%add3A_401, %dma_wait3A_428] : memref<327680x32xf32, #tpu.memory_space<hbm>> -> memref<1024x32xf32, #tpu.memory_space<hbm>>
    %dma_wait3A_430 = arith.constant 0 : i32
    %dma_wait3A_431 = arith.constant 0 : i32
    %dma_wait3A_432 = tpu.memref_slice %arg6[%dma_wait3A_418, %dma_wait3A_430, %dma_wait3A_431] : memref<2x1024x32xf32, #tpu.memory_space<vmem>> -> memref<1x1024x32xf32, #tpu.memory_space<vmem>>
    %dma_wait3A_433 = tpu.memref_squeeze %dma_wait3A_432 : memref<1x1024x32xf32, #tpu.memory_space<vmem>> -> memref<1024x32xf32, #tpu.memory_space<vmem>>
    tpu.wait_dma2 semaphore(%dma_wait3A_427 : memref<!tpu.dma_semaphore, #tpu.memory_space<semaphore_mem>>) src(%dma_wait3A_433 : memref<1024x32xf32, #tpu.memory_space<vmem>>) dst(%dma_wait3A_429 : memref<1024x32xf32, #tpu.memory_space<hbm>>)
    %dma_start3A_434 = arith.constant 0 : i32
    %dma_start3A_435 = arith.constant 0 : i32
    %dma_start3A_436 = arith.constant 0 : i32
    %dma_start3A_437 = arith.constant 0 : i32
    %dma_start3A_438 = tpu.memref_slice %arg6[%dma_start3A_434, %dma_start3A_436, %dma_start3A_437] : memref<2x1024x32xf32, #tpu.memory_space<vmem>> -> memref<1x1024x32xf32, #tpu.memory_space<vmem>>
    %dma_start3A_439 = tpu.memref_squeeze %dma_start3A_438 : memref<1x1024x32xf32, #tpu.memory_space<vmem>> -> memref<1024x32xf32, #tpu.memory_space<vmem>>
    %dma_start3A_440 = arith.constant 8192 : i32
    %dma_start3A_441 = tpu.memref_slice %arg5[%dma_start3A_440] : memref<10240xi32, #tpu.memory_space<vmem>> -> memref<1024xi32, #tpu.memory_space<vmem>>
    %dma_start3A_442 = arith.constant 0 : i32
    %dma_start3A_443 = arith.constant 0 : i32
    %dma_start3A_444 = tpu.memref_slice %arg3[%dma_start3A_442, %dma_start3A_443] : memref<1000000x32xf32, #tpu.memory_space<hbm>> -> memref<1000000x32xf32, #tpu.memory_space<hbm>>
    %dma_start3A_445 = tpu.memref_slice %arg7[%dma_start3A_435] : memref<2x!tpu.dma_semaphore, #tpu.memory_space<semaphore_mem>> -> memref<1x!tpu.dma_semaphore, #tpu.memory_space<semaphore_mem>>
    %dma_start3A_446 = tpu.memref_squeeze %dma_start3A_445 : memref<1x!tpu.dma_semaphore, #tpu.memory_space<semaphore_mem>> -> memref<!tpu.dma_semaphore, #tpu.memory_space<semaphore_mem>>
    tpu.enqueue_indirect_dma source(%dma_start3A_444 : memref<1000000x32xf32, #tpu.memory_space<hbm>>) target(%dma_start3A_439 : memref<1024x32xf32, #tpu.memory_space<vmem>>) offsets(%dma_start3A_441 : memref<1024xi32, #tpu.memory_space<vmem>>) semaphore(%dma_start3A_446 : memref<!tpu.dma_semaphore, #tpu.memory_space<semaphore_mem>>)
    %dma_wait3A_447 = arith.constant 1 : i32
    %dma_wait3A_448 = arith.constant 1 : i32
    %dma_wait3A_449 = arith.constant 0 : i32
    %dma_wait3A_450 = arith.constant 0 : i32
    %dma_wait3A_451 = tpu.memref_slice %arg6[%dma_wait3A_447, %dma_wait3A_449, %dma_wait3A_450] : memref<2x1024x32xf32, #tpu.memory_space<vmem>> -> memref<1x1024x32xf32, #tpu.memory_space<vmem>>
    %dma_wait3A_452 = tpu.memref_squeeze %dma_wait3A_451 : memref<1x1024x32xf32, #tpu.memory_space<vmem>> -> memref<1024x32xf32, #tpu.memory_space<vmem>>
    %dma_wait3A_453 = arith.constant 7168 : i32
    %dma_wait3A_454 = tpu.memref_slice %arg5[%dma_wait3A_453] : memref<10240xi32, #tpu.memory_space<vmem>> -> memref<1024xi32, #tpu.memory_space<vmem>>
    %dma_wait3A_455 = arith.constant 0 : i32
    %dma_wait3A_456 = arith.constant 0 : i32
    %dma_wait3A_457 = tpu.memref_slice %arg3[%dma_wait3A_455, %dma_wait3A_456] : memref<1000000x32xf32, #tpu.memory_space<hbm>> -> memref<1000000x32xf32, #tpu.memory_space<hbm>>
    %dma_wait3A_458 = tpu.memref_slice %arg7[%dma_wait3A_448] : memref<2x!tpu.dma_semaphore, #tpu.memory_space<semaphore_mem>> -> memref<1x!tpu.dma_semaphore, #tpu.memory_space<semaphore_mem>>
    %dma_wait3A_459 = tpu.memref_squeeze %dma_wait3A_458 : memref<1x!tpu.dma_semaphore, #tpu.memory_space<semaphore_mem>> -> memref<!tpu.dma_semaphore, #tpu.memory_space<semaphore_mem>>
    tpu.wait_indirect_dma semaphore(%dma_wait3A_459 : memref<!tpu.dma_semaphore, #tpu.memory_space<semaphore_mem>>) src(%dma_wait3A_457 : memref<1000000x32xf32, #tpu.memory_space<hbm>>) dst(%dma_wait3A_452 : memref<1024x32xf32, #tpu.memory_space<vmem>>)
    %add3A_460 = arith.constant 7168 : i32
    %add3A_461 = arith.addi %mul3A_2, %add3A_460 : i32
    %dma_start3A_462 = arith.constant 1 : i32
    %dma_start3A_463 = arith.constant 1 : i32
    %dma_start3A_464 = arith.constant 0 : i32
    %dma_start3A_465 = arith.constant 0 : i32
    %dma_start3A_466 = tpu.memref_slice %arg6[%dma_start3A_462, %dma_start3A_464, %dma_start3A_465] : memref<2x1024x32xf32, #tpu.memory_space<vmem>> -> memref<1x1024x32xf32, #tpu.memory_space<vmem>>
    %dma_start3A_467 = tpu.memref_squeeze %dma_start3A_466 : memref<1x1024x32xf32, #tpu.memory_space<vmem>> -> memref<1024x32xf32, #tpu.memory_space<vmem>>
    %dma_start3A_468 = arith.constant 0 : i32
    %dma_start3A_469 = tpu.memref_slice %arg4[%add3A_461, %dma_start3A_468] : memref<327680x32xf32, #tpu.memory_space<hbm>> -> memref<1024x32xf32, #tpu.memory_space<hbm>>
    %dma_start3A_470 = tpu.memref_slice %arg8[%dma_start3A_463] : memref<2x!tpu.dma_semaphore, #tpu.memory_space<semaphore_mem>> -> memref<1x!tpu.dma_semaphore, #tpu.memory_space<semaphore_mem>>
    %dma_start3A_471 = tpu.memref_squeeze %dma_start3A_470 : memref<1x!tpu.dma_semaphore, #tpu.memory_space<semaphore_mem>> -> memref<!tpu.dma_semaphore, #tpu.memory_space<semaphore_mem>>
    %dma_start3A_472 = arith.constant 0 : i32
    %dma_start3A_473 = tpu.memref_slice %arg4[%add3A_461, %dma_start3A_472] : memref<327680x32xf32, #tpu.memory_space<hbm>> -> memref<1024x32xf32, #tpu.memory_space<hbm>>
    %dma_start3A_474 = arith.constant 0 : i32
    %dma_start3A_475 = arith.constant 0 : i32
    %dma_start3A_476 = tpu.memref_slice %arg6[%dma_start3A_462, %dma_start3A_474, %dma_start3A_475] : memref<2x1024x32xf32, #tpu.memory_space<vmem>> -> memref<1x1024x32xf32, #tpu.memory_space<vmem>>
    %dma_start3A_477 = tpu.memref_squeeze %dma_start3A_476 : memref<1x1024x32xf32, #tpu.memory_space<vmem>> -> memref<1024x32xf32, #tpu.memory_space<vmem>>
    tpu.enqueue_dma source(%dma_start3A_477 : memref<1024x32xf32, #tpu.memory_space<vmem>>) target(%dma_start3A_473 : memref<1024x32xf32, #tpu.memory_space<hbm>>) target_semaphore(%dma_start3A_471 : memref<!tpu.dma_semaphore, #tpu.memory_space<semaphore_mem>>)
    %dma_wait3A_478 = arith.constant 1 : i32
    %dma_wait3A_479 = arith.constant 1 : i32
    %dma_wait3A_480 = arith.constant 0 : i32
    %dma_wait3A_481 = arith.constant 0 : i32
    %dma_wait3A_482 = tpu.memref_slice %arg6[%dma_wait3A_478, %dma_wait3A_480, %dma_wait3A_481] : memref<2x1024x32xf32, #tpu.memory_space<vmem>> -> memref<1x1024x32xf32, #tpu.memory_space<vmem>>
    %dma_wait3A_483 = tpu.memref_squeeze %dma_wait3A_482 : memref<1x1024x32xf32, #tpu.memory_space<vmem>> -> memref<1024x32xf32, #tpu.memory_space<vmem>>
    %dma_wait3A_484 = arith.constant 0 : i32
    %dma_wait3A_485 = tpu.memref_slice %arg4[%add3A_461, %dma_wait3A_484] : memref<327680x32xf32, #tpu.memory_space<hbm>> -> memref<1024x32xf32, #tpu.memory_space<hbm>>
    %dma_wait3A_486 = tpu.memref_slice %arg8[%dma_wait3A_479] : memref<2x!tpu.dma_semaphore, #tpu.memory_space<semaphore_mem>> -> memref<1x!tpu.dma_semaphore, #tpu.memory_space<semaphore_mem>>
    %dma_wait3A_487 = tpu.memref_squeeze %dma_wait3A_486 : memref<1x!tpu.dma_semaphore, #tpu.memory_space<semaphore_mem>> -> memref<!tpu.dma_semaphore, #tpu.memory_space<semaphore_mem>>
    %dma_wait3A_488 = arith.constant 0 : i32
    %dma_wait3A_489 = tpu.memref_slice %arg4[%add3A_461, %dma_wait3A_488] : memref<327680x32xf32, #tpu.memory_space<hbm>> -> memref<1024x32xf32, #tpu.memory_space<hbm>>
    %dma_wait3A_490 = arith.constant 0 : i32
    %dma_wait3A_491 = arith.constant 0 : i32
    %dma_wait3A_492 = tpu.memref_slice %arg6[%dma_wait3A_478, %dma_wait3A_490, %dma_wait3A_491] : memref<2x1024x32xf32, #tpu.memory_space<vmem>> -> memref<1x1024x32xf32, #tpu.memory_space<vmem>>
    %dma_wait3A_493 = tpu.memref_squeeze %dma_wait3A_492 : memref<1x1024x32xf32, #tpu.memory_space<vmem>> -> memref<1024x32xf32, #tpu.memory_space<vmem>>
    tpu.wait_dma2 semaphore(%dma_wait3A_487 : memref<!tpu.dma_semaphore, #tpu.memory_space<semaphore_mem>>) src(%dma_wait3A_493 : memref<1024x32xf32, #tpu.memory_space<vmem>>) dst(%dma_wait3A_489 : memref<1024x32xf32, #tpu.memory_space<hbm>>)
    %dma_start3A_494 = arith.constant 1 : i32
    %dma_start3A_495 = arith.constant 1 : i32
    %dma_start3A_496 = arith.constant 0 : i32
    %dma_start3A_497 = arith.constant 0 : i32
    %dma_start3A_498 = tpu.memref_slice %arg6[%dma_start3A_494, %dma_start3A_496, %dma_start3A_497] : memref<2x1024x32xf32, #tpu.memory_space<vmem>> -> memref<1x1024x32xf32, #tpu.memory_space<vmem>>
    %dma_start3A_499 = tpu.memref_squeeze %dma_start3A_498 : memref<1x1024x32xf32, #tpu.memory_space<vmem>> -> memref<1024x32xf32, #tpu.memory_space<vmem>>
    %dma_start3A_500 = arith.constant 9216 : i32
    %dma_start3A_501 = tpu.memref_slice %arg5[%dma_start3A_500] : memref<10240xi32, #tpu.memory_space<vmem>> -> memref<1024xi32, #tpu.memory_space<vmem>>
    %dma_start3A_502 = arith.constant 0 : i32
    %dma_start3A_503 = arith.constant 0 : i32
    %dma_start3A_504 = tpu.memref_slice %arg3[%dma_start3A_502, %dma_start3A_503] : memref<1000000x32xf32, #tpu.memory_space<hbm>> -> memref<1000000x32xf32, #tpu.memory_space<hbm>>
    %dma_start3A_505 = tpu.memref_slice %arg7[%dma_start3A_495] : memref<2x!tpu.dma_semaphore, #tpu.memory_space<semaphore_mem>> -> memref<1x!tpu.dma_semaphore, #tpu.memory_space<semaphore_mem>>
    %dma_start3A_506 = tpu.memref_squeeze %dma_start3A_505 : memref<1x!tpu.dma_semaphore, #tpu.memory_space<semaphore_mem>> -> memref<!tpu.dma_semaphore, #tpu.memory_space<semaphore_mem>>
    tpu.enqueue_indirect_dma source(%dma_start3A_504 : memref<1000000x32xf32, #tpu.memory_space<hbm>>) target(%dma_start3A_499 : memref<1024x32xf32, #tpu.memory_space<vmem>>) offsets(%dma_start3A_501 : memref<1024xi32, #tpu.memory_space<vmem>>) semaphore(%dma_start3A_506 : memref<!tpu.dma_semaphore, #tpu.memory_space<semaphore_mem>>)
    %dma_wait3A_507 = arith.constant 0 : i32
    %dma_wait3A_508 = arith.constant 0 : i32
    %dma_wait3A_509 = arith.constant 0 : i32
    %dma_wait3A_510 = arith.constant 0 : i32
    %dma_wait3A_511 = tpu.memref_slice %arg6[%dma_wait3A_507, %dma_wait3A_509, %dma_wait3A_510] : memref<2x1024x32xf32, #tpu.memory_space<vmem>> -> memref<1x1024x32xf32, #tpu.memory_space<vmem>>
    %dma_wait3A_512 = tpu.memref_squeeze %dma_wait3A_511 : memref<1x1024x32xf32, #tpu.memory_space<vmem>> -> memref<1024x32xf32, #tpu.memory_space<vmem>>
    %dma_wait3A_513 = arith.constant 8192 : i32
    %dma_wait3A_514 = tpu.memref_slice %arg5[%dma_wait3A_513] : memref<10240xi32, #tpu.memory_space<vmem>> -> memref<1024xi32, #tpu.memory_space<vmem>>
    %dma_wait3A_515 = arith.constant 0 : i32
    %dma_wait3A_516 = arith.constant 0 : i32
    %dma_wait3A_517 = tpu.memref_slice %arg3[%dma_wait3A_515, %dma_wait3A_516] : memref<1000000x32xf32, #tpu.memory_space<hbm>> -> memref<1000000x32xf32, #tpu.memory_space<hbm>>
    %dma_wait3A_518 = tpu.memref_slice %arg7[%dma_wait3A_508] : memref<2x!tpu.dma_semaphore, #tpu.memory_space<semaphore_mem>> -> memref<1x!tpu.dma_semaphore, #tpu.memory_space<semaphore_mem>>
    %dma_wait3A_519 = tpu.memref_squeeze %dma_wait3A_518 : memref<1x!tpu.dma_semaphore, #tpu.memory_space<semaphore_mem>> -> memref<!tpu.dma_semaphore, #tpu.memory_space<semaphore_mem>>
    tpu.wait_indirect_dma semaphore(%dma_wait3A_519 : memref<!tpu.dma_semaphore, #tpu.memory_space<semaphore_mem>>) src(%dma_wait3A_517 : memref<1000000x32xf32, #tpu.memory_space<hbm>>) dst(%dma_wait3A_512 : memref<1024x32xf32, #tpu.memory_space<vmem>>)
    %add3A_520 = arith.constant 8192 : i32
    %add3A_521 = arith.addi %mul3A_2, %add3A_520 : i32
    %dma_start3A_522 = arith.constant 0 : i32
    %dma_start3A_523 = arith.constant 0 : i32
    %dma_start3A_524 = arith.constant 0 : i32
    %dma_start3A_525 = arith.constant 0 : i32
    %dma_start3A_526 = tpu.memref_slice %arg6[%dma_start3A_522, %dma_start3A_524, %dma_start3A_525] : memref<2x1024x32xf32, #tpu.memory_space<vmem>> -> memref<1x1024x32xf32, #tpu.memory_space<vmem>>
    %dma_start3A_527 = tpu.memref_squeeze %dma_start3A_526 : memref<1x1024x32xf32, #tpu.memory_space<vmem>> -> memref<1024x32xf32, #tpu.memory_space<vmem>>
    %dma_start3A_528 = arith.constant 0 : i32
    %dma_start3A_529 = tpu.memref_slice %arg4[%add3A_521, %dma_start3A_528] : memref<327680x32xf32, #tpu.memory_space<hbm>> -> memref<1024x32xf32, #tpu.memory_space<hbm>>
    %dma_start3A_530 = tpu.memref_slice %arg8[%dma_start3A_523] : memref<2x!tpu.dma_semaphore, #tpu.memory_space<semaphore_mem>> -> memref<1x!tpu.dma_semaphore, #tpu.memory_space<semaphore_mem>>
    %dma_start3A_531 = tpu.memref_squeeze %dma_start3A_530 : memref<1x!tpu.dma_semaphore, #tpu.memory_space<semaphore_mem>> -> memref<!tpu.dma_semaphore, #tpu.memory_space<semaphore_mem>>
    %dma_start3A_532 = arith.constant 0 : i32
    %dma_start3A_533 = tpu.memref_slice %arg4[%add3A_521, %dma_start3A_532] : memref<327680x32xf32, #tpu.memory_space<hbm>> -> memref<1024x32xf32, #tpu.memory_space<hbm>>
    %dma_start3A_534 = arith.constant 0 : i32
    %dma_start3A_535 = arith.constant 0 : i32
    %dma_start3A_536 = tpu.memref_slice %arg6[%dma_start3A_522, %dma_start3A_534, %dma_start3A_535] : memref<2x1024x32xf32, #tpu.memory_space<vmem>> -> memref<1x1024x32xf32, #tpu.memory_space<vmem>>
    %dma_start3A_537 = tpu.memref_squeeze %dma_start3A_536 : memref<1x1024x32xf32, #tpu.memory_space<vmem>> -> memref<1024x32xf32, #tpu.memory_space<vmem>>
    tpu.enqueue_dma source(%dma_start3A_537 : memref<1024x32xf32, #tpu.memory_space<vmem>>) target(%dma_start3A_533 : memref<1024x32xf32, #tpu.memory_space<hbm>>) target_semaphore(%dma_start3A_531 : memref<!tpu.dma_semaphore, #tpu.memory_space<semaphore_mem>>)
    %dma_wait3A_538 = arith.constant 1 : i32
    %dma_wait3A_539 = arith.constant 1 : i32
    %dma_wait3A_540 = arith.constant 0 : i32
    %dma_wait3A_541 = arith.constant 0 : i32
    %dma_wait3A_542 = tpu.memref_slice %arg6[%dma_wait3A_538, %dma_wait3A_540, %dma_wait3A_541] : memref<2x1024x32xf32, #tpu.memory_space<vmem>> -> memref<1x1024x32xf32, #tpu.memory_space<vmem>>
    %dma_wait3A_543 = tpu.memref_squeeze %dma_wait3A_542 : memref<1x1024x32xf32, #tpu.memory_space<vmem>> -> memref<1024x32xf32, #tpu.memory_space<vmem>>
    %dma_wait3A_544 = arith.constant 9216 : i32
    %dma_wait3A_545 = tpu.memref_slice %arg5[%dma_wait3A_544] : memref<10240xi32, #tpu.memory_space<vmem>> -> memref<1024xi32, #tpu.memory_space<vmem>>
    %dma_wait3A_546 = arith.constant 0 : i32
    %dma_wait3A_547 = arith.constant 0 : i32
    %dma_wait3A_548 = tpu.memref_slice %arg3[%dma_wait3A_546, %dma_wait3A_547] : memref<1000000x32xf32, #tpu.memory_space<hbm>> -> memref<1000000x32xf32, #tpu.memory_space<hbm>>
    %dma_wait3A_549 = tpu.memref_slice %arg7[%dma_wait3A_539] : memref<2x!tpu.dma_semaphore, #tpu.memory_space<semaphore_mem>> -> memref<1x!tpu.dma_semaphore, #tpu.memory_space<semaphore_mem>>
    %dma_wait3A_550 = tpu.memref_squeeze %dma_wait3A_549 : memref<1x!tpu.dma_semaphore, #tpu.memory_space<semaphore_mem>> -> memref<!tpu.dma_semaphore, #tpu.memory_space<semaphore_mem>>
    tpu.wait_indirect_dma semaphore(%dma_wait3A_550 : memref<!tpu.dma_semaphore, #tpu.memory_space<semaphore_mem>>) src(%dma_wait3A_548 : memref<1000000x32xf32, #tpu.memory_space<hbm>>) dst(%dma_wait3A_543 : memref<1024x32xf32, #tpu.memory_space<vmem>>)
    %add3A_551 = arith.constant 9216 : i32
    %add3A_552 = arith.addi %mul3A_2, %add3A_551 : i32
    %dma_start3A_553 = arith.constant 1 : i32
    %dma_start3A_554 = arith.constant 1 : i32
    %dma_start3A_555 = arith.constant 0 : i32
    %dma_start3A_556 = arith.constant 0 : i32
    %dma_start3A_557 = tpu.memref_slice %arg6[%dma_start3A_553, %dma_start3A_555, %dma_start3A_556] : memref<2x1024x32xf32, #tpu.memory_space<vmem>> -> memref<1x1024x32xf32, #tpu.memory_space<vmem>>
    %dma_start3A_558 = tpu.memref_squeeze %dma_start3A_557 : memref<1x1024x32xf32, #tpu.memory_space<vmem>> -> memref<1024x32xf32, #tpu.memory_space<vmem>>
    %dma_start3A_559 = arith.constant 0 : i32
    %dma_start3A_560 = tpu.memref_slice %arg4[%add3A_552, %dma_start3A_559] : memref<327680x32xf32, #tpu.memory_space<hbm>> -> memref<1024x32xf32, #tpu.memory_space<hbm>>
    %dma_start3A_561 = tpu.memref_slice %arg8[%dma_start3A_554] : memref<2x!tpu.dma_semaphore, #tpu.memory_space<semaphore_mem>> -> memref<1x!tpu.dma_semaphore, #tpu.memory_space<semaphore_mem>>
    %dma_start3A_562 = tpu.memref_squeeze %dma_start3A_561 : memref<1x!tpu.dma_semaphore, #tpu.memory_space<semaphore_mem>> -> memref<!tpu.dma_semaphore, #tpu.memory_space<semaphore_mem>>
    %dma_start3A_563 = arith.constant 0 : i32
    %dma_start3A_564 = tpu.memref_slice %arg4[%add3A_552, %dma_start3A_563] : memref<327680x32xf32, #tpu.memory_space<hbm>> -> memref<1024x32xf32, #tpu.memory_space<hbm>>
    %dma_start3A_565 = arith.constant 0 : i32
    %dma_start3A_566 = arith.constant 0 : i32
    %dma_start3A_567 = tpu.memref_slice %arg6[%dma_start3A_553, %dma_start3A_565, %dma_start3A_566] : memref<2x1024x32xf32, #tpu.memory_space<vmem>> -> memref<1x1024x32xf32, #tpu.memory_space<vmem>>
    %dma_start3A_568 = tpu.memref_squeeze %dma_start3A_567 : memref<1x1024x32xf32, #tpu.memory_space<vmem>> -> memref<1024x32xf32, #tpu.memory_space<vmem>>
    tpu.enqueue_dma source(%dma_start3A_568 : memref<1024x32xf32, #tpu.memory_space<vmem>>) target(%dma_start3A_564 : memref<1024x32xf32, #tpu.memory_space<hbm>>) target_semaphore(%dma_start3A_562 : memref<!tpu.dma_semaphore, #tpu.memory_space<semaphore_mem>>)
    %dma_wait3A_569 = arith.constant 0 : i32
    %dma_wait3A_570 = arith.constant 0 : i32
    %dma_wait3A_571 = arith.constant 0 : i32
    %dma_wait3A_572 = arith.constant 0 : i32
    %dma_wait3A_573 = tpu.memref_slice %arg6[%dma_wait3A_569, %dma_wait3A_571, %dma_wait3A_572] : memref<2x1024x32xf32, #tpu.memory_space<vmem>> -> memref<1x1024x32xf32, #tpu.memory_space<vmem>>
    %dma_wait3A_574 = tpu.memref_squeeze %dma_wait3A_573 : memref<1x1024x32xf32, #tpu.memory_space<vmem>> -> memref<1024x32xf32, #tpu.memory_space<vmem>>
    %dma_wait3A_575 = arith.constant 0 : i32
    %dma_wait3A_576 = tpu.memref_slice %arg4[%add3A_521, %dma_wait3A_575] : memref<327680x32xf32, #tpu.memory_space<hbm>> -> memref<1024x32xf32, #tpu.memory_space<hbm>>
    %dma_wait3A_577 = tpu.memref_slice %arg8[%dma_wait3A_570] : memref<2x!tpu.dma_semaphore, #tpu.memory_space<semaphore_mem>> -> memref<1x!tpu.dma_semaphore, #tpu.memory_space<semaphore_mem>>
    %dma_wait3A_578 = tpu.memref_squeeze %dma_wait3A_577 : memref<1x!tpu.dma_semaphore, #tpu.memory_space<semaphore_mem>> -> memref<!tpu.dma_semaphore, #tpu.memory_space<semaphore_mem>>
    %dma_wait3A_579 = arith.constant 0 : i32
    %dma_wait3A_580 = tpu.memref_slice %arg4[%add3A_521, %dma_wait3A_579] : memref<327680x32xf32, #tpu.memory_space<hbm>> -> memref<1024x32xf32, #tpu.memory_space<hbm>>
    %dma_wait3A_581 = arith.constant 0 : i32
    %dma_wait3A_582 = arith.constant 0 : i32
    %dma_wait3A_583 = tpu.memref_slice %arg6[%dma_wait3A_569, %dma_wait3A_581, %dma_wait3A_582] : memref<2x1024x32xf32, #tpu.memory_space<vmem>> -> memref<1x1024x32xf32, #tpu.memory_space<vmem>>
    %dma_wait3A_584 = tpu.memref_squeeze %dma_wait3A_583 : memref<1x1024x32xf32, #tpu.memory_space<vmem>> -> memref<1024x32xf32, #tpu.memory_space<vmem>>
    tpu.wait_dma2 semaphore(%dma_wait3A_578 : memref<!tpu.dma_semaphore, #tpu.memory_space<semaphore_mem>>) src(%dma_wait3A_584 : memref<1024x32xf32, #tpu.memory_space<vmem>>) dst(%dma_wait3A_580 : memref<1024x32xf32, #tpu.memory_space<hbm>>)
    %dma_wait3A_585 = arith.constant 1 : i32
    %dma_wait3A_586 = arith.constant 1 : i32
    %dma_wait3A_587 = arith.constant 0 : i32
    %dma_wait3A_588 = arith.constant 0 : i32
    %dma_wait3A_589 = tpu.memref_slice %arg6[%dma_wait3A_585, %dma_wait3A_587, %dma_wait3A_588] : memref<2x1024x32xf32, #tpu.memory_space<vmem>> -> memref<1x1024x32xf32, #tpu.memory_space<vmem>>
    %dma_wait3A_590 = tpu.memref_squeeze %dma_wait3A_589 : memref<1x1024x32xf32, #tpu.memory_space<vmem>> -> memref<1024x32xf32, #tpu.memory_space<vmem>>
    %dma_wait3A_591 = arith.constant 0 : i32
    %dma_wait3A_592 = tpu.memref_slice %arg4[%add3A_552, %dma_wait3A_591] : memref<327680x32xf32, #tpu.memory_space<hbm>> -> memref<1024x32xf32, #tpu.memory_space<hbm>>
    %dma_wait3A_593 = tpu.memref_slice %arg8[%dma_wait3A_586] : memref<2x!tpu.dma_semaphore, #tpu.memory_space<semaphore_mem>> -> memref<1x!tpu.dma_semaphore, #tpu.memory_space<semaphore_mem>>
    %dma_wait3A_594 = tpu.memref_squeeze %dma_wait3A_593 : memref<1x!tpu.dma_semaphore, #tpu.memory_space<semaphore_mem>> -> memref<!tpu.dma_semaphore, #tpu.memory_space<semaphore_mem>>
    %dma_wait3A_595 = arith.constant 0 : i32
    %dma_wait3A_596 = tpu.memref_slice %arg4[%add3A_552, %dma_wait3A_595] : memref<327680x32xf32, #tpu.memory_space<hbm>> -> memref<1024x32xf32, #tpu.memory_space<hbm>>
    %dma_wait3A_597 = arith.constant 0 : i32
    %dma_wait3A_598 = arith.constant 0 : i32
    %dma_wait3A_599 = tpu.memref_slice %arg6[%dma_wait3A_585, %dma_wait3A_597, %dma_wait3A_598] : memref<2x1024x32xf32, #tpu.memory_space<vmem>> -> memref<1x1024x32xf32, #tpu.memory_space<vmem>>
    %dma_wait3A_600 = tpu.memref_squeeze %dma_wait3A_599 : memref<1x1024x32xf32, #tpu.memory_space<vmem>> -> memref<1024x32xf32, #tpu.memory_space<vmem>>
    tpu.wait_dma2 semaphore(%dma_wait3A_594 : memref<!tpu.dma_semaphore, #tpu.memory_space<semaphore_mem>>) src(%dma_wait3A_600 : memref<1024x32xf32, #tpu.memory_space<vmem>>) dst(%dma_wait3A_596 : memref<1024x32xf32, #tpu.memory_space<hbm>>)
    return
  }
}

</mosaic_0001>

<sc_bundles>
// kernel: kernel.4.cloned.1.call-start
scs
__scs_entry_jumppad:
0x0: {  	(pc) =	sbr.rel $0x88, $3  }
0x1: {  	(tag) =	ssettag $0x0;
	lr =	simm.s32 $0x1  }
0x2: {  	[smem:$0x3F9F] =	sst lr;
	_ =	strace $0xD0000000  }
0x3: {  	_ = 	snop  }
0x4: {  	_ = 	snop  }
0x5: {  	_ = 	snop  }
0x6: {  	_ = 	snop  }
0x7: {  	_ = 	snop  }
__scs_overlays_trampoline_lowered:
0x8: {  	[smem:$0x3FAE] =	sst s0  }
0x9: {  	[smem:$0x3FAF] =	sst s1  }
0xa: {  	[smem:$0x3FB0] =	sst s2  }
0xb: {  	[smem:$0x3FB1] =	sst s3  }
0xc: {  	[smem:$0x3FB2] =	sst s4  }
0xd: {  	[smem:$0x3FB3] =	sst s5  }
0xe: {  	[smem:$0x3FB4] =	sst s6  }
0xf: {  	[smem:$0x3FB5] =	sst s7  }
0x10: {  	[smem:$0x3FB6] =	sst s8  }
0x11: {  	[smem:$0x3FB7] =	sst s9;
	s0 =	simm.s32 @!p0 $0x0  }
0x12: {  	s1 =	sld [smem:$0x3F9D];
	s0 =	simm.s32 @p0 $0x1  }
0x13: {  	[smem:$0x3FB8] =	sst s0;
	s0 =	simm.s32 @!p1 $0x0  }
0x14: {  	s2 =	sld [smem:$0x3F9C];
	s0 =	simm.s32 @p1 $0x1  }
0x15: {  	[smem:$0x3FB9] =	sst s0;
	s0 =	simm.s32 @!p2 $0x0  }
0x16: {  	s3 =	sld [smem:$0x3FDB];
	s0 =	simm.s32 @p2 $0x1  }
0x17: {  	s4 =	simm.s32 $0x1BF5;
	[smem:$0x3FBB] =	sst s0  }
0x18: {  	s0 =	sld [smem:$0x3F9E];
	_ =	swait.ge [sflag:s4], $0x0  }
0x19: {  	s7 =	sld [smem:$0x3F9F]  }
0x1a: {  	s8 =	sadd.s32 $0xFFFFE003, lr  }
0x1b: {  	s9 =	sadd.s32 $0xFFFFFEF7, lr;
	s5 =	simm.s32 $0xFFFFFFFF;
	p2 =	slt.u32 s8, $0xFFFFF086  }
0x1c: {  	p1 =	slt.u32 s9, $0xF7A;
	s5 =	simm.s32 @!p2 $0x0  }
0x1d: {  	s5 =	simm.s32 @p1 $0x1;
	p0 =	seq.s32 s7, s2  }
0x1e: {  	s7 =	smul.u32 @!p0 $0xF7A, s2;
	p2 =	seq.s32 @!p0 s5, $0x0  }
0x1f: {  	s9 =	smul.u32 $0xF7A, s1;
	s8 =	simm.s32 @!p0 $0x1BF5;
	p2 =	por !p2, p0  }
0x20: {  	[sflag:s8] =	ssyncset.s32 @!p0 $0xFFFFF086;
	s6 =	sadd.s32 @!p0 s3, s7;
	s7 =	simm.s32 @!p0 $0x108  }
0x21: {  	s3 =	sadd.s32 s3, s9;
	s6 =	sadd.s32 @!p0 $0x88, s6;
	s7 =	simm.s32 @p2 $0x1082  }
0x22: {  	[simem:s7], [sflag:s8] =	dma.local @!p0 [hbm:s6], $0xF7A  }
0x23: {  	s9 =	sor.u32 $0xD0000000, s2;
	s6 =	simm.s32 $0x108;
	_ =	swait.ge @!p0 [sflag:s8], $0x0  }
0x24: {  	s3 =	sadd.s32 $0x88, s3;
	s6 =	simm.s32 @!p1 $0x1082;
	[sflag:s4] =	ssyncset.s32 $0xFFFFF086  }
0x25: {  	[simem:s6], [sflag:s4] =	dma.local [hbm:s3], $0xF7A  }
0x26: {  	[smem:$0x3F9F] =	sst s1;
	(tag) =	ssettag s2;
	_ =	strace s9  }
0x27: {  	s1 =	sld [smem:$0x3FAF]  }
0x28: {  	s2 =	sld [smem:$0x3FB0]  }
0x29: {  	s4 =	sld [smem:$0x3FB2]  }
0x2a: {  	p0 =	seq.s32 s5, $0x0;
	s5 =	sld [smem:$0x3FB3]  }
0x2b: {  	s6 =	sld [smem:$0x3FB4]  }
0x2c: {  	s7 =	sld [smem:$0x3FB5]  }
0x2d: {  	s3 =	simm.s32 $0x108;
	s8 =	sld [smem:$0x3FB6]  }
0x2e: {  	s3 =	simm.s32 @!p0 $0x1082;
	s9 =	sld [smem:$0x3FB7]  }
0x2f: {  	lr =	sadd.s32 s0, s3;
	s0 =	sld [smem:$0x3FAE]  }
0x30: {  	s3 =	sld [smem:$0x3FB1]  }
0x31: {  	[smem:$0x3FBA] =	sst s10  }
0x32: {  	s10 =	sld [smem:$0x3FB8];
	_ =	sdelay $0x3  }
0x33: {  	p0 =	seq.s32 s10, $0x1;
	s10 =	sld [smem:$0x3FBA];
	_ =	sdelay $0x3  }
0x34: {  	[smem:$0x3FBA] =	sst s10  }
0x35: {  	s10 =	sld [smem:$0x3FB9];
	_ =	sdelay $0x3  }
0x36: {  	p1 =	seq.s32 s10, $0x1;
	s10 =	sld [smem:$0x3FBA];
	_ =	sdelay $0x3  }
0x37: {  	[smem:$0x3FBA] =	sst s10  }
0x38: {  	s10 =	sld [smem:$0x3FBB]  }
0x39: {  	_ = 	snop;
	(pc) =	sbr.ind lr, $3  }
0x3a: {  	_ = 	snop  }
0x3b: {  	_ = 	snop  }
0x3c: {  	p2 =	seq.s32 s10, $0x1;
	s10 =	sld [smem:$0x3FBA]  }
0x3d: {  	_ =	shalt  }
0x3e: {  	_ =	shalt  }
0x3f: {  	_ =	shalt  }
0x40: {  	_ =	shalt  }
0x41: {  	_ =	shalt  }
0x42: {  	_ =	shalt  }
0x43: {  	_ =	shalt  }
0x44: {  	_ =	shalt  }
0x45: {  	_ =	shalt  }
0x46: {  	_ =	shalt  }
0x47: {  	_ =	shalt  }
0x48: {  	_ =	shalt  }
0x49: {  	_ =	shalt  }
0x4a: {  	_ =	shalt  }
0x4b: {  	_ =	shalt  }
0x4c: {  	_ =	shalt  }
0x4d: {  	_ =	shalt  }
0x4e: {  	_ =	shalt  }
0x4f: {  	_ =	shalt  }
0x50: {  	_ =	shalt  }
0x51: {  	_ =	shalt  }
0x52: {  	_ =	shalt  }
0x53: {  	_ =	shalt  }
0x54: {  	_ =	shalt  }
0x55: {  	_ =	shalt  }
0x56: {  	_ =	shalt  }
0x57: {  	_ =	shalt  }
0x58: {  	_ =	shalt  }
0x59: {  	_ =	shalt  }
0x5a: {  	_ =	shalt  }
0x5b: {  	_ =	shalt  }
0x5c: {  	_ =	shalt  }
0x5d: {  	_ =	shalt  }
0x5e: {  	_ =	shalt  }
0x5f: {  	_ =	shalt  }
0x60: {  	_ =	shalt  }
0x61: {  	_ =	shalt  }
0x62: {  	_ =	shalt  }
0x63: {  	_ =	shalt  }
0x64: {  	_ =	shalt  }
0x65: {  	_ =	shalt  }
0x66: {  	_ =	shalt  }
0x67: {  	_ =	shalt  }
0x68: {  	_ =	shalt  }
0x69: {  	_ =	shalt  }
0x6a: {  	_ =	shalt  }
0x6b: {  	_ =	shalt  }
0x6c: {  	_ =	shalt  }
0x6d: {  	_ =	shalt  }
0x6e: {  	_ =	shalt  }
0x6f: {  	_ =	shalt  }
0x70: {  	_ =	shalt  }
0x71: {  	_ =	shalt  }
0x72: {  	_ =	shalt  }
0x73: {  	_ =	shalt  }
0x74: {  	_ =	shalt  }
0x75: {  	_ =	shalt  }
0x76: {  	_ =	shalt  }
0x77: {  	_ =	shalt  }
0x78: {  	_ =	shalt  }
0x79: {  	_ =	shalt  }
0x7a: {  	_ =	shalt  }
0x7b: {  	_ =	shalt  }
0x7c: {  	_ =	shalt  }
0x7d: {  	_ =	shalt  }
0x7e: {  	_ =	shalt  }
0x7f: {  	_ =	shalt  }
0x80: {  	_ =	shalt  }
0x81: {  	_ =	shalt  }
0x82: {  	_ =	shalt  }
0x83: {  	_ =	shalt  }
0x84: {  	_ =	shalt  }
0x85: {  	_ =	shalt  }
0x86: {  	_ =	shalt  }
0x87: {  	_ =	shalt  }
.Lfunc_end0:
.L_simem_size_0:
called_computation.1_lowered:
.L_overlay_start_0:
0x88: {  	s2 =	sld [smem:$0x3FD9]  }
0x89: {  	s3 =	sld [smem:$0x3FFE];
	_ =	sdelay $0x1  }
0x8a: {  	s1 =	srdreg.scid  }
0x8b: {  	s0 =	sand.u32 $0x1, s1  }
0x8c: {  	s17 =	sshll.u32 s0, $0xA;
	s2 =	sadd.s32 s3, s2  }
0x8d: {  	s2 =	sadd.s32 s2, s17  }
0x8e: {  	[smem:$0x3FC6] =	sst s2  }
0x8f: {  	_ = 	snop  }
0x90: {  	s2 =	sld [smem:$0x3FC8]  }
0x91: {  	s18 =	sld [smem:$0x3FD0];
	(tm) =	ssettm $0x1  }
0x92: {  	s4 =	sld [smem:$0x3FFB];
	_ =	sdelay $0x3  }
0x93: {  	_ =	strace s4  }
0x94: {  	s4 =	sld [smem:$0x3FFC];
	_ =	sdelay $0x3  }
0x95: {  	_ =	strace s4  }
0x96: {  	s4 =	sld [smem:$0x3FFD];
	_ =	sdelay $0x3  }
0x97: {  	_ =	strace s4  }
0x98: {  	_ =	strace $0x8FFFFFFF  }
0x99: {  	s19 =	sld [smem:$0x3FDB];
	_ =	sdelay $0x1  }
0x9a: {  	s5 =	simm.s32 $_scs_section_size  }
0x9b: {  	s6 =	simm.s32 $_size__tile_overlayer_lowered;
	s7 =	simm.s32 $_tile_overlayer_lowered  }
0x9c: {  	s22 =	simm.s32 $0x1BFF;
	s21 =	sshll.u32 s7, $0x1;
	s4 =	sadd.s32 s5, s19  }
0x9d: {  	s8 =	simm.s32 $0x0;
	s20 =	sshll.u32 s6, $0x1;
	s6 =	sadd.s32 s21, s4  }
0x9e: {  	[timem:s8], [sflag:s22] =	dma.local [hbm:s6], s20  }
0x9f: {  	_ =	swait.ge [sflag:s22], s20  }
0xa0: {  	s5 =	ssub.s32 $0x0, s20;
	[sflag:s22] =	ssyncset.done $0x0  }
0xa1: {  	[sflag:s22] =	ssyncadd.s32 s5;
	_ =	sdelay $0x1  }
0xa2: {  	s23 =	simm.s32 $0x1B8B  }
0xa3: {  	_ =	swait.ge [sflag:s23], $0x1  }
0xa4: {  	[sflag:s23] =	ssyncset.done $0x0  }
0xa5: {  	s25 =	simm.s32 $0x1B8E;
	s24 =	sld [smem:$0x3FFE];
	[sflag:s23] =	ssyncadd.s32 $0xFFFFFFFF  }
0xa6: {  	s26 =	simm.s32 $execute0_lowered;
	[smem:$0x3FD2] =	sst s25  }
0xa7: {  	s6 =	sshll.u32 s26, $0x1;
	_ =	strace $0x80000046;
	[dreg:$0x1] =	wrdreg $0xFFFFFFFF  }
0xa8: {  	s28 =	simm.s32 $_size_execute0_lowered;
	s4 =	sadd.s32 s4, s6;
	[dreg:$0x0] =	wrdreg $0x0  }
0xa9: {  	s6 =	sshll.u32 s28, $0x1;
	[dreg:$0x2] =	wrdreg s4  }
0xaa: {  	[dreg:$0x3] =	wrdreg s6  }
0xab: {  	[dreg:$0x4] =	wrdreg $0xC0  }
0xac: {  	_ =	task [dreg:s8], $0x5FFFF  }
0xad: {  	[dreg:$0x1] =	wrdreg $0xFFFFFFFF  }
0xae: {  	[dreg:$0x0] =	wrdreg $0x60  }
0xaf: {  	[dreg:$0x2] =	wrdreg s2  }
0xb0: {  	[dreg:$0x3] =	wrdreg s18  }
0xb1: {  	[dreg:$0x4] =	wrdreg s24  }
0xb2: {  	[dreg:$0x5] =	wrdreg $0x9  }
0xb3: {  	_ =	task.clear_ibuf [dreg:s8], $0x6FFFF;
	_ =	strace $0x90000046  }
0xb4: {  	s29 =	simm.s32 $0x9;
	_ =	strace $0x80000048  }
0xb5: {  	_ =	swait.ge [sflag:s29], $0x1  }
0xb6: {  	[sflag:s29] =	ssyncadd.s32 $0xFFFFFFFF  }
0xb7: {  	_ =	strace $0x90000048  }
0xb8: {  	_ =	sfence  }
0xb9: {  	s30 =	sld [smem:$0x0];
	_ =	sdelay $0x2  }
0xba: {  	s31 =	sshll.u32 s1, $0xD;
	s1 =	sshrl.u32 s1, $0x2  }
0xbb: {  	s3 =	sand.u32 $0x4000, s31;
	s1 =	sadd.s32 s1, s30  }
0xbc: {  	s0 =	sor.u32 s3, s0;
	s1 =	sshll.u32 s1, $0x11  }
0xbd: {  	s0 =	sor.u32 s1, s0  }
0xbe: {  	s0 =	sadd.s32 $0x8F2B, s0  }
0xbf: {  	[sflag:s0] =	ssyncadd.remote.s32 $0x1  }
0xc0: {  	_ =	sfence.sel $0xFFFF  }
0xc1: {  	[dreg:$0x0] =	wrdreg $0xFFFFFFFF;
	(pc) =	sbr.abs _section_cstart, $3  }
0xc2: {  	[dreg:$0x1] =	wrdreg $0xFFFFFFFF  }
0xc3: {  	_ =	task.clear_ibuf [dreg:s8], $0x2FFFF;
	_ =	strace $0x9FFFFFFF  }
0xc4: {  	(tm) =	ssettm $0x7FFFFFFF  }
0xc5: {  	_ =	shalt  }
tec
execute0_lowered:
.L_overlay_start_1:
0x0: {  	(tag) =	ssettag $0x1  }
0x1: {  	s6 =	rddreg [dreg:$0x0]  }
0x2: {  	s2 =	rddreg [dreg:$0x1]  }
0x3: {  	s5 =	rddreg [dreg:$0x2];
	s3 =	srdreg.scid  }
0x4: {  	s1 =	stileid.u32;
	s0 =	rddreg [dreg:$0x3]  }
0x5: {  	s11 =	simm.s32 $0x1;
	s12 =	simm.s32 $0x8000;
	s13 =	simm.s32 $0x2  }
0x6: {  	s14 =	simm.s32 $0xC000;
	s15 =	simm.s32 $0x3;
	s16 =	simm.s32 $0x4  }
0x7: {  	s17 =	simm.s32 $0x0;
	s4 =	sand.u32 $0x1, s3;
	s7 =	sshll.u32 s1, $0x1  }
0x8: {  	s3 =	simm.s32 $0x0;
	s9 =	sor.u32 s4, s7;
	s4 =	ssub.s32 $0x2, s4  }
0x9: {  	[smem:$0x7FF] =	sst s3;
	s7 =	sshll.u32 s9, $0xB;
	s8 =	sshrl.u32 s4, $0x1  }
.Ltmp0:
0xa: {  	_ =	strace $0x80000047;
	p0 =	seq.s32 s9, $0x0;
	(pc) =	sbr.rel .LBB2_1-.Ltmp0, $4  }
0xb: {  	s10 =	sshll.u32 s9, $0x9;
	s7 =	sadd.s32 s7, s5;
	s8 =	ssub.s32 s4, s8  }
0xc: {  	s4 =	simm.s32 $0x3E;
	s5 =	sadd.s32 $0x3D1600, s5;
	s6 =	sadd.s32 s6, s10  }
0xd: {  	v0 =	vlaneseq.u32;
	s10 =	simm.s32 $0x7A1400;
	s4 =	simm.s32 @!p0 $0x3D;
	s7 =	sadd.s32 $0xE00, s7  }
0xe: {  	v0 =	vmul.u32 $0x20, v0;
	s8 =	smax.u32 s8, $0x1;
	p0 =	sne.s32 s9, $0x1F;
	s9 =	simm.s32 $0x1000  }
.LBB2_11:
0xf: {  	s17 =	sadd.s32 $0x1, s17  }
0x10: {  	_ =	swait.ge [sflag:s15], $0x4000;
	p1 =	sne.s32 s17, s8  }
.Ltmp1:
0x11: {  	[sflag:s15] =	ssyncset.done $0x0;
	(pc) =	sbr.rel @!p1 .LBB2_12-.Ltmp1, $4  }
0x12: {  	[sflag:s15] =	ssyncadd.s32 $0xFFFFC000  }
0x13: {  	_ =	swait.ge [sflag:s16], $0x4000  }
0x14: {  	[sflag:s16] =	ssyncset.done $0x0  }
0x15: {  	[sflag:s16] =	ssyncadd.s32 $0xFFFFC000  }
.LBB2_1:
0x16: {  	s18 =	simm.s32 @!p0 $0x0;
	s19 =	simm.s32 @!p0 $0x8000;
	s20 =	simm.s32 @!p0 $0x5  }
0x17: {  	[tilespmem:s19], [sflag:$0x5] =	stream.linear.gather @!p0 [hbm4b:s2+s18], $0x800, $0x38;
	[tilespmem:$0x10000] =	vst v63  }
0x18: {  	_ =	swait.ge @!p0 [sflag:s20], $0x800  }
0x19: {  	[sflag:s20] =	ssyncset.done @!p0 $0x0  }
0x1a: {  	[sflag:s20] =	ssyncadd.s32 @!p0 $0xFFFFF800  }
0x1b: {  	[hbm4b:s5+s18] =	stream.linear.scatter @!p0 [tilespmem:s19], [sflag:$0x5], $0x800, $0x38;
	[tilespmem:$0x10000] =	vst v63  }
.Ltmp2:
0x1c: {  	_ = 	snop;
	(pc) =	sbr.rel .LBB2_2-.Ltmp2, $4  }
0x1d: {  	_ =	swait.ge @!p0 [sflag:s20], $0x800  }
0x1e: {  	[sflag:s20] =	ssyncset.done @!p0 $0x0  }
0x1f: {  	s18 =	simm.s32 $0x0;
	[sflag:s20] =	ssyncadd.s32 @!p0 $0xFFFFF800  }
0x20: {  	[tilespmem:s3], [sflag:$0x1] =	stream.strided.gather [hbm4b:s6+s9], $0x4000, s10, s9, $0x38;
	[tilespmem:$0x10000] =	vst v63  }
.LBB2_10:
0x21: {  	s18 =	sadd.s32 $0x1, s18  }
0x22: {  	p1 =	sne.s32 s18, $0x1F  }
.Ltmp3:
0x23: {  	_ = 	snop;
	(pc) =	sbr.rel @!p1 .LBB2_11-.Ltmp3, $1  }
0x24: {  	_ =	sdelay $0x3  }
.LBB2_2:
0x25: {  	s20 =	sshll.u32 s18, $0x1  }
0x26: {  	p2 =	sge.u32 s20, s4  }
.Ltmp4:
0x27: {  	_ = 	snop;
	(pc) =	sbr.rel @p2 .LBB2_6-.Ltmp4, $3  }
0x28: {  	_ =	sdelay $0x1  }
0x29: {  	s19 =	sshllo.u32 s18, $0x1  }
0x2a: {  	p1 =	sge.u32 s19, s4  }
0x2b: {  	s21 =	sshll.u32 @!p1 s19, $0xE;
	s22 =	simm.s32 @!p1 $0x1000  }
0x2c: {  	s23 =	simm.s32 @!p1 $0x7A1400;
	s24 =	simm.s32 @!p1 $0x4000;
	s21 =	sadd.s32 @!p1 s21, s6  }
0x2d: {  	[tilespmem:s24], [sflag:$0x2] =	stream.strided.gather @!p1 [hbm4b:s21+s22], $0x4000, s23, s22, $0x38;
	[tilespmem:$0x10000] =	vst v63  }
0x2e: {  	_ =	swait.ge [sflag:s11], $0x4000  }
0x2f: {  	p2 =	seq.s32 s18, $0x0;
	[sflag:s11] =	ssyncset.done $0x0  }
0x30: {  	s21 =	simm.s32 @!p2 $0x3;
	[sflag:s11] =	ssyncadd.s32 $0xFFFFC000  }
0x31: {  	s22 =	simm.s32 $0x0;
	_ =	swait.ge @!p2 [sflag:s21], $0x4000  }
0x32: {  	s26 =	sor.u32 s22, s22;
	s28 =	sand.u32 $0x70, s22;
	[sflag:s21] =	ssyncset.done @!p2 $0x0  }
0x33: {  	s29 =	sand.u32 $0xC00, s22;
	[sflag:s21] =	ssyncadd.s32 @!p2 $0xFFFFC000;
	s21 =	sor.u32 $0x380, s26  }
0x34: {  	s23 =	sor.u32 s28, s29;
	v16 =	vld [tilespmem:s21+$0x0]  }
0x35: {  	v24 =	vld [tilespmem:s23+$0x280]  }
0x36: {  	v1 =	vld [tilespmem:s23+$0x3380]  }
0x37: {  	v22 =	vld [tilespmem:s23+$0x300]  }
0x38: {  	v29 =	vld [tilespmem:s23+$0x200]  }
0x39: {  	v19 =	vld [tilespmem:s23+$0x1000]  }
0x3a: {  	v2 =	vld [tilespmem:s23+$0x3300]  }
0x3b: {  	v3 =	vld [tilespmem:s23+$0x3280]  }
0x3c: {  	v4 =	vld [tilespmem:s23+$0x3200]  }
0x3d: {  	v5 =	vld [tilespmem:s23+$0x3180]  }
0x3e: {  	v20 =	vld [tilespmem:s23+$0x1100]  }
0x3f: {  	v6 =	vld [tilespmem:s23+$0x3080]  }
0x40: {  	v17 =	vld [tilespmem:s23+$0x1200]  }
0x41: {  	v7 =	vld [tilespmem:s23+$0x3000]  }
0x42: {  	v8 =	vld [tilespmem:s23+$0x2380]  }
0x43: {  	v9 =	vld [tilespmem:s23+$0x2300]  }
0x44: {  	v10 =	vld [tilespmem:s23+$0x2280]  }
0x45: {  	v14 =	vld [tilespmem:s23+$0x2000]  }
0x46: {  	v18 =	vld [tilespmem:s23+$0x1300]  }
0x47: {  	v11 =	vld [tilespmem:s23+$0x2200]  }
0x48: {  	v12 =	vld [tilespmem:s23+$0x2100]  }
0x49: {  	v15 =	vld [tilespmem:s23+$0x2080]  }
0x4a: {  	v21 =	vld [tilespmem:s23+$0x1380]  }
0x4b: {  	v25 =	vld [tilespmem:s23+$0x1180]  }
0x4c: {  	v30 =	vld [tilespmem:s23+$0x180]  }
0x4d: {  	s30 =	simm.s32 $0x0;
	v28 =	vld [tilespmem:s23+$0x100]  }
0x4e: {  	s31 =	simm.s32 $0x1;
	v32 =	vor.u32 s30, v0;
	v33 =	vld [tilespmem:s23+$0x0]  }
0x4f: {  	v34 =	vor.u32 s31, v0;
	s24 =	simm.s32 $0x2;
	v31 =	vld [tilespmem:s23+$0x80]  }
0x50: {  	s25 =	simm.s32 $0x3;
	v35 =	vor.u32 s24, v0;
	v27 =	vld [tilespmem:s23+$0x1080]  }
0x51: {  	v36 =	vor.u32 s25, v0;
	s26 =	simm.s32 $0x4;
	v23 =	vld [tilespmem:s23+$0x2180]  }
0x52: {  	v26 =	vld [tilespmem:s23+$0x1280];
	v37 =	vor.u32 s26, v0  }
0x53: {  	s28 =	simm.s32 $0x5;
	v13 =	vld [tilespmem:s23+$0x3100];
	[tilespmem:v32+s12+$0x0] =	vst.idx.msk $0xffff, v33  }
0x54: {  	s29 =	simm.s32 $0x6;
	v33 =	vor.u32 s28, v0;
	[tilespmem:v34+s12+$0x0] =	vst.idx.msk $0xffff, v31  }
0x55: {  	s25 =	simm.s32 $0x7;
	s30 =	simm.s32 $0x8;
	v31 =	vor.u32 s29, v0;
	[tilespmem:v35+s12+$0x0] =	vst.idx.msk $0xffff, v28  }
0x56: {  	s31 =	simm.s32 $0x9;
	s24 =	simm.s32 $0x0;
	s26 =	simm.s32 $0xA;
	v28 =	vor.u32 s25, v0;
	[tilespmem:v36+s12+$0x0] =	vst.idx.msk $0xffff, v30  }
0x57: {  	s21 =	simm.s32 $0x1F;
	s23 =	simm.s32 $0x21F;
	v32 =	vor.u32 s30, v0;
	s25 =	simm.s32 $0xB;
	v30 =	vor.u32 s31, v0;
	[tilespmem:v37+s12+$0x0] =	vst.idx.msk $0xffff, v29;
	v29 =	vor.u32 s26, v0  }
.LBB2_4:
0x58: {  	s26 =	sadd.s32 $0xFFFFFFED, s21  }
0x59: {  	[tilespmem:v33+s12+$0x0] =	vst.idx.msk $0xffff, v24;
	v24 =	vor.u32 s25, v0;
	s22 =	sadd.s32 $0x80, s22;
	s24 =	sadd.s32 $0x10, s24;
	s25 =	smov.u32 s23  }
0x5a: {  	p2 =	sne.s32 s23, $0x3E1F;
	s23 =	sadd.s32 $0x200, s23;
	[tilespmem:v31+s12+$0x0] =	vst.idx.msk $0xffff, v22;
	v22 =	vor.u32 s26, v0;
	s26 =	sadd.s32 $0xFFFFFFEE, s21  }
0x5b: {  	[tilespmem:v28+s12+$0x0] =	vst.idx.msk $0xffff, v16;
	v16 =	vor.u32 s26, v0;
	s26 =	sadd.s32 $0xFFFFFFEF, s21  }
0x5c: {  	[tilespmem:v32+s12+$0x0] =	vst.idx.msk $0xffff, v19;
	v19 =	vor.u32 s26, v0;
	s26 =	sadd.s32 $0xFFFFFFF0, s21  }
0x5d: {  	[tilespmem:v30+s12+$0x0] =	vst.idx.msk $0xffff, v27;
	v27 =	vor.u32 s26, v0;
	s26 =	sadd.s32 $0xFFFFFFF1, s21  }
0x5e: {  	[tilespmem:v29+s12+$0x0] =	vst.idx.msk $0xffff, v20;
	v20 =	vor.u32 s26, v0;
	s26 =	sadd.s32 $0xFFFFFFF2, s21  }
0x5f: {  	[tilespmem:v24+s12+$0x0] =	vst.idx.msk $0xffff, v25;
	v24 =	vor.u32 s26, v0;
	s26 =	sadd.s32 $0xFFFFFFF3, s21  }
0x60: {  	[tilespmem:v22+s12+$0x0] =	vst.idx.msk $0xffff, v17;
	v17 =	vor.u32 s26, v0;
	s26 =	sadd.s32 $0xFFFFFFF4, s21  }
0x61: {  	[tilespmem:v16+s12+$0x0] =	vst.idx.msk $0xffff, v26;
	v16 =	vor.u32 s26, v0;
	s26 =	sadd.s32 $0xFFFFFFF5, s21  }
0x62: {  	[tilespmem:v19+s12+$0x0] =	vst.idx.msk $0xffff, v18;
	v18 =	vor.u32 s26, v0;
	s26 =	sadd.s32 $0xFFFFFFF6, s21  }
0x63: {  	[tilespmem:v27+s12+$0x0] =	vst.idx.msk $0xffff, v21;
	v19 =	vor.u32 s26, v0;
	s26 =	sadd.s32 $0xFFFFFFF7, s21  }
0x64: {  	[tilespmem:v20+s12+$0x0] =	vst.idx.msk $0xffff, v14;
	v14 =	vor.u32 s26, v0;
	s26 =	sadd.s32 $0xFFFFFFF8, s21  }
0x65: {  	[tilespmem:v24+s12+$0x0] =	vst.idx.msk $0xffff, v15;
	v15 =	vor.u32 s26, v0;
	s26 =	sadd.s32 $0xFFFFFFF9, s21  }
0x66: {  	[tilespmem:v17+s12+$0x0] =	vst.idx.msk $0xffff, v12;
	v12 =	vor.u32 s26, v0;
	s26 =	sadd.s32 $0xFFFFFFFA, s21  }
0x67: {  	[tilespmem:v16+s12+$0x0] =	vst.idx.msk $0xffff, v23;
	v16 =	vor.u32 s26, v0;
	s26 =	sadd.s32 $0xFFFFFFFB, s21  }
0x68: {  	[tilespmem:v18+s12+$0x0] =	vst.idx.msk $0xffff, v11;
	v11 =	vor.u32 s26, v0;
	s26 =	sadd.s32 $0xFFFFFFFC, s21  }
0x69: {  	[tilespmem:v19+s12+$0x0] =	vst.idx.msk $0xffff, v10;
	v10 =	vor.u32 s26, v0;
	s26 =	sadd.s32 $0xFFFFFFFD, s21  }
0x6a: {  	[tilespmem:v14+s12+$0x0] =	vst.idx.msk $0xffff, v9;
	v9 =	vor.u32 s26, v0;
	s26 =	sadd.s32 $0xFFFFFFFE, s21  }
0x6b: {  	[tilespmem:v15+s12+$0x0] =	vst.idx.msk $0xffff, v8;
	v8 =	vor.u32 s26, v0;
	s26 =	sadd.s32 $0xFFFFFFFF, s21  }
0x6c: {  	[tilespmem:v12+s12+$0x0] =	vst.idx.msk $0xffff, v7;
	v7 =	vor.u32 s26, v0  }
0x6d: {  	[tilespmem:v16+s12+$0x0] =	vst.idx.msk $0xffff, v6;
	v6 =	vor.u32 s21, v0;
	s21 =	smov.u32 s25  }
0x6e: {  	[tilespmem:v11+s12+$0x0] =	vst.idx.msk $0xffff, v13  }
0x6f: {  	[tilespmem:v10+s12+$0x0] =	vst.idx.msk $0xffff, v5  }
0x70: {  	[tilespmem:v9+s12+$0x0] =	vst.idx.msk $0xffff, v4  }
0x71: {  	[tilespmem:v8+s12+$0x0] =	vst.idx.msk $0xffff, v3  }
0x72: {  	s25 =	sor.u32 s22, s24;
	[tilespmem:v7+s12+$0x0] =	vst.idx.msk $0xffff, v2  }
0x73: {  	s28 =	sand.u32 $0xC00, s22;
	s26 =	sand.u32 $0x70, s24;
	s29 =	sor.u32 $0x380, s25;
	[tilespmem:v6+s12+$0x0] =	vst.idx.msk $0xffff, v1  }
0x74: {  	s25 =	sor.u32 s26, s28;
	v16 =	vld [tilespmem:s29+$0x0]  }
0x75: {  	v24 =	vld [tilespmem:s25+$0x280]  }
0x76: {  	v1 =	vld [tilespmem:s25+$0x3380]  }
0x77: {  	v22 =	vld [tilespmem:s25+$0x300]  }
0x78: {  	v29 =	vld [tilespmem:s25+$0x200]  }
0x79: {  	v19 =	vld [tilespmem:s25+$0x1000]  }
0x7a: {  	v2 =	vld [tilespmem:s25+$0x3300]  }
0x7b: {  	v3 =	vld [tilespmem:s25+$0x3280]  }
0x7c: {  	v4 =	vld [tilespmem:s25+$0x3200]  }
0x7d: {  	v5 =	vld [tilespmem:s25+$0x3180]  }
0x7e: {  	v20 =	vld [tilespmem:s25+$0x1100]  }
0x7f: {  	v6 =	vld [tilespmem:s25+$0x3080]  }
0x80: {  	v17 =	vld [tilespmem:s25+$0x1200]  }
0x81: {  	v7 =	vld [tilespmem:s25+$0x3000]  }
0x82: {  	v8 =	vld [tilespmem:s25+$0x2380]  }
0x83: {  	v9 =	vld [tilespmem:s25+$0x2300]  }
0x84: {  	v10 =	vld [tilespmem:s25+$0x2280]  }
0x85: {  	v14 =	vld [tilespmem:s25+$0x2000]  }
0x86: {  	v18 =	vld [tilespmem:s25+$0x1300]  }
0x87: {  	v11 =	vld [tilespmem:s25+$0x2200]  }
0x88: {  	v12 =	vld [tilespmem:s25+$0x2100]  }
0x89: {  	v15 =	vld [tilespmem:s25+$0x2080]  }
0x8a: {  	v21 =	vld [tilespmem:s25+$0x1380]  }
0x8b: {  	v25 =	vld [tilespmem:s25+$0x1180]  }
0x8c: {  	v30 =	vld [tilespmem:s25+$0x180]  }
0x8d: {  	s26 =	sadd.s32 $0xFFFFFFE1, s21;
	v32 =	vld [tilespmem:s25+$0x100]  }
0x8e: {  	v31 =	vor.u32 s26, v0;
	s26 =	sadd.s32 $0xFFFFFFE2, s21;
	v28 =	vld [tilespmem:s25+$0x80]  }
0x8f: {  	v35 =	vor.u32 s26, v0;
	s26 =	sadd.s32 $0xFFFFFFE3, s21;
	v34 =	vld [tilespmem:s25+$0x0]  }
0x90: {  	v36 =	vor.u32 s26, v0;
	s26 =	sadd.s32 $0xFFFFFFE4, s21;
	v27 =	vld [tilespmem:s25+$0x1080]  }
0x91: {  	v37 =	vor.u32 s26, v0;
	s26 =	sadd.s32 $0xFFFFFFE5, s21;
	v23 =	vld [tilespmem:s25+$0x2180]  }
0x92: {  	v38 =	vor.u32 s26, v0;
	s26 =	sadd.s32 $0xFFFFFFE6, s21;
	v26 =	vld [tilespmem:s25+$0x1280]  }
0x93: {  	v33 =	vor.u32 s26, v0;
	v13 =	vld [tilespmem:s25+$0x3100];
	s25 =	sadd.s32 $0xFFFFFFE7, s21  }
.Ltmp5:
0x94: {  	[tilespmem:v31+s12+$0x0] =	vst.idx.msk $0xffff, v34;
	v31 =	vor.u32 s25, v0;
	s25 =	sadd.s32 $0xFFFFFFE8, s21;
	(pc) =	sbr.rel @p2 .LBB2_4-.Ltmp5, $4  }
0x95: {  	[tilespmem:v35+s12+$0x0] =	vst.idx.msk $0xffff, v28;
	v28 =	vor.u32 s25, v0;
	s25 =	sadd.s32 $0xFFFFFFE9, s21  }
0x96: {  	[tilespmem:v36+s12+$0x0] =	vst.idx.msk $0xffff, v32;
	v32 =	vor.u32 s25, v0;
	s25 =	sadd.s32 $0xFFFFFFEA, s21  }
0x97: {  	[tilespmem:v37+s12+$0x0] =	vst.idx.msk $0xffff, v30;
	v30 =	vor.u32 s25, v0;
	s25 =	sadd.s32 $0xFFFFFFEB, s21  }
0x98: {  	[tilespmem:v38+s12+$0x0] =	vst.idx.msk $0xffff, v29;
	v29 =	vor.u32 s25, v0;
	s25 =	sadd.s32 $0xFFFFFFEC, s21  }
0x99: {  	_ =	sdelay $0x3  }
0x9a: {  	[tilespmem:v33+s12+$0x0] =	vst.idx.msk $0xffff, v24  }
0x9b: {  	v43 =	vor.u32 s25, v0;
	s22 =	sadd.s32 $0xFFFFFFED, s21;
	[tilespmem:v31+s12+$0x0] =	vst.idx.msk $0xffff, v22  }
0x9c: {  	s29 =	sadd.s32 $0xFFFFFFEE, s21;
	v44 =	vor.u32 s22, v0;
	[tilespmem:v28+s12+$0x0] =	vst.idx.msk $0xffff, v16  }
0x9d: {  	s30 =	sadd.s32 $0xFFFFFFEF, s21;
	v45 =	vor.u32 s29, v0;
	[tilespmem:v32+s12+$0x0] =	vst.idx.msk $0xffff, v19  }
0x9e: {  	s31 =	sadd.s32 $0xFFFFFFF0, s21;
	v46 =	vor.u32 s30, v0;
	[tilespmem:v30+s12+$0x0] =	vst.idx.msk $0xffff, v27  }
0x9f: {  	s23 =	sadd.s32 $0xFFFFFFF1, s21;
	v47 =	vor.u32 s31, v0;
	[tilespmem:v29+s12+$0x0] =	vst.idx.msk $0xffff, v20  }
0xa0: {  	s24 =	sadd.s32 $0xFFFFFFF2, s21;
	v48 =	vor.u32 s23, v0;
	[tilespmem:v43+s12+$0x0] =	vst.idx.msk $0xffff, v25  }
0xa1: {  	s25 =	sadd.s32 $0xFFFFFFF3, s21;
	v49 =	vor.u32 s24, v0;
	[tilespmem:v44+s12+$0x0] =	vst.idx.msk $0xffff, v17  }
0xa2: {  	s26 =	sadd.s32 $0xFFFFFFF4, s21;
	v50 =	vor.u32 s25, v0;
	[tilespmem:v45+s12+$0x0] =	vst.idx.msk $0xffff, v26  }
0xa3: {  	s28 =	sadd.s32 $0xFFFFFFF5, s21;
	v51 =	vor.u32 s26, v0;
	[tilespmem:v46+s12+$0x0] =	vst.idx.msk $0xffff, v18  }
0xa4: {  	v52 =	vor.u32 s28, v0;
	s29 =	sadd.s32 $0xFFFFFFF6, s21;
	[tilespmem:v47+s12+$0x0] =	vst.idx.msk $0xffff, v21  }
0xa5: {  	s30 =	sadd.s32 $0xFFFFFFF7, s21;
	v53 =	vor.u32 s29, v0;
	[tilespmem:v48+s12+$0x0] =	vst.idx.msk $0xffff, v14  }
0xa6: {  	s31 =	sadd.s32 $0xFFFFFFF8, s21;
	v54 =	vor.u32 s30, v0;
	[tilespmem:v49+s12+$0x0] =	vst.idx.msk $0xffff, v15  }
0xa7: {  	s23 =	sadd.s32 $0xFFFFFFF9, s21;
	v55 =	vor.u32 s31, v0;
	[tilespmem:v50+s12+$0x0] =	vst.idx.msk $0xffff, v12  }
0xa8: {  	s24 =	sadd.s32 $0xFFFFFFFA, s21;
	v56 =	vor.u32 s23, v0;
	[tilespmem:v51+s12+$0x0] =	vst.idx.msk $0xffff, v23  }
0xa9: {  	s25 =	sadd.s32 $0xFFFFFFFB, s21;
	v57 =	vor.u32 s24, v0;
	[tilespmem:v52+s12+$0x0] =	vst.idx.msk $0xffff, v11  }
0xaa: {  	s26 =	sadd.s32 $0xFFFFFFFC, s21;
	v58 =	vor.u32 s25, v0;
	[tilespmem:v53+s12+$0x0] =	vst.idx.msk $0xffff, v10  }
0xab: {  	s28 =	sadd.s32 $0xFFFFFFFD, s21;
	v59 =	vor.u32 s26, v0;
	[tilespmem:v54+s12+$0x0] =	vst.idx.msk $0xffff, v9  }
0xac: {  	v60 =	vor.u32 s28, v0;
	s29 =	sadd.s32 $0xFFFFFFFE, s21;
	[tilespmem:v55+s12+$0x0] =	vst.idx.msk $0xffff, v8  }
0xad: {  	s30 =	sadd.s32 $0xFFFFFFFF, s21;
	v61 =	vor.u32 s29, v0;
	[tilespmem:v56+s12+$0x0] =	vst.idx.msk $0xffff, v7  }
0xae: {  	v62 =	vor.u32 s30, v0;
	[tilespmem:v57+s12+$0x0] =	vst.idx.msk $0xffff, v6  }
0xaf: {  	v63 =	vor.u32 s21, v0;
	[tilespmem:v58+s12+$0x0] =	vst.idx.msk $0xffff, v13  }
0xb0: {  	[tilespmem:v59+s12+$0x0] =	vst.idx.msk $0xffff, v5  }
0xb1: {  	[tilespmem:v60+s12+$0x0] =	vst.idx.msk $0xffff, v4  }
0xb2: {  	[tilespmem:v61+s12+$0x0] =	vst.idx.msk $0xffff, v3  }
0xb3: {  	s31 =	sshll.u32 s18, $0x11;
	[tilespmem:v62+s12+$0x0] =	vst.idx.msk $0xffff, v2  }
0xb4: {  	s21 =	sadd.s32 s31, s7;
	[tilespmem:v63+s12+$0x0] =	vst.idx.msk $0xffff, v1  }
0xb5: {  	[hbm4b:s21+s3] =	stream.linear.scatter [tilespmem:s12], [sflag:$0x3], $0x4000, $0x38;
	[tilespmem:$0x10000] =	vst v63  }
.LBB2_6:
.Ltmp6:
0xb6: {  	(pc) =	sbr.rel @p1 .LBB2_10-.Ltmp6, $1  }
0xb7: {  	_ =	sdelay $0x3  }
0xb8: {  	s20 =	sadd.s32 $0x2, s20  }
0xb9: {  	p1 =	sge.u32 s20, s4  }
0xba: {  	s20 =	sshll.u32 @!p1 s20, $0xE;
	s21 =	simm.s32 @!p1 $0x1000  }
0xbb: {  	s22 =	simm.s32 @!p1 $0x7A1400;
	s23 =	simm.s32 @!p1 $0x0;
	s20 =	sadd.s32 @!p1 s20, s6  }
0xbc: {  	[tilespmem:s23], [sflag:$0x1] =	stream.strided.gather @!p1 [hbm4b:s20+s21], $0x4000, s22, s21, $0x38;
	[tilespmem:$0x10000] =	vst v63  }
0xbd: {  	_ =	swait.ge [sflag:s13], $0x4000  }
0xbe: {  	p1 =	seq.s32 s18, $0x0;
	[sflag:s13] =	ssyncset.done $0x0  }
0xbf: {  	s20 =	simm.s32 @!p1 $0x4;
	[sflag:s13] =	ssyncadd.s32 $0xFFFFC000  }
0xc0: {  	s21 =	simm.s32 $0x0;
	_ =	swait.ge @!p1 [sflag:s20], $0x4000  }
0xc1: {  	s28 =	sor.u32 s21, s21;
	s29 =	sand.u32 $0x70, s21;
	[sflag:s20] =	ssyncset.done @!p1 $0x0  }
0xc2: {  	s30 =	sand.u32 $0xC00, s21;
	[sflag:s20] =	ssyncadd.s32 @!p1 $0xFFFFC000;
	s20 =	sor.u32 $0x380, s28  }
0xc3: {  	s22 =	sor.u32 s29, s30;
	v16 =	vld [tilespmem:s20+$0x4000]  }
0xc4: {  	v24 =	vld [tilespmem:s22+$0x4280]  }
0xc5: {  	v1 =	vld [tilespmem:s22+$0x7380]  }
0xc6: {  	v22 =	vld [tilespmem:s22+$0x4300]  }
0xc7: {  	v29 =	vld [tilespmem:s22+$0x4200]  }
0xc8: {  	v19 =	vld [tilespmem:s22+$0x5000]  }
0xc9: {  	v2 =	vld [tilespmem:s22+$0x7300]  }
0xca: {  	v3 =	vld [tilespmem:s22+$0x7280]  }
0xcb: {  	v4 =	vld [tilespmem:s22+$0x7200]  }
0xcc: {  	v5 =	vld [tilespmem:s22+$0x7180]  }
0xcd: {  	v20 =	vld [tilespmem:s22+$0x5100]  }
0xce: {  	v6 =	vld [tilespmem:s22+$0x7080]  }
0xcf: {  	v17 =	vld [tilespmem:s22+$0x5200]  }
0xd0: {  	v7 =	vld [tilespmem:s22+$0x7000]  }
0xd1: {  	v8 =	vld [tilespmem:s22+$0x6380]  }
0xd2: {  	v9 =	vld [tilespmem:s22+$0x6300]  }
0xd3: {  	v10 =	vld [tilespmem:s22+$0x6280]  }
0xd4: {  	v14 =	vld [tilespmem:s22+$0x6000]  }
0xd5: {  	v18 =	vld [tilespmem:s22+$0x5300]  }
0xd6: {  	v11 =	vld [tilespmem:s22+$0x6200]  }
0xd7: {  	v12 =	vld [tilespmem:s22+$0x6100]  }
0xd8: {  	v15 =	vld [tilespmem:s22+$0x6080]  }
0xd9: {  	v21 =	vld [tilespmem:s22+$0x5380]  }
0xda: {  	v25 =	vld [tilespmem:s22+$0x5180]  }
0xdb: {  	v30 =	vld [tilespmem:s22+$0x4180]  }
0xdc: {  	s31 =	simm.s32 $0x0;
	v28 =	vld [tilespmem:s22+$0x4100]  }
0xdd: {  	v32 =	vor.u32 s31, v0;
	s23 =	simm.s32 $0x1;
	v33 =	vld [tilespmem:s22+$0x4000]  }
0xde: {  	s24 =	simm.s32 $0x2;
	v34 =	vor.u32 s23, v0;
	v31 =	vld [tilespmem:s22+$0x4080]  }
0xdf: {  	s25 =	simm.s32 $0x3;
	v35 =	vor.u32 s24, v0;
	v27 =	vld [tilespmem:s22+$0x5080]  }
0xe0: {  	s26 =	simm.s32 $0x4;
	v36 =	vor.u32 s25, v0;
	v23 =	vld [tilespmem:s22+$0x6180]  }
0xe1: {  	v37 =	vor.u32 s26, v0;
	v26 =	vld [tilespmem:s22+$0x5280]  }
0xe2: {  	s28 =	simm.s32 $0x5;
	v13 =	vld [tilespmem:s22+$0x7100];
	[tilespmem:v32+s14+$0x0] =	vst.idx.msk $0xffff, v33  }
0xe3: {  	s29 =	simm.s32 $0x6;
	v33 =	vor.u32 s28, v0;
	[tilespmem:v34+s14+$0x0] =	vst.idx.msk $0xffff, v31  }
0xe4: {  	s24 =	simm.s32 $0x7;
	s31 =	simm.s32 $0x9;
	v31 =	vor.u32 s29, v0;
	[tilespmem:v35+s14+$0x0] =	vst.idx.msk $0xffff, v28  }
0xe5: {  	s25 =	simm.s32 $0xA;
	s23 =	simm.s32 $0x0;
	s30 =	simm.s32 $0x8;
	v28 =	vor.u32 s24, v0;
	[tilespmem:v36+s14+$0x0] =	vst.idx.msk $0xffff, v30  }
0xe6: {  	s20 =	simm.s32 $0x1F;
	s22 =	simm.s32 $0x21F;
	v32 =	vor.u32 s30, v0;
	s24 =	simm.s32 $0xB;
	v30 =	vor.u32 s31, v0;
	[tilespmem:v37+s14+$0x0] =	vst.idx.msk $0xffff, v29;
	v29 =	vor.u32 s25, v0  }
.LBB2_8:
0xe7: {  	s25 =	sadd.s32 $0xFFFFFFED, s20  }
0xe8: {  	[tilespmem:v33+s14+$0x0] =	vst.idx.msk $0xffff, v24;
	v24 =	vor.u32 s24, v0;
	s21 =	sadd.s32 $0x80, s21;
	s23 =	sadd.s32 $0x10, s23;
	s24 =	smov.u32 s22  }
0xe9: {  	p1 =	sne.s32 s22, $0x3E1F;
	s22 =	sadd.s32 $0x200, s22;
	[tilespmem:v31+s14+$0x0] =	vst.idx.msk $0xffff, v22;
	v22 =	vor.u32 s25, v0;
	s25 =	sadd.s32 $0xFFFFFFEE, s20  }
0xea: {  	[tilespmem:v28+s14+$0x0] =	vst.idx.msk $0xffff, v16;
	v16 =	vor.u32 s25, v0;
	s25 =	sadd.s32 $0xFFFFFFEF, s20  }
0xeb: {  	[tilespmem:v32+s14+$0x0] =	vst.idx.msk $0xffff, v19;
	v19 =	vor.u32 s25, v0;
	s25 =	sadd.s32 $0xFFFFFFF0, s20  }
0xec: {  	[tilespmem:v30+s14+$0x0] =	vst.idx.msk $0xffff, v27;
	v27 =	vor.u32 s25, v0;
	s25 =	sadd.s32 $0xFFFFFFF1, s20  }
0xed: {  	[tilespmem:v29+s14+$0x0] =	vst.idx.msk $0xffff, v20;
	v20 =	vor.u32 s25, v0;
	s25 =	sadd.s32 $0xFFFFFFF2, s20  }
0xee: {  	[tilespmem:v24+s14+$0x0] =	vst.idx.msk $0xffff, v25;
	v24 =	vor.u32 s25, v0;
	s25 =	sadd.s32 $0xFFFFFFF3, s20  }
0xef: {  	[tilespmem:v22+s14+$0x0] =	vst.idx.msk $0xffff, v17;
	v17 =	vor.u32 s25, v0;
	s25 =	sadd.s32 $0xFFFFFFF4, s20  }
0xf0: {  	[tilespmem:v16+s14+$0x0] =	vst.idx.msk $0xffff, v26;
	v16 =	vor.u32 s25, v0;
	s25 =	sadd.s32 $0xFFFFFFF5, s20  }
0xf1: {  	[tilespmem:v19+s14+$0x0] =	vst.idx.msk $0xffff, v18;
	v18 =	vor.u32 s25, v0;
	s25 =	sadd.s32 $0xFFFFFFF6, s20  }
0xf2: {  	[tilespmem:v27+s14+$0x0] =	vst.idx.msk $0xffff, v21;
	v19 =	vor.u32 s25, v0;
	s25 =	sadd.s32 $0xFFFFFFF7, s20  }
0xf3: {  	[tilespmem:v20+s14+$0x0] =	vst.idx.msk $0xffff, v14;
	v14 =	vor.u32 s25, v0;
	s25 =	sadd.s32 $0xFFFFFFF8, s20  }
0xf4: {  	[tilespmem:v24+s14+$0x0] =	vst.idx.msk $0xffff, v15;
	v15 =	vor.u32 s25, v0;
	s25 =	sadd.s32 $0xFFFFFFF9, s20  }
0xf5: {  	[tilespmem:v17+s14+$0x0] =	vst.idx.msk $0xffff, v12;
	v12 =	vor.u32 s25, v0;
	s25 =	sadd.s32 $0xFFFFFFFA, s20  }
0xf6: {  	[tilespmem:v16+s14+$0x0] =	vst.idx.msk $0xffff, v23;
	v16 =	vor.u32 s25, v0;
	s25 =	sadd.s32 $0xFFFFFFFB, s20  }
0xf7: {  	[tilespmem:v18+s14+$0x0] =	vst.idx.msk $0xffff, v11;
	v11 =	vor.u32 s25, v0;
	s25 =	sadd.s32 $0xFFFFFFFC, s20  }
0xf8: {  	[tilespmem:v19+s14+$0x0] =	vst.idx.msk $0xffff, v10;
	v10 =	vor.u32 s25, v0;
	s25 =	sadd.s32 $0xFFFFFFFD, s20  }
0xf9: {  	[tilespmem:v14+s14+$0x0] =	vst.idx.msk $0xffff, v9;
	v9 =	vor.u32 s25, v0;
	s25 =	sadd.s32 $0xFFFFFFFE, s20  }
0xfa: {  	[tilespmem:v15+s14+$0x0] =	vst.idx.msk $0xffff, v8;
	v8 =	vor.u32 s25, v0;
	s25 =	sadd.s32 $0xFFFFFFFF, s20  }
0xfb: {  	[tilespmem:v12+s14+$0x0] =	vst.idx.msk $0xffff, v7;
	v7 =	vor.u32 s25, v0  }
0xfc: {  	[tilespmem:v16+s14+$0x0] =	vst.idx.msk $0xffff, v6;
	v6 =	vor.u32 s20, v0;
	s20 =	smov.u32 s24  }
0xfd: {  	[tilespmem:v11+s14+$0x0] =	vst.idx.msk $0xffff, v13  }
0xfe: {  	[tilespmem:v10+s14+$0x0] =	vst.idx.msk $0xffff, v5  }
0xff: {  	[tilespmem:v9+s14+$0x0] =	vst.idx.msk $0xffff, v4  }
0x100: {  	[tilespmem:v8+s14+$0x0] =	vst.idx.msk $0xffff, v3  }
0x101: {  	s24 =	sor.u32 s21, s23;
	[tilespmem:v7+s14+$0x0] =	vst.idx.msk $0xffff, v2  }
0x102: {  	s26 =	sand.u32 $0xC00, s21;
	s25 =	sand.u32 $0x70, s23;
	s28 =	sor.u32 $0x380, s24;
	[tilespmem:v6+s14+$0x0] =	vst.idx.msk $0xffff, v1  }
0x103: {  	s24 =	sor.u32 s25, s26;
	v16 =	vld [tilespmem:s28+$0x4000]  }
0x104: {  	v24 =	vld [tilespmem:s24+$0x4280]  }
0x105: {  	v1 =	vld [tilespmem:s24+$0x7380]  }
0x106: {  	v22 =	vld [tilespmem:s24+$0x4300]  }
0x107: {  	v29 =	vld [tilespmem:s24+$0x4200]  }
0x108: {  	v19 =	vld [tilespmem:s24+$0x5000]  }
0x109: {  	v2 =	vld [tilespmem:s24+$0x7300]  }
0x10a: {  	v3 =	vld [tilespmem:s24+$0x7280]  }
0x10b: {  	v4 =	vld [tilespmem:s24+$0x7200]  }
0x10c: {  	v5 =	vld [tilespmem:s24+$0x7180]  }
0x10d: {  	v20 =	vld [tilespmem:s24+$0x5100]  }
0x10e: {  	v6 =	vld [tilespmem:s24+$0x7080]  }
0x10f: {  	v17 =	vld [tilespmem:s24+$0x5200]  }
0x110: {  	v7 =	vld [tilespmem:s24+$0x7000]  }
0x111: {  	v8 =	vld [tilespmem:s24+$0x6380]  }
0x112: {  	v9 =	vld [tilespmem:s24+$0x6300]  }
0x113: {  	v10 =	vld [tilespmem:s24+$0x6280]  }
0x114: {  	v14 =	vld [tilespmem:s24+$0x6000]  }
0x115: {  	v18 =	vld [tilespmem:s24+$0x5300]  }
0x116: {  	v11 =	vld [tilespmem:s24+$0x6200]  }
0x117: {  	v12 =	vld [tilespmem:s24+$0x6100]  }
0x118: {  	v15 =	vld [tilespmem:s24+$0x6080]  }
0x119: {  	v21 =	vld [tilespmem:s24+$0x5380]  }
0x11a: {  	v25 =	vld [tilespmem:s24+$0x5180]  }
0x11b: {  	v30 =	vld [tilespmem:s24+$0x4180]  }
0x11c: {  	s25 =	sadd.s32 $0xFFFFFFE1, s20;
	v32 =	vld [tilespmem:s24+$0x4100]  }
0x11d: {  	v31 =	vor.u32 s25, v0;
	s25 =	sadd.s32 $0xFFFFFFE2, s20;
	v28 =	vld [tilespmem:s24+$0x4080]  }
0x11e: {  	v35 =	vor.u32 s25, v0;
	s25 =	sadd.s32 $0xFFFFFFE3, s20;
	v34 =	vld [tilespmem:s24+$0x4000]  }
0x11f: {  	v36 =	vor.u32 s25, v0;
	s25 =	sadd.s32 $0xFFFFFFE4, s20;
	v27 =	vld [tilespmem:s24+$0x5080]  }
0x120: {  	v37 =	vor.u32 s25, v0;
	s25 =	sadd.s32 $0xFFFFFFE5, s20;
	v23 =	vld [tilespmem:s24+$0x6180]  }
0x121: {  	v38 =	vor.u32 s25, v0;
	s25 =	sadd.s32 $0xFFFFFFE6, s20;
	v26 =	vld [tilespmem:s24+$0x5280]  }
0x122: {  	v33 =	vor.u32 s25, v0;
	v13 =	vld [tilespmem:s24+$0x7100];
	s24 =	sadd.s32 $0xFFFFFFE7, s20  }
.Ltmp7:
0x123: {  	[tilespmem:v31+s14+$0x0] =	vst.idx.msk $0xffff, v34;
	v31 =	vor.u32 s24, v0;
	s24 =	sadd.s32 $0xFFFFFFE8, s20;
	(pc) =	sbr.rel @p1 .LBB2_8-.Ltmp7, $4  }
0x124: {  	[tilespmem:v35+s14+$0x0] =	vst.idx.msk $0xffff, v28;
	v28 =	vor.u32 s24, v0;
	s24 =	sadd.s32 $0xFFFFFFE9, s20  }
0x125: {  	[tilespmem:v36+s14+$0x0] =	vst.idx.msk $0xffff, v32;
	v32 =	vor.u32 s24, v0;
	s24 =	sadd.s32 $0xFFFFFFEA, s20  }
0x126: {  	[tilespmem:v37+s14+$0x0] =	vst.idx.msk $0xffff, v30;
	v30 =	vor.u32 s24, v0;
	s24 =	sadd.s32 $0xFFFFFFEB, s20  }
0x127: {  	[tilespmem:v38+s14+$0x0] =	vst.idx.msk $0xffff, v29;
	v29 =	vor.u32 s24, v0;
	s24 =	sadd.s32 $0xFFFFFFEC, s20  }
0x128: {  	_ =	sdelay $0x3  }
0x129: {  	[tilespmem:v33+s14+$0x0] =	vst.idx.msk $0xffff, v24  }
0x12a: {  	v43 =	vor.u32 s24, v0;
	s21 =	sadd.s32 $0xFFFFFFED, s20;
	[tilespmem:v31+s14+$0x0] =	vst.idx.msk $0xffff, v22  }
0x12b: {  	s22 =	sadd.s32 $0xFFFFFFEE, s20;
	v44 =	vor.u32 s21, v0;
	[tilespmem:v28+s14+$0x0] =	vst.idx.msk $0xffff, v16  }
0x12c: {  	s23 =	sadd.s32 $0xFFFFFFEF, s20;
	v45 =	vor.u32 s22, v0;
	[tilespmem:v32+s14+$0x0] =	vst.idx.msk $0xffff, v19  }
0x12d: {  	s24 =	sadd.s32 $0xFFFFFFF0, s20;
	v46 =	vor.u32 s23, v0;
	[tilespmem:v30+s14+$0x0] =	vst.idx.msk $0xffff, v27  }
0x12e: {  	s25 =	sadd.s32 $0xFFFFFFF1, s20;
	v47 =	vor.u32 s24, v0;
	[tilespmem:v29+s14+$0x0] =	vst.idx.msk $0xffff, v20  }
0x12f: {  	s26 =	sadd.s32 $0xFFFFFFF2, s20;
	v48 =	vor.u32 s25, v0;
	[tilespmem:v43+s14+$0x0] =	vst.idx.msk $0xffff, v25  }
0x130: {  	s28 =	sadd.s32 $0xFFFFFFF3, s20;
	v49 =	vor.u32 s26, v0;
	[tilespmem:v44+s14+$0x0] =	vst.idx.msk $0xffff, v17  }
0x131: {  	s29 =	sadd.s32 $0xFFFFFFF4, s20;
	v50 =	vor.u32 s28, v0;
	[tilespmem:v45+s14+$0x0] =	vst.idx.msk $0xffff, v26  }
0x132: {  	s30 =	sadd.s32 $0xFFFFFFF5, s20;
	v51 =	vor.u32 s29, v0;
	[tilespmem:v46+s14+$0x0] =	vst.idx.msk $0xffff, v18  }
0x133: {  	s31 =	sadd.s32 $0xFFFFFFF6, s20;
	v52 =	vor.u32 s30, v0;
	[tilespmem:v47+s14+$0x0] =	vst.idx.msk $0xffff, v21  }
0x134: {  	v53 =	vor.u32 s31, v0;
	s22 =	sadd.s32 $0xFFFFFFF7, s20;
	[tilespmem:v48+s14+$0x0] =	vst.idx.msk $0xffff, v14  }
0x135: {  	s23 =	sadd.s32 $0xFFFFFFF8, s20;
	v54 =	vor.u32 s22, v0;
	[tilespmem:v49+s14+$0x0] =	vst.idx.msk $0xffff, v15  }
0x136: {  	s24 =	sadd.s32 $0xFFFFFFF9, s20;
	v55 =	vor.u32 s23, v0;
	[tilespmem:v50+s14+$0x0] =	vst.idx.msk $0xffff, v12  }
0x137: {  	s25 =	sadd.s32 $0xFFFFFFFA, s20;
	v56 =	vor.u32 s24, v0;
	[tilespmem:v51+s14+$0x0] =	vst.idx.msk $0xffff, v23  }
0x138: {  	s26 =	sadd.s32 $0xFFFFFFFB, s20;
	v57 =	vor.u32 s25, v0;
	[tilespmem:v52+s14+$0x0] =	vst.idx.msk $0xffff, v11  }
0x139: {  	s28 =	sadd.s32 $0xFFFFFFFC, s20;
	v58 =	vor.u32 s26, v0;
	[tilespmem:v53+s14+$0x0] =	vst.idx.msk $0xffff, v10  }
0x13a: {  	s29 =	sadd.s32 $0xFFFFFFFD, s20;
	v59 =	vor.u32 s28, v0;
	[tilespmem:v54+s14+$0x0] =	vst.idx.msk $0xffff, v9  }
0x13b: {  	s30 =	sadd.s32 $0xFFFFFFFE, s20;
	v60 =	vor.u32 s29, v0;
	[tilespmem:v55+s14+$0x0] =	vst.idx.msk $0xffff, v8  }
0x13c: {  	s31 =	sadd.s32 $0xFFFFFFFF, s20;
	v61 =	vor.u32 s30, v0;
	[tilespmem:v56+s14+$0x0] =	vst.idx.msk $0xffff, v7  }
0x13d: {  	v62 =	vor.u32 s31, v0;
	[tilespmem:v57+s14+$0x0] =	vst.idx.msk $0xffff, v6  }
0x13e: {  	v63 =	vor.u32 s20, v0;
	[tilespmem:v58+s14+$0x0] =	vst.idx.msk $0xffff, v13  }
0x13f: {  	[tilespmem:v59+s14+$0x0] =	vst.idx.msk $0xffff, v5  }
.Ltmp8:
0x140: {  	[tilespmem:v60+s14+$0x0] =	vst.idx.msk $0xffff, v4;
	(pc) =	sbr.rel .LBB2_10-.Ltmp8, $4  }
0x141: {  	[tilespmem:v61+s14+$0x0] =	vst.idx.msk $0xffff, v3  }
0x142: {  	s19 =	sshll.u32 s19, $0x10;
	[tilespmem:v62+s14+$0x0] =	vst.idx.msk $0xffff, v2  }
0x143: {  	s19 =	sadd.s32 s19, s7;
	[tilespmem:v63+s14+$0x0] =	vst.idx.msk $0xffff, v1  }
0x144: {  	[hbm4b:s19+s3] =	stream.linear.scatter [tilespmem:s14], [sflag:$0x4], $0x4000, $0x38;
	[tilespmem:$0x10000] =	vst v63  }
.LBB2_12:
0x145: {  	_ =	sfence.sel $0x180000  }
0x146: {  	[bflag:$0x0] =	sbarrier.arrive $0xFFFF  }
0x147: {  	p0 =	sne.s32 s1, $0x0;
	_ =	strace $0x90000047  }
0x148: {  	s0 =	sadd.s32 @!p0 $0x100000, s0;
	[bflag:$0x2] =	sbarrier.arrive $0xFFFF  }
0x149: {  	[sflag:s0] =	ssyncadd.tile.s32 @!p0 $0x1;
	_ =	shalt  }
.Lfunc_end2:
_tile_overlayer_lowered:
.L_overlay_start_2:
0x14a: {  	(tag) =	ssettag $0x2  }
0x14b: {  	s0 =	rddreg [dreg:$0x0];
	s2 =	stileid.u32  }
0x14c: {  	s1 =	rddreg [dreg:$0x1];
	p0 =	sne.s32 s2, $0x0  }
0x14d: {  	s3 =	rddreg [dreg:$0x2];
	[bflag:$0x3] =	sbarrier.arrive $0xFFFF;
	s2 =	simm.s32 @!p0 $0x1C05  }
0x14e: {  	[timem:s3], [sflag:s2] =	dma.local @!p0 [hbm:s0], s1  }
0x14f: {  	s0 =	simm.s32 @!p0 $0x5  }
0x150: {  	_ =	swait.ge @!p0 [sflag:s0], s1  }
0x151: {  	s1 =	ssub.s32 @!p0 $0x0, s1;
	[sflag:s0] =	ssyncset.done @!p0 $0x0  }
0x152: {  	[sflag:s0] =	ssyncadd.s32 @!p0 s1  }
0x153: {  	[bflag:$0x3] =	sbarrier.arrive $0xFFFF  }
0x154: {  	_ =	shalt  }

// kernel: kernel.7.cloned.1.call-start
scs
__scs_entry_jumppad:
0x0: {  	(pc) =	sbr.rel $0x88, $3  }
0x1: {  	(tag) =	ssettag $0x0;
	lr =	simm.s32 $0x1  }
0x2: {  	[smem:$0x3F9F] =	sst lr;
	_ =	strace $0xD0000000  }
0x3: {  	_ = 	snop  }
0x4: {  	_ = 	snop  }
0x5: {  	_ = 	snop  }
0x6: {  	_ = 	snop  }
0x7: {  	_ = 	snop  }
__scs_overlays_trampoline_lowered:
0x8: {  	[smem:$0x3FAE] =	sst s0  }
0x9: {  	[smem:$0x3FAF] =	sst s1  }
0xa: {  	[smem:$0x3FB0] =	sst s2  }
0xb: {  	[smem:$0x3FB1] =	sst s3  }
0xc: {  	[smem:$0x3FB2] =	sst s4  }
0xd: {  	[smem:$0x3FB3] =	sst s5  }
0xe: {  	[smem:$0x3FB4] =	sst s6  }
0xf: {  	[smem:$0x3FB5] =	sst s7  }
0x10: {  	[smem:$0x3FB6] =	sst s8  }
0x11: {  	[smem:$0x3FB7] =	sst s9;
	s0 =	simm.s32 @!p0 $0x0  }
0x12: {  	s1 =	sld [smem:$0x3F9D];
	s0 =	simm.s32 @p0 $0x1  }
0x13: {  	[smem:$0x3FB8] =	sst s0;
	s0 =	simm.s32 @!p1 $0x0  }
0x14: {  	s2 =	sld [smem:$0x3F9C];
	s0 =	simm.s32 @p1 $0x1  }
0x15: {  	[smem:$0x3FB9] =	sst s0;
	s0 =	simm.s32 @!p2 $0x0  }
0x16: {  	s3 =	sld [smem:$0x3FDB];
	s0 =	simm.s32 @p2 $0x1  }
0x17: {  	s4 =	simm.s32 $0x1BF5;
	[smem:$0x3FBB] =	sst s0  }
0x18: {  	s0 =	sld [smem:$0x3F9E];
	_ =	swait.ge [sflag:s4], $0x0  }
0x19: {  	s7 =	sld [smem:$0x3F9F]  }
0x1a: {  	s8 =	sadd.s32 $0xFFFFE003, lr  }
0x1b: {  	s9 =	sadd.s32 $0xFFFFFEF7, lr;
	s5 =	simm.s32 $0xFFFFFFFF;
	p2 =	slt.u32 s8, $0xFFFFF086  }
0x1c: {  	p1 =	slt.u32 s9, $0xF7A;
	s5 =	simm.s32 @!p2 $0x0  }
0x1d: {  	s5 =	simm.s32 @p1 $0x1;
	p0 =	seq.s32 s7, s2  }
0x1e: {  	s7 =	smul.u32 @!p0 $0xF7A, s2;
	p2 =	seq.s32 @!p0 s5, $0x0  }
0x1f: {  	s9 =	smul.u32 $0xF7A, s1;
	s8 =	simm.s32 @!p0 $0x1BF5;
	p2 =	por !p2, p0  }
0x20: {  	[sflag:s8] =	ssyncset.s32 @!p0 $0xFFFFF086;
	s6 =	sadd.s32 @!p0 s3, s7;
	s7 =	simm.s32 @!p0 $0x108  }
0x21: {  	s3 =	sadd.s32 s3, s9;
	s6 =	sadd.s32 @!p0 $0x88, s6;
	s7 =	simm.s32 @p2 $0x1082  }
0x22: {  	[simem:s7], [sflag:s8] =	dma.local @!p0 [hbm:s6], $0xF7A  }
0x23: {  	s9 =	sor.u32 $0xD0000000, s2;
	s6 =	simm.s32 $0x108;
	_ =	swait.ge @!p0 [sflag:s8], $0x0  }
0x24: {  	s3 =	sadd.s32 $0x88, s3;
	s6 =	simm.s32 @!p1 $0x1082;
	[sflag:s4] =	ssyncset.s32 $0xFFFFF086  }
0x25: {  	[simem:s6], [sflag:s4] =	dma.local [hbm:s3], $0xF7A  }
0x26: {  	[smem:$0x3F9F] =	sst s1;
	(tag) =	ssettag s2;
	_ =	strace s9  }
0x27: {  	s1 =	sld [smem:$0x3FAF]  }
0x28: {  	s2 =	sld [smem:$0x3FB0]  }
0x29: {  	s4 =	sld [smem:$0x3FB2]  }
0x2a: {  	p0 =	seq.s32 s5, $0x0;
	s5 =	sld [smem:$0x3FB3]  }
0x2b: {  	s6 =	sld [smem:$0x3FB4]  }
0x2c: {  	s7 =	sld [smem:$0x3FB5]  }
0x2d: {  	s3 =	simm.s32 $0x108;
	s8 =	sld [smem:$0x3FB6]  }
0x2e: {  	s3 =	simm.s32 @!p0 $0x1082;
	s9 =	sld [smem:$0x3FB7]  }
0x2f: {  	lr =	sadd.s32 s0, s3;
	s0 =	sld [smem:$0x3FAE]  }
0x30: {  	s3 =	sld [smem:$0x3FB1]  }
0x31: {  	[smem:$0x3FBA] =	sst s10  }
0x32: {  	s10 =	sld [smem:$0x3FB8];
	_ =	sdelay $0x3  }
0x33: {  	p0 =	seq.s32 s10, $0x1;
	s10 =	sld [smem:$0x3FBA];
	_ =	sdelay $0x3  }
0x34: {  	[smem:$0x3FBA] =	sst s10  }
0x35: {  	s10 =	sld [smem:$0x3FB9];
	_ =	sdelay $0x3  }
0x36: {  	p1 =	seq.s32 s10, $0x1;
	s10 =	sld [smem:$0x3FBA];
	_ =	sdelay $0x3  }
0x37: {  	[smem:$0x3FBA] =	sst s10  }
0x38: {  	s10 =	sld [smem:$0x3FBB]  }
0x39: {  	_ = 	snop;
	(pc) =	sbr.ind lr, $3  }
0x3a: {  	_ = 	snop  }
0x3b: {  	_ = 	snop  }
0x3c: {  	p2 =	seq.s32 s10, $0x1;
	s10 =	sld [smem:$0x3FBA]  }
0x3d: {  	_ =	shalt  }
0x3e: {  	_ =	shalt  }
0x3f: {  	_ =	shalt  }
0x40: {  	_ =	shalt  }
0x41: {  	_ =	shalt  }
0x42: {  	_ =	shalt  }
0x43: {  	_ =	shalt  }
0x44: {  	_ =	shalt  }
0x45: {  	_ =	shalt  }
0x46: {  	_ =	shalt  }
0x47: {  	_ =	shalt  }
0x48: {  	_ =	shalt  }
0x49: {  	_ =	shalt  }
0x4a: {  	_ =	shalt  }
0x4b: {  	_ =	shalt  }
0x4c: {  	_ =	shalt  }
0x4d: {  	_ =	shalt  }
0x4e: {  	_ =	shalt  }
0x4f: {  	_ =	shalt  }
0x50: {  	_ =	shalt  }
0x51: {  	_ =	shalt  }
0x52: {  	_ =	shalt  }
0x53: {  	_ =	shalt  }
0x54: {  	_ =	shalt  }
0x55: {  	_ =	shalt  }
0x56: {  	_ =	shalt  }
0x57: {  	_ =	shalt  }
0x58: {  	_ =	shalt  }
0x59: {  	_ =	shalt  }
0x5a: {  	_ =	shalt  }
0x5b: {  	_ =	shalt  }
0x5c: {  	_ =	shalt  }
0x5d: {  	_ =	shalt  }
0x5e: {  	_ =	shalt  }
0x5f: {  	_ =	shalt  }
0x60: {  	_ =	shalt  }
0x61: {  	_ =	shalt  }
0x62: {  	_ =	shalt  }
0x63: {  	_ =	shalt  }
0x64: {  	_ =	shalt  }
0x65: {  	_ =	shalt  }
0x66: {  	_ =	shalt  }
0x67: {  	_ =	shalt  }
0x68: {  	_ =	shalt  }
0x69: {  	_ =	shalt  }
0x6a: {  	_ =	shalt  }
0x6b: {  	_ =	shalt  }
0x6c: {  	_ =	shalt  }
0x6d: {  	_ =	shalt  }
0x6e: {  	_ =	shalt  }
0x6f: {  	_ =	shalt  }
0x70: {  	_ =	shalt  }
0x71: {  	_ =	shalt  }
0x72: {  	_ =	shalt  }
0x73: {  	_ =	shalt  }
0x74: {  	_ =	shalt  }
0x75: {  	_ =	shalt  }
0x76: {  	_ =	shalt  }
0x77: {  	_ =	shalt  }
0x78: {  	_ =	shalt  }
0x79: {  	_ =	shalt  }
0x7a: {  	_ =	shalt  }
0x7b: {  	_ =	shalt  }
0x7c: {  	_ =	shalt  }
0x7d: {  	_ =	shalt  }
0x7e: {  	_ =	shalt  }
0x7f: {  	_ =	shalt  }
0x80: {  	_ =	shalt  }
0x81: {  	_ =	shalt  }
0x82: {  	_ =	shalt  }
0x83: {  	_ =	shalt  }
0x84: {  	_ =	shalt  }
0x85: {  	_ =	shalt  }
0x86: {  	_ =	shalt  }
0x87: {  	_ =	shalt  }
.Lfunc_end0:
.L_simem_size_0:
called_computation.2_lowered:
.L_overlay_start_0:
0x88: {  	s2 =	sld [smem:$0x3FD9]  }
0x89: {  	s3 =	sld [smem:$0x3FFE];
	_ =	sdelay $0x1  }
0x8a: {  	s1 =	srdreg.scid  }
0x8b: {  	s0 =	sand.u32 $0x1, s1  }
0x8c: {  	s17 =	sshll.u32 s0, $0xA;
	s2 =	sadd.s32 s3, s2  }
0x8d: {  	s2 =	sadd.s32 s2, s17  }
0x8e: {  	[smem:$0x3FC6] =	sst s2  }
0x8f: {  	_ = 	snop  }
0x90: {  	s2 =	sld [smem:$0x3FD0];
	(tm) =	ssettm $0x1  }
0x91: {  	s18 =	sld [smem:$0x3FFB];
	_ =	sdelay $0x3  }
0x92: {  	_ =	strace s18  }
0x93: {  	s3 =	sld [smem:$0x3FFC];
	_ =	sdelay $0x3  }
0x94: {  	_ =	strace s3  }
0x95: {  	s3 =	sld [smem:$0x3FFD];
	_ =	sdelay $0x3  }
0x96: {  	_ =	strace s3  }
0x97: {  	_ =	strace $0x8FFFFFFF  }
0x98: {  	s19 =	sld [smem:$0x3FDB];
	_ =	sdelay $0x1  }
0x99: {  	s4 =	simm.s32 $_scs_section_size  }
0x9a: {  	s5 =	simm.s32 $_size__tile_overlayer_lowered;
	s6 =	simm.s32 $_tile_overlayer_lowered  }
0x9b: {  	s22 =	simm.s32 $0x1BFF;
	s21 =	sshll.u32 s6, $0x1;
	s3 =	sadd.s32 s4, s19  }
0x9c: {  	s7 =	simm.s32 $0x0;
	s20 =	sshll.u32 s5, $0x1;
	s5 =	sadd.s32 s21, s3  }
0x9d: {  	[timem:s7], [sflag:s22] =	dma.local [hbm:s5], s20  }
0x9e: {  	_ =	swait.ge [sflag:s22], s20  }
0x9f: {  	s4 =	ssub.s32 $0x0, s20;
	[sflag:s22] =	ssyncset.done $0x0  }
0xa0: {  	[sflag:s22] =	ssyncadd.s32 s4;
	_ =	sdelay $0x1  }
0xa1: {  	s23 =	simm.s32 $0x1B8B  }
0xa2: {  	_ =	swait.ge [sflag:s23], $0x1  }
0xa3: {  	[sflag:s23] =	ssyncset.done $0x0  }
0xa4: {  	s25 =	simm.s32 $0x1B8E;
	s24 =	sld [smem:$0x3FFE];
	[sflag:s23] =	ssyncadd.s32 $0xFFFFFFFF  }
0xa5: {  	s26 =	simm.s32 $execute0_lowered;
	[smem:$0x3FD2] =	sst s25  }
0xa6: {  	s5 =	sshll.u32 s26, $0x1;
	_ =	strace $0x80000049;
	[dreg:$0x1] =	wrdreg $0xFFFFFFFF  }
0xa7: {  	s28 =	simm.s32 $_size_execute0_lowered;
	s3 =	sadd.s32 s3, s5;
	[dreg:$0x0] =	wrdreg $0x0  }
0xa8: {  	s5 =	sshll.u32 s28, $0x1;
	[dreg:$0x2] =	wrdreg s3  }
0xa9: {  	[dreg:$0x3] =	wrdreg s5  }
0xaa: {  	[dreg:$0x4] =	wrdreg $0xC0  }
0xab: {  	_ =	task [dreg:s7], $0x5FFFF  }
0xac: {  	[dreg:$0x1] =	wrdreg $0xFFFFFFFF  }
0xad: {  	[dreg:$0x0] =	wrdreg $0x60  }
0xae: {  	[dreg:$0x2] =	wrdreg s24  }
0xaf: {  	[dreg:$0x3] =	wrdreg s2  }
0xb0: {  	[dreg:$0x4] =	wrdreg $0x9  }
0xb1: {  	_ =	task.clear_ibuf [dreg:s7], $0x5FFFF;
	_ =	strace $0x90000049  }
0xb2: {  	s29 =	simm.s32 $0x9;
	_ =	strace $0x8000004B  }
0xb3: {  	_ =	swait.ge [sflag:s29], $0x1  }
0xb4: {  	[sflag:s29] =	ssyncadd.s32 $0xFFFFFFFF  }
0xb5: {  	_ =	strace $0x9000004B  }
0xb6: {  	_ =	sfence  }
0xb7: {  	s30 =	sld [smem:$0x0];
	_ =	sdelay $0x2  }
0xb8: {  	s31 =	sshll.u32 s1, $0xD;
	s1 =	sshrl.u32 s1, $0x2  }
0xb9: {  	s3 =	sand.u32 $0x4000, s31;
	s1 =	sadd.s32 s1, s30  }
0xba: {  	s0 =	sor.u32 s3, s0;
	s1 =	sshll.u32 s1, $0x11  }
0xbb: {  	s0 =	sor.u32 s1, s0  }
0xbc: {  	s0 =	sadd.s32 $0x8F2B, s0  }
0xbd: {  	[sflag:s0] =	ssyncadd.remote.s32 $0x1  }
0xbe: {  	_ =	sfence.sel $0xFFFF  }
0xbf: {  	[dreg:$0x0] =	wrdreg $0xFFFFFFFF;
	(pc) =	sbr.abs _section_cstart, $3  }
0xc0: {  	[dreg:$0x1] =	wrdreg $0xFFFFFFFF  }
0xc1: {  	_ =	task.clear_ibuf [dreg:s7], $0x2FFFF;
	_ =	strace $0x9FFFFFFF  }
0xc2: {  	(tm) =	ssettm $0x7FFFFFFF  }
0xc3: {  	_ =	shalt  }
tec
execute0_lowered:
.L_overlay_start_1:
0x0: {  	(tag) =	ssettag $0x1  }
0x1: {  	s1 =	srdreg.scid;
	s0 =	stileid.u32  }
0x2: {  	s30 =	sand.u32 $0x1, s1;
	s26 =	sshll.u32 s0, $0x1  }
0x3: {  	s15 =	sor.u32 s30, s26  }
0x4: {  	s3 =	smul.u32 $0x500, s15  }
0x5: {  	s4 =	rddreg [dreg:$0x0]  }
0x6: {  	s16 =	rddreg [dreg:$0x1];
	s2 =	simm.s32 $0x0;
	s3 =	sadd.s32 s3, s4  }
0x7: {  	[smem:$0x7FF] =	sst s2;
	s3 =	sadd.s32 $0x3D1800, s3  }
0x8: {  	_ =	strace $0x8000004A;
	[dreg:$0x3] =	wrdreg s3  }
0x9: {  	s3 =	simm.s32 $0x5;
	s5 =	rddreg [dreg:$0x3]  }
0xa: {  	[tilespmem:s2], [sflag:$0x5] =	stream.linear.gather [hbm4b:s5+s2], $0x2800, $0x38;
	[tilespmem:$0x12800] =	vst v63  }
0xb: {  	_ =	swait.ge [sflag:s3], $0x2800  }
0xc: {  	s6 =	simm.s32 $0x2800;
	[sflag:s3] =	ssyncset.done $0x0  }
0xd: {  	s4 =	sadd.s32 $0xE00, s4;
	s5 =	simm.s32 $0x400;
	[sflag:s3] =	ssyncadd.s32 $0xFFFFD800  }
0xe: {  	[tilespmem:s6], [sflag:$0x1] =	stream.indirect.gather [hbm4b:s4+s5], $0x20, s2, s5, $0xb8;
	[tilespmem:$0x12800] =	vst v63  }
0xf: {  	s7 =	simm.s32 $0xA800;
	s8 =	simm.s32 $0x1  }
0x10: {  	[tilespmem:s7], [sflag:$0x2] =	stream.indirect.gather [hbm4b:s4+s5], $0x20, s5, s5, $0xb8;
	[tilespmem:$0x12800] =	vst v63  }
0x11: {  	s9 =	smul.u32 $0xA000, s15;
	_ =	swait.ge [sflag:s8], $0x8000  }
0x12: {  	[sflag:s8] =	ssyncset.done $0x0  }
0x13: {  	s10 =	simm.s32 $0x3;
	s9 =	sadd.s32 s16, s9;
	[sflag:s8] =	ssyncadd.s32 $0xFFFF8000  }
0x14: {  	[hbm4b:s9+s2] =	stream.linear.scatter [tilespmem:s6], [sflag:$0x3], $0x8000, $0x38;
	[tilespmem:$0x12800] =	vst v63  }
0x15: {  	_ =	swait.ge [sflag:s10], $0x8000  }
0x16: {  	[sflag:s10] =	ssyncset.done $0x0  }
0x17: {  	s11 =	simm.s32 $0x800;
	s12 =	simm.s32 $0x2;
	[sflag:s10] =	ssyncadd.s32 $0xFFFF8000  }
0x18: {  	[tilespmem:s6], [sflag:$0x1] =	stream.indirect.gather [hbm4b:s4+s5], $0x20, s11, s5, $0xb8;
	[tilespmem:$0x12800] =	vst v63  }
0x19: {  	_ =	swait.ge [sflag:s12], $0x8000  }
0x1a: {  	[sflag:s12] =	ssyncset.done $0x0  }
0x1b: {  	s13 =	simm.s32 $0x4;
	s14 =	sadd.s32 $0x1000, s9;
	[sflag:s12] =	ssyncadd.s32 $0xFFFF8000  }
0x1c: {  	[hbm4b:s14+s2] =	stream.linear.scatter [tilespmem:s7], [sflag:$0x4], $0x8000, $0x38;
	[tilespmem:$0x12800] =	vst v63  }
0x1d: {  	_ =	swait.ge [sflag:s13], $0x8000  }
0x1e: {  	[sflag:s13] =	ssyncset.done $0x0  }
0x1f: {  	s17 =	smul.u32 $0x50000, s15;
	s15 =	simm.s32 $0xC00;
	[sflag:s13] =	ssyncadd.s32 $0xFFFF8000  }
0x20: {  	[tilespmem:s7], [sflag:$0x2] =	stream.indirect.gather [hbm4b:s4+s5], $0x20, s15, s5, $0xb8;
	[tilespmem:$0x12800] =	vst v63  }
0x21: {  	s17 =	sshrl.u32 s17, $0x3;
	_ =	swait.ge [sflag:s8], $0x8000  }
0x22: {  	s31 =	sadd.s32 s16, s17;
	[sflag:s8] =	ssyncset.done $0x0  }
0x23: {  	s16 =	sadd.s32 $0x2000, s31;
	[sflag:s8] =	ssyncadd.s32 $0xFFFF8000  }
0x24: {  	[hbm4b:s16+s2] =	stream.linear.scatter [tilespmem:s6], [sflag:$0x3], $0x8000, $0x38;
	[tilespmem:$0x12800] =	vst v63  }
0x25: {  	_ =	swait.ge [sflag:s10], $0x8000  }
0x26: {  	[sflag:s10] =	ssyncset.done $0x0  }
0x27: {  	s17 =	simm.s32 $0x1000;
	[sflag:s10] =	ssyncadd.s32 $0xFFFF8000  }
0x28: {  	[tilespmem:s6], [sflag:$0x1] =	stream.indirect.gather [hbm4b:s4+s5], $0x20, s17, s5, $0xb8;
	[tilespmem:$0x12800] =	vst v63  }
0x29: {  	_ =	swait.ge [sflag:s12], $0x8000  }
0x2a: {  	[sflag:s12] =	ssyncset.done $0x0  }
0x2b: {  	s18 =	sadd.s32 $0x3000, s31;
	[sflag:s12] =	ssyncadd.s32 $0xFFFF8000  }
0x2c: {  	[hbm4b:s18+s2] =	stream.linear.scatter [tilespmem:s7], [sflag:$0x4], $0x8000, $0x38;
	[tilespmem:$0x12800] =	vst v63  }
0x2d: {  	_ =	swait.ge [sflag:s13], $0x8000  }
0x2e: {  	[sflag:s13] =	ssyncset.done $0x0  }
0x2f: {  	s19 =	simm.s32 $0x1400;
	[sflag:s13] =	ssyncadd.s32 $0xFFFF8000  }
0x30: {  	[tilespmem:s7], [sflag:$0x2] =	stream.indirect.gather [hbm4b:s4+s5], $0x20, s19, s5, $0xb8;
	[tilespmem:$0x12800] =	vst v63  }
0x31: {  	_ =	swait.ge [sflag:s8], $0x8000  }
0x32: {  	[sflag:s8] =	ssyncset.done $0x0  }
0x33: {  	s20 =	sadd.s32 $0x4000, s31;
	[sflag:s8] =	ssyncadd.s32 $0xFFFF8000  }
0x34: {  	[hbm4b:s20+s2] =	stream.linear.scatter [tilespmem:s6], [sflag:$0x3], $0x8000, $0x38;
	[tilespmem:$0x12800] =	vst v63  }
0x35: {  	_ =	swait.ge [sflag:s10], $0x8000  }
0x36: {  	[sflag:s10] =	ssyncset.done $0x0  }
0x37: {  	s21 =	simm.s32 $0x1800;
	[sflag:s10] =	ssyncadd.s32 $0xFFFF8000  }
0x38: {  	[tilespmem:s6], [sflag:$0x1] =	stream.indirect.gather [hbm4b:s4+s5], $0x20, s21, s5, $0xb8;
	[tilespmem:$0x12800] =	vst v63  }
0x39: {  	_ =	swait.ge [sflag:s12], $0x8000  }
0x3a: {  	[sflag:s12] =	ssyncset.done $0x0  }
0x3b: {  	s22 =	sadd.s32 $0x5000, s31;
	[sflag:s12] =	ssyncadd.s32 $0xFFFF8000  }
0x3c: {  	[hbm4b:s22+s2] =	stream.linear.scatter [tilespmem:s7], [sflag:$0x4], $0x8000, $0x38;
	[tilespmem:$0x12800] =	vst v63  }
0x3d: {  	_ =	swait.ge [sflag:s13], $0x8000  }
0x3e: {  	[sflag:s13] =	ssyncset.done $0x0  }
0x3f: {  	s23 =	simm.s32 $0x1C00;
	[sflag:s13] =	ssyncadd.s32 $0xFFFF8000  }
0x40: {  	[tilespmem:s7], [sflag:$0x2] =	stream.indirect.gather [hbm4b:s4+s5], $0x20, s23, s5, $0xb8;
	[tilespmem:$0x12800] =	vst v63  }
0x41: {  	_ =	swait.ge [sflag:s8], $0x8000  }
0x42: {  	[sflag:s8] =	ssyncset.done $0x0  }
0x43: {  	s24 =	sadd.s32 $0x6000, s31;
	[sflag:s8] =	ssyncadd.s32 $0xFFFF8000  }
0x44: {  	[hbm4b:s24+s2] =	stream.linear.scatter [tilespmem:s6], [sflag:$0x3], $0x8000, $0x38;
	[tilespmem:$0x12800] =	vst v63  }
0x45: {  	_ =	swait.ge [sflag:s10], $0x8000  }
0x46: {  	[sflag:s10] =	ssyncset.done $0x0  }
0x47: {  	s25 =	simm.s32 $0x2000;
	[sflag:s10] =	ssyncadd.s32 $0xFFFF8000  }
0x48: {  	[tilespmem:s6], [sflag:$0x1] =	stream.indirect.gather [hbm4b:s4+s5], $0x20, s25, s5, $0xb8;
	[tilespmem:$0x12800] =	vst v63  }
0x49: {  	_ =	swait.ge [sflag:s12], $0x8000  }
0x4a: {  	[sflag:s12] =	ssyncset.done $0x0  }
0x4b: {  	s26 =	sadd.s32 $0x7000, s31;
	[sflag:s12] =	ssyncadd.s32 $0xFFFF8000  }
0x4c: {  	[hbm4b:s26+s2] =	stream.linear.scatter [tilespmem:s7], [sflag:$0x4], $0x8000, $0x38;
	[tilespmem:$0x12800] =	vst v63  }
0x4d: {  	_ =	swait.ge [sflag:s13], $0x8000  }
0x4e: {  	[sflag:s13] =	ssyncset.done $0x0  }
0x4f: {  	s28 =	simm.s32 $0x2400;
	[sflag:s13] =	ssyncadd.s32 $0xFFFF8000  }
0x50: {  	[tilespmem:s7], [sflag:$0x2] =	stream.indirect.gather [hbm4b:s4+s5], $0x20, s28, s5, $0xb8;
	[tilespmem:$0x12800] =	vst v63  }
0x51: {  	_ =	swait.ge [sflag:s8], $0x8000  }
0x52: {  	s1 =	ssub.s32 $0x2, s30;
	s29 =	sadd.s32 $0x8000, s31;
	[sflag:s8] =	ssyncset.done $0x0  }
0x53: {  	s30 =	sadd.s32 $0x9000, s31;
	s31 =	sshrl.u32 s1, $0x1;
	[sflag:s8] =	ssyncadd.s32 $0xFFFF8000  }
0x54: {  	[hbm4b:s29+s2] =	stream.linear.scatter [tilespmem:s6], [sflag:$0x3], $0x8000, $0x38;
	[tilespmem:$0x12800] =	vst v63  }
0x55: {  	s1 =	ssub.s32 s1, s31;
	_ =	swait.ge [sflag:s12], $0x8000  }
0x56: {  	s1 =	smax.u32 s1, $0x1;
	[sflag:s12] =	ssyncset.done $0x0  }
0x57: {  	p0 =	sne.s32 s1, $0x1;
	[sflag:s12] =	ssyncadd.s32 $0xFFFF8000  }
0x58: {  	[hbm4b:s30+s2] =	stream.linear.scatter [tilespmem:s7], [sflag:$0x4], $0x8000, $0x38;
	[tilespmem:$0x12800] =	vst v63  }
.Ltmp0:
0x59: {  	_ =	swait.ge [sflag:s10], $0x8000;
	(pc) =	sbr.rel @!p0 .LBB2_2-.Ltmp0, $4  }
0x5a: {  	[sflag:s10] =	ssyncset.done $0x0  }
0x5b: {  	[sflag:s10] =	ssyncadd.s32 $0xFFFF8000  }
0x5c: {  	_ =	swait.ge [sflag:s13], $0x8000  }
0x5d: {  	s31 =	sadd.s32 $0xFFFFFFFF, s1;
	[sflag:s13] =	ssyncset.done $0x0  }
.LBB2_1:
0x5e: {  	s1 =	rddreg [dreg:$0x3];
	[sflag:s13] =	ssyncadd.s32 $0xFFFF8000  }
0x5f: {  	[tilespmem:s2], [sflag:$0x5] =	stream.linear.gather [hbm4b:s1+s2], $0x2800, $0x38;
	[tilespmem:$0x12800] =	vst v63  }
0x60: {  	_ =	swait.ge [sflag:s3], $0x2800  }
0x61: {  	[sflag:s3] =	ssyncset.done $0x0  }
0x62: {  	[sflag:s3] =	ssyncadd.s32 $0xFFFFD800  }
0x63: {  	[tilespmem:s6], [sflag:$0x1] =	stream.indirect.gather [hbm4b:s4+s5], $0x20, s2, s5, $0xb8;
	[tilespmem:$0x12800] =	vst v63  }
0x64: {  	_ = 	snop  }
0x65: {  	[tilespmem:s7], [sflag:$0x2] =	stream.indirect.gather [hbm4b:s4+s5], $0x20, s5, s5, $0xb8;
	[tilespmem:$0x12800] =	vst v63  }
0x66: {  	_ =	swait.ge [sflag:s8], $0x8000  }
0x67: {  	[sflag:s8] =	ssyncset.done $0x0  }
0x68: {  	[sflag:s8] =	ssyncadd.s32 $0xFFFF8000  }
0x69: {  	[hbm4b:s9+s2] =	stream.linear.scatter [tilespmem:s6], [sflag:$0x3], $0x8000, $0x38;
	[tilespmem:$0x12800] =	vst v63  }
0x6a: {  	_ =	swait.ge [sflag:s10], $0x8000  }
0x6b: {  	[sflag:s10] =	ssyncset.done $0x0  }
0x6c: {  	[sflag:s10] =	ssyncadd.s32 $0xFFFF8000  }
0x6d: {  	[tilespmem:s6], [sflag:$0x1] =	stream.indirect.gather [hbm4b:s4+s5], $0x20, s11, s5, $0xb8;
	[tilespmem:$0x12800] =	vst v63  }
0x6e: {  	_ =	swait.ge [sflag:s12], $0x8000  }
0x6f: {  	[sflag:s12] =	ssyncset.done $0x0  }
0x70: {  	[sflag:s12] =	ssyncadd.s32 $0xFFFF8000  }
0x71: {  	[hbm4b:s14+s2] =	stream.linear.scatter [tilespmem:s7], [sflag:$0x4], $0x8000, $0x38;
	[tilespmem:$0x12800] =	vst v63  }
0x72: {  	_ =	swait.ge [sflag:s13], $0x8000  }
0x73: {  	[sflag:s13] =	ssyncset.done $0x0  }
0x74: {  	[sflag:s13] =	ssyncadd.s32 $0xFFFF8000  }
0x75: {  	[tilespmem:s7], [sflag:$0x2] =	stream.indirect.gather [hbm4b:s4+s5], $0x20, s15, s5, $0xb8;
	[tilespmem:$0x12800] =	vst v63  }
0x76: {  	_ =	swait.ge [sflag:s8], $0x8000  }
0x77: {  	[sflag:s8] =	ssyncset.done $0x0  }
0x78: {  	[sflag:s8] =	ssyncadd.s32 $0xFFFF8000  }
0x79: {  	[hbm4b:s16+s2] =	stream.linear.scatter [tilespmem:s6], [sflag:$0x3], $0x8000, $0x38;
	[tilespmem:$0x12800] =	vst v63  }
0x7a: {  	_ =	swait.ge [sflag:s10], $0x8000  }
0x7b: {  	[sflag:s10] =	ssyncset.done $0x0  }
0x7c: {  	[sflag:s10] =	ssyncadd.s32 $0xFFFF8000  }
0x7d: {  	[tilespmem:s6], [sflag:$0x1] =	stream.indirect.gather [hbm4b:s4+s5], $0x20, s17, s5, $0xb8;
	[tilespmem:$0x12800] =	vst v63  }
0x7e: {  	_ =	swait.ge [sflag:s12], $0x8000  }
0x7f: {  	[sflag:s12] =	ssyncset.done $0x0  }
0x80: {  	[sflag:s12] =	ssyncadd.s32 $0xFFFF8000  }
0x81: {  	[hbm4b:s18+s2] =	stream.linear.scatter [tilespmem:s7], [sflag:$0x4], $0x8000, $0x38;
	[tilespmem:$0x12800] =	vst v63  }
0x82: {  	_ =	swait.ge [sflag:s13], $0x8000  }
0x83: {  	[sflag:s13] =	ssyncset.done $0x0  }
0x84: {  	[sflag:s13] =	ssyncadd.s32 $0xFFFF8000  }
0x85: {  	[tilespmem:s7], [sflag:$0x2] =	stream.indirect.gather [hbm4b:s4+s5], $0x20, s19, s5, $0xb8;
	[tilespmem:$0x12800] =	vst v63  }
0x86: {  	_ =	swait.ge [sflag:s8], $0x8000  }
0x87: {  	[sflag:s8] =	ssyncset.done $0x0  }
0x88: {  	[sflag:s8] =	ssyncadd.s32 $0xFFFF8000  }
0x89: {  	[hbm4b:s20+s2] =	stream.linear.scatter [tilespmem:s6], [sflag:$0x3], $0x8000, $0x38;
	[tilespmem:$0x12800] =	vst v63  }
0x8a: {  	_ =	swait.ge [sflag:s10], $0x8000  }
0x8b: {  	[sflag:s10] =	ssyncset.done $0x0  }
0x8c: {  	[sflag:s10] =	ssyncadd.s32 $0xFFFF8000  }
0x8d: {  	[tilespmem:s6], [sflag:$0x1] =	stream.indirect.gather [hbm4b:s4+s5], $0x20, s21, s5, $0xb8;
	[tilespmem:$0x12800] =	vst v63  }
0x8e: {  	_ =	swait.ge [sflag:s12], $0x8000  }
0x8f: {  	[sflag:s12] =	ssyncset.done $0x0  }
0x90: {  	[sflag:s12] =	ssyncadd.s32 $0xFFFF8000  }
0x91: {  	[hbm4b:s22+s2] =	stream.linear.scatter [tilespmem:s7], [sflag:$0x4], $0x8000, $0x38;
	[tilespmem:$0x12800] =	vst v63  }
0x92: {  	_ =	swait.ge [sflag:s13], $0x8000  }
0x93: {  	[sflag:s13] =	ssyncset.done $0x0  }
0x94: {  	[sflag:s13] =	ssyncadd.s32 $0xFFFF8000  }
0x95: {  	[tilespmem:s7], [sflag:$0x2] =	stream.indirect.gather [hbm4b:s4+s5], $0x20, s23, s5, $0xb8;
	[tilespmem:$0x12800] =	vst v63  }
0x96: {  	_ =	swait.ge [sflag:s8], $0x8000  }
0x97: {  	[sflag:s8] =	ssyncset.done $0x0  }
0x98: {  	[sflag:s8] =	ssyncadd.s32 $0xFFFF8000  }
0x99: {  	[hbm4b:s24+s2] =	stream.linear.scatter [tilespmem:s6], [sflag:$0x3], $0x8000, $0x38;
	[tilespmem:$0x12800] =	vst v63  }
0x9a: {  	_ =	swait.ge [sflag:s10], $0x8000  }
0x9b: {  	[sflag:s10] =	ssyncset.done $0x0  }
0x9c: {  	[sflag:s10] =	ssyncadd.s32 $0xFFFF8000  }
0x9d: {  	[tilespmem:s6], [sflag:$0x1] =	stream.indirect.gather [hbm4b:s4+s5], $0x20, s25, s5, $0xb8;
	[tilespmem:$0x12800] =	vst v63  }
0x9e: {  	_ =	swait.ge [sflag:s12], $0x8000  }
0x9f: {  	[sflag:s12] =	ssyncset.done $0x0  }
0xa0: {  	[sflag:s12] =	ssyncadd.s32 $0xFFFF8000  }
0xa1: {  	[hbm4b:s26+s2] =	stream.linear.scatter [tilespmem:s7], [sflag:$0x4], $0x8000, $0x38;
	[tilespmem:$0x12800] =	vst v63  }
0xa2: {  	_ =	swait.ge [sflag:s13], $0x8000  }
0xa3: {  	[sflag:s13] =	ssyncset.done $0x0  }
0xa4: {  	[sflag:s13] =	ssyncadd.s32 $0xFFFF8000  }
0xa5: {  	[tilespmem:s7], [sflag:$0x2] =	stream.indirect.gather [hbm4b:s4+s5], $0x20, s28, s5, $0xb8;
	[tilespmem:$0x12800] =	vst v63  }
0xa6: {  	_ =	swait.ge [sflag:s8], $0x8000  }
0xa7: {  	[sflag:s8] =	ssyncset.done $0x0  }
0xa8: {  	[sflag:s8] =	ssyncadd.s32 $0xFFFF8000  }
0xa9: {  	[hbm4b:s29+s2] =	stream.linear.scatter [tilespmem:s6], [sflag:$0x3], $0x8000, $0x38;
	[tilespmem:$0x12800] =	vst v63  }
0xaa: {  	_ =	swait.ge [sflag:s12], $0x8000  }
0xab: {  	[sflag:s12] =	ssyncset.done $0x0  }
0xac: {  	p0 =	sne.s32 s31, $0x1;
	[sflag:s12] =	ssyncadd.s32 $0xFFFF8000  }
0xad: {  	[hbm4b:s30+s2] =	stream.linear.scatter [tilespmem:s7], [sflag:$0x4], $0x8000, $0x38;
	[tilespmem:$0x12800] =	vst v63  }
.Ltmp1:
0xae: {  	_ =	swait.ge [sflag:s10], $0x8000;
	(pc) =	sbr.rel @p0 .LBB2_1-.Ltmp1, $4  }
0xaf: {  	[sflag:s10] =	ssyncset.done $0x0  }
0xb0: {  	[sflag:s10] =	ssyncadd.s32 $0xFFFF8000  }
0xb1: {  	_ =	swait.ge [sflag:s13], $0x8000  }
0xb2: {  	s31 =	sadd.s32 $0xFFFFFFFF, s31;
	[sflag:s13] =	ssyncset.done $0x0  }
.LBB2_2:
0xb3: {  	[sflag:s13] =	ssyncadd.s32 $0xFFFF8000  }
0xb4: {  	_ =	sfence.sel $0x180000  }
0xb5: {  	[bflag:$0x0] =	sbarrier.arrive $0xFFFF  }
0xb6: {  	_ =	strace $0x9000004A  }
0xb7: {  	[bflag:$0x2] =	sbarrier.arrive $0xFFFF  }
0xb8: {  	p0 =	sne.s32 s0, $0x0;
	s0 =	rddreg [dreg:$0x2]  }
0xb9: {  	s0 =	sadd.s32 @!p0 $0x100000, s0  }
0xba: {  	[sflag:s0] =	ssyncadd.tile.s32 @!p0 $0x1;
	_ =	shalt  }
.Lfunc_end2:
_tile_overlayer_lowered:
.L_overlay_start_2:
0xbb: {  	(tag) =	ssettag $0x2  }
0xbc: {  	s0 =	rddreg [dreg:$0x0];
	s2 =	stileid.u32  }
0xbd: {  	s1 =	rddreg [dreg:$0x1];
	p0 =	sne.s32 s2, $0x0  }
0xbe: {  	s3 =	rddreg [dreg:$0x2];
	[bflag:$0x3] =	sbarrier.arrive $0xFFFF;
	s2 =	simm.s32 @!p0 $0x1C05  }
0xbf: {  	[timem:s3], [sflag:s2] =	dma.local @!p0 [hbm:s0], s1  }
0xc0: {  	s0 =	simm.s32 @!p0 $0x5  }
0xc1: {  	_ =	swait.ge @!p0 [sflag:s0], s1  }
0xc2: {  	s1 =	ssub.s32 @!p0 $0x0, s1;
	[sflag:s0] =	ssyncset.done @!p0 $0x0  }
0xc3: {  	[sflag:s0] =	ssyncadd.s32 @!p0 s1  }
0xc4: {  	[bflag:$0x3] =	sbarrier.arrive $0xFFFF  }
0xc5: {  	_ =	shalt  }

// kernel: sparse-core-data-format-call.cloned.1.call-start
scs
called_computation_lowered:
.L_overlay_start_0:
0x0: {  	s2 =	sld [smem:$0x3FD9]  }
0x1: {  	s3 =	sld [smem:$0x3FFE];
	_ =	sdelay $0x1  }
0x2: {  	s1 =	srdreg.scid  }
0x3: {  	s0 =	sand.u32 $0x1, s1  }
0x4: {  	s18 =	sshll.u32 s0, $0xA;
	s2 =	sadd.s32 s3, s2  }
0x5: {  	s2 =	sadd.s32 s2, s18  }
0x6: {  	[smem:$0x3FC6] =	sst s2  }
0x7: {  	_ = 	snop  }
0x8: {  	s2 =	sld [smem:$0x3FD0];
	(tm) =	ssettm $0x1  }
0x9: {  	s19 =	sld [smem:$0x3FFB];
	_ =	sdelay $0x3  }
0xa: {  	_ =	strace s19  }
0xb: {  	s3 =	sld [smem:$0x3FFC];
	_ =	sdelay $0x3  }
0xc: {  	_ =	strace s3  }
0xd: {  	s3 =	sld [smem:$0x3FFD];
	_ =	sdelay $0x3  }
0xe: {  	_ =	strace s3  }
0xf: {  	_ =	strace $0x8FFFFFFF  }
0x10: {  	s20 =	sld [smem:$0x3FDB];
	_ =	sdelay $0x1  }
0x11: {  	s4 =	simm.s32 $_scs_section_size  }
0x12: {  	s5 =	simm.s32 $_size__tile_overlayer_lowered;
	s6 =	simm.s32 $_tile_overlayer_lowered  }
0x13: {  	s23 =	simm.s32 $0x1BFF;
	s22 =	sshll.u32 s6, $0x1;
	s3 =	sadd.s32 s4, s20  }
0x14: {  	s7 =	simm.s32 $0x0;
	s21 =	sshll.u32 s5, $0x1;
	s5 =	sadd.s32 s22, s3  }
0x15: {  	[timem:s7], [sflag:s23] =	dma.local [hbm:s5], s21  }
0x16: {  	_ =	swait.ge [sflag:s23], s21  }
0x17: {  	s4 =	ssub.s32 $0x0, s21;
	[sflag:s23] =	ssyncset.done $0x0  }
0x18: {  	[sflag:s23] =	ssyncadd.s32 s4;
	_ =	sdelay $0x1  }
0x19: {  	s24 =	simm.s32 $0x1B8B  }
0x1a: {  	_ =	swait.ge [sflag:s24], $0x1  }
0x1b: {  	[sflag:s24] =	ssyncset.done $0x0  }
0x1c: {  	s26 =	simm.s32 $0x1B8E;
	s25 =	sld [smem:$0x3FFE];
	[sflag:s24] =	ssyncadd.s32 $0xFFFFFFFF  }
0x1d: {  	s27 =	simm.s32 $execute0_lowered;
	[smem:$0x3FD2] =	sst s26  }
0x1e: {  	s5 =	sshll.u32 s27, $0x1;
	_ =	strace $0x8000004C;
	[dreg:$0x1] =	wrdreg $0xFFFFFFFF  }
0x1f: {  	s28 =	simm.s32 $_size_execute0_lowered;
	s3 =	sadd.s32 s3, s5;
	[dreg:$0x0] =	wrdreg $0x0  }
0x20: {  	s5 =	sshll.u32 s28, $0x1;
	[dreg:$0x2] =	wrdreg s3  }
0x21: {  	[dreg:$0x3] =	wrdreg s5  }
0x22: {  	[dreg:$0x4] =	wrdreg $0xC0  }
0x23: {  	_ =	task [dreg:s7], $0x5FFFF  }
0x24: {  	[dreg:$0x1] =	wrdreg $0xFFFFFFFF  }
0x25: {  	[dreg:$0x0] =	wrdreg $0x60  }
0x26: {  	[dreg:$0x2] =	wrdreg s25  }
0x27: {  	[dreg:$0x3] =	wrdreg s2  }
0x28: {  	[dreg:$0x4] =	wrdreg $0x9  }
0x29: {  	_ =	task.clear_ibuf [dreg:s7], $0x5FFFF;
	_ =	strace $0x9000004C  }
0x2a: {  	s29 =	simm.s32 $0x9;
	_ =	strace $0x8000004E  }
0x2b: {  	_ =	swait.ge [sflag:s29], $0x1  }
0x2c: {  	[sflag:s29] =	ssyncadd.s32 $0xFFFFFFFF  }
0x2d: {  	_ =	strace $0x9000004E  }
0x2e: {  	_ =	sfence  }
0x2f: {  	s30 =	sld [smem:$0x0];
	_ =	sdelay $0x2  }
0x30: {  	s31 =	sshll.u32 s1, $0xD;
	s1 =	sshrl.u32 s1, $0x2  }
0x31: {  	s3 =	sand.u32 $0x4000, s31;
	s1 =	sadd.s32 s1, s30  }
0x32: {  	s0 =	sor.u32 s3, s0;
	s1 =	sshll.u32 s1, $0x11  }
0x33: {  	s0 =	sor.u32 s1, s0  }
0x34: {  	s0 =	sadd.s32 $0x8F2B, s0  }
0x35: {  	[sflag:s0] =	ssyncadd.remote.s32 $0x1  }
0x36: {  	_ =	sfence.sel $0xFFFF  }
0x37: {  	[dreg:$0x0] =	wrdreg $0xFFFFFFFF;
	(pc) =	sbr.abs _section_cstart, $3  }
0x38: {  	[dreg:$0x1] =	wrdreg $0xFFFFFFFF  }
0x39: {  	_ =	task.clear_ibuf [dreg:s7], $0x2FFFF;
	_ =	strace $0x9FFFFFFF  }
0x3a: {  	(tm) =	ssettm $0x7FFFFFFF  }
0x3b: {  	_ =	shalt  }
tec
execute0_lowered:
.L_overlay_start_1:
0x0: {  	(tag) =	ssettag $0x1  }
0x1: {  	s0 =	srdreg.scid  }
0x2: {  	s1 =	sshll.u32 s0, $0x4  }
0x3: {  	s0 =	stileid.u32;
	s1 =	sand.u32 $0x10, s1  }
0x4: {  	s1 =	sor.u32 s0, s1  }
0x5: {  	s6 =	rddreg [dreg:$0x0];
	s4 =	simm.s32 $0x1;
	s2 =	sshll.u32 s1, $0x7  }
0x6: {  	s7 =	simm.s32 $0x2;
	s12 =	simm.s32 $0x0;
	s1 =	ssub.s32 $0x4000, s2  }
0x7: {  	s8 =	simm.s32 $0x20000;
	s13 =	simm.s32 $0x0;
	s3 =	sand.u32 $0xF80, s1  }
0x8: {  	s9 =	simm.s32 $0x0;
	s5 =	sshrl.u32 s1, $0xC;
	p0 =	sne.s32 s3, $0x0  }
.Ltmp0:
0x9: {  	s1 =	rddreg [dreg:$0x2];
	s4 =	simm.s32 @!p0 $0x0;
	(pc) =	sbr.rel .LBB1_1-.Ltmp0, $4  }
0xa: {  	s11 =	simm.s32 $0x0;
	s3 =	rddreg [dreg:$0x1];
	s5 =	sadd.s32 s4, s5  }
0xb: {  	_ =	strace $0x8000004D;
	s4 =	simm.s32 $0x1;
	s5 =	smul.u32 $0x14, s5  }
0xc: {  	s6 =	sadd.s32 $0xE00, s6;
	s10 =	smov.u32 s2;
	[sflag:s4] =	ssyncpa.u1 $0x0  }
0xd: {  	p0 =	por $0x0, $0x0;
	[sflag:s7] =	ssyncpa.u1 $0x0;
	s7 =	sor.u32 $0x1, s5  }
.LBB1_4:
0xe: {  	s16 =	sshll.u32 s13, $0x3;
	s17 =	sand.u32 $0x78, s13  }
0xf: {  	s30 =	sand.u32 $0xF800, s13;
	s12 =	sshll.u32 s12, $0x10;
	s16 =	sand.u32 $0x3C00, s16  }
0x10: {  	s31 =	sand.u32 $0x7, s13;
	s16 =	sor.u32 s17, s16;
	s17 =	sadd.s32 s3, s30  }
0x11: {  	s13 =	sshll.u32 s31, $0x12;
	s16 =	sshrl.u32 s16, $0x3;
	s12 =	sadd.s32 s12, s17  }
0x12: {  	[tilespmem:s15+$0x0 ss:$0x81] =	vst.msk $0xffff, v0;
	s13 =	sor.u32 $0x400, s13;
	s12 =	sadd.s32 s16, s12  }
0x13: {  	[hbm4b:s12+s13] =	stream.strided.scatter [tilespmem:s14], [sflag:$0x2], $0x1000, s8, s13, $0x20;
	[tilespmem:$0x4040] =	vst v63  }
.LBB1_5:
0x14: {  	s14 =	sadd.s32 $0x1, s9  }
0x15: {  	s12 =	sadd.s32 $0x1000, s10;
	s16 =	smov.u32 s10;
	p2 =	sgt.s32 s14, $0x13  }
0x16: {  	s16 =	smov.u32 @p2 s12  }
0x17: {  	s14 =	simm.s32 @p2 $0x0;
	p2 =	sgt.s32 s16, $0x3FFF  }
0x18: {  	s16 =	smov.u32 @p2 s2;
	p2 =	sne.s32 s11, s7  }
.Ltmp1:
0x19: {  	p1 =	slt.u32 s11, $0x2;
	(pc) =	sbr.rel @!p2 .LBB1_6-.Ltmp1, $4  }
0x1a: {  	s15 =	simm.s32 @!p1 $0x2  }
0x1b: {  	s13 =	smov.u32 s10;
	p0 =	por !p0, !p0;
	_ =	swait.ge @!p1 [sflag:s15], $0x1000  }
0x1c: {  	s12 =	smov.u32 s9;
	[sflag:s15] =	ssyncset.done @!p1 $0x0;
	s9 =	smov.u32 s14  }
0x1d: {  	s11 =	sadd.s32 $0x1, s11;
	[sflag:s15] =	ssyncadd.s32 @!p1 $0xFFFFF000;
	s10 =	smov.u32 s16  }
.LBB1_1:
0x1e: {  	p1 =	sge.u32 s11, s5  }
0x1f: {  	s14 =	sand.u32 @!p1 $0x1FFFFFF, s9  }
0x20: {  	s15 =	smulhi.u32 @!p1 $0xAAAAAAB, s14;
	_ =	sdelay $0x1  }
0x21: {  	s15 =	smul.u32 @!p1 $0x18, s15  }
0x22: {  	s16 =	sxor.u32 @!p1 $0xFFFFFFFF, s11;
	s17 =	smul.u32 @!p1 $0x180, s10  }
0x23: {  	s31 =	sadd.s32 $0xFFFFFFFF, s11;
	s16 =	sshll.u32 @!p1 s16, $0xC;
	s14 =	ssub.s32 @!p1 s14, s15  }
0x24: {  	s15 =	sand.u32 @!p1 $0x1000, s16;
	s16 =	sadd.s32 @!p1 s6, s17;
	s14 =	sshll.u32 @!p1 s14, $0x4  }
0x25: {  	s17 =	simm.s32 @!p1 $0xC00;
	s14 =	sadd.s32 @!p1 s14, s16;
	s16 =	simm.s32 @!p1 $0x20  }
0x26: {  	[tilespmem:s15], [sflag:$0x1] =	stream.strided.gather @!p1 [hbm4b:s14+s16], $0x1000, s17, s16, $0x38;
	[tilespmem:$0x4040] =	vst v63  }
0x27: {  	p1 =	sge.u32 s31, s5  }
.Ltmp2:
0x28: {  	_ = 	snop;
	(pc) =	sbr.rel @p1 .LBB1_5-.Ltmp2, $1  }
0x29: {  	_ =	sdelay $0x3  }
0x2a: {  	s14 =	simm.s32 $0x1  }
0x2b: {  	_ =	swait.ge [sflag:s4], $0x1000;
	s14 =	simm.s32 @!p0 $0x0  }
0x2c: {  	[sflag:s4] =	ssyncset.done $0x0;
	s15 =	sshll.u32 s14, $0xC  }
0x2d: {  	[sflag:s4] =	ssyncadd.s32 $0xFFFFF000;
	s18 =	sor.u32 $0x10, s15  }
0x2e: {  	s14 =	smul.u32 $0x4080, s14;
	v1 =	vld [tilespmem:s18+$0x0]  }
0x2f: {  	s30 =	sand.u32 $0x1, s11;
	v0 =	vld [tilespmem:s18+$0xFFFFFFF0]  }
0x30: {  	s15 =	smul.u32 $0x4080, s30;
	s14 =	sshrl.u32 s14, $0x2  }
0x31: {  	s16 =	sor.u32 $0x2000, s14  }
0x32: {  	s31 =	sshrl.u32 s15, $0x2;
	s15 =	sadd.s32 $0x0, s16  }
0x33: {  	s17 =	simm.s32 $0x4;
	s18 =	sadd.s32 $0x20, s18;
	s14 =	sor.u32 $0x2000, s31;
	[tilespmem:s15+$0x810 ss:$0x81] =	vst.msk $0xffff, v1  }
.LBB1_3:
0x34: {  	v1 =	vld [tilespmem:s18+$0x0];
	p1 =	sne.s32 s17, $0x1FC;
	[tilespmem:s15+$0x0 ss:$0x81] =	vst.msk $0xffff, v0;
	s15 =	smov.u32 s17;
	s17 =	sadd.s32 $0x4, s17  }
.Ltmp3:
0x35: {  	v0 =	vld [tilespmem:s18+$0xFFFFFFF0];
	(pc) =	sbr.rel @p1 .LBB1_3-.Ltmp3, $4  }
0x36: {  	_ = 	snop  }
0x37: {  	s15 =	sshra.s32 s15, $0x2  }
0x38: {  	s15 =	sadd.s32 s15, s16  }
0x39: {  	s18 =	sadd.s32 $0x20, s18;
	[tilespmem:s15+$0x810 ss:$0x81] =	vst.msk $0xffff, v1  }
.Ltmp4:
0x3a: {  	_ = 	snop;
	(pc) =	sbr.rel .LBB1_4-.Ltmp4, $1  }
0x3b: {  	_ =	sdelay $0x3  }
.LBB1_6:
0x3c: {  	_ =	sfence.sel $0x180000  }
0x3d: {  	s2 =	simm.s32 $0x1;
	[bflag:$0x0] =	sbarrier.arrive $0xFFFF  }
0x3e: {  	s31 =	simm.s32 $0x2;
	[sflag:s2] =	ssyncpa.u1 $0x1  }
0x3f: {  	[sflag:s31] =	ssyncpa.u1 $0x1  }
0x40: {  	p0 =	sne.s32 s0, $0x0;
	_ =	strace $0x9000004D  }
0x41: {  	s0 =	sadd.s32 @!p0 $0x100000, s1;
	[bflag:$0x2] =	sbarrier.arrive $0xFFFF  }
0x42: {  	[sflag:s0] =	ssyncadd.tile.s32 @!p0 $0x1;
	_ =	shalt  }
.Lfunc_end1:
_tile_overlayer_lowered:
.L_overlay_start_2:
0x43: {  	(tag) =	ssettag $0x2  }
0x44: {  	s0 =	rddreg [dreg:$0x0];
	s2 =	stileid.u32  }
0x45: {  	s1 =	rddreg [dreg:$0x1];
	p0 =	sne.s32 s2, $0x0  }
0x46: {  	s3 =	rddreg [dreg:$0x2];
	[bflag:$0x3] =	sbarrier.arrive $0xFFFF;
	s2 =	simm.s32 @!p0 $0x1C01  }
0x47: {  	[timem:s3], [sflag:s2] =	dma.local @!p0 [hbm:s0], s1  }
0x48: {  	s0 =	simm.s32 @!p0 $0x1  }
0x49: {  	_ =	swait.ge @!p0 [sflag:s0], s1  }
0x4a: {  	s1 =	ssub.s32 @!p0 $0x0, s1;
	[sflag:s0] =	ssyncset.done @!p0 $0x0  }
0x4b: {  	[sflag:s0] =	ssyncadd.s32 @!p0 s1  }
0x4c: {  	[bflag:$0x3] =	sbarrier.arrive $0xFFFF  }
0x4d: {  	_ =	shalt  }

</sc_bundles>
